<compile_context>
chip_gen: v7x
topology: tpu7x:2x2x1
jax: 0.10.2.dev20260603
libtpu: 0.0.44.dev20260713+nightly
codegen_flags: <defaults>
</compile_context>

<pallas_src>
import functools

import jax
import jax.numpy as jnp
from jax import lax
from jax.experimental import pallas as pl
from jax.experimental.pallas import tpu as pltpu
from jax.experimental.pallas import tpu_sc as plsc

N = 50000
E = 800000
N_FEATS = 100
HIDDEN = 72
N_LABELS = 19

NC = 2
NS = 16
CH = 64
ZCH = 49

NP = 50176
EP = 802816
ER = EP // CH
STRIPE = NP // NS

W1 = 40
W2 = 24

BM = 512
GRID = NP // BM



def _sc_segsum_kernel(width, chunks_per_tile, edge_split, dual_table):
    mesh = plsc.VectorSubcoreMesh(core_axis_name="c", subcore_axis_name="s",
                                  num_cores=NC, num_subcores=NS)
    n_tab = 2 if dual_table else 1

    def body(*refs):
        tabs = refs[:n_tab]
        src_hbm, dst_hbm, zrows = refs[n_tab:n_tab + 3]
        out_hbm = refs[n_tab + 3]
        sidxb, didxb, rows, stage, sentv, accum = refs[n_tab + 4:n_tab + 10]

        cid = lax.axis_index("c")
        sid = lax.axis_index("s")

        pltpu.sync_copy(zrows, stage)

        def zero_step(k, _):
            pltpu.sync_copy(stage,
                            accum.at[pl.ds(sid * STRIPE + k * ZCH, ZCH)])
            return 0

        lax.fori_loop(0, STRIPE // ZCH, zero_step, 0)

        if edge_split:
            row0 = cid * (ER // NC) + sid * chunks_per_tile
        else:
            row0 = sid * chunks_per_tile

        plsc.subcore_barrier()

        seg = chunks_per_tile // 98
        for s in range(seg):
            def chunk_step(g, _, s=s):
                r = row0 + s * 98 + g
                pltpu.sync_copy(src_hbm.at[r], sidxb)
                pltpu.sync_copy(dst_hbm.at[r], didxb)
                if dual_table:
                    @pl.when(cid == 0)
                    def _():
                        pltpu.sync_copy(tabs[0].at[sidxb], rows)

                    @pl.when(cid == 1)
                    def _():
                        pltpu.sync_copy(tabs[1].at[sidxb], rows)
                else:
                    pltpu.sync_copy(tabs[0].at[sidxb], rows)
                pltpu.sync_copy(rows, accum.at[didxb], add=True)
                return 0

            lax.fori_loop(0, 98, chunk_step, 0)

        sent = NP - 64 + sid

        one_starts = sorted(set(list(range(0, width - 15, 16))
                                + [width - 16]))

        def fill_ones(j, _):
            for st in one_starts:
                rows[j, pl.ds(st, 16)] = jnp.full((16,), 1.0, jnp.float32)
            return 0

        lax.fori_loop(0, CH, fill_ones, 0)

        def fill_idx(k, _):
            didxb[pl.ds(k * 16, 16)] = jnp.full((16,), 1, jnp.int32) * sent
            return 0

        lax.fori_loop(0, CH // 16, fill_idx, 0)
        pltpu.sync_copy(rows, accum.at[didxb], add=True)

        def poll_body(k, done):
            @pl.when(done == 0)
            def _():
                pltpu.sync_copy(accum.at[pl.ds(sent, 1)], sentv)

            v = jnp.max(sentv[0, pl.ds(0, 16)])
            return jnp.where(v >= float(CH) - 0.5, 1, done)

        lax.fori_loop(0, 256, poll_body, 0)
        plsc.subcore_barrier()

        def out_step(k, _):
            pltpu.sync_copy(accum.at[pl.ds(sid * STRIPE + k * ZCH, ZCH)],
                            stage)
            pltpu.sync_copy(stage,
                            out_hbm.at[cid, pl.ds(sid * STRIPE + k * ZCH,
                                                  ZCH)])
            return 0

        lax.fori_loop(0, STRIPE // ZCH, out_step, 0)

    return pl.kernel(
        body,
        out_type=jax.ShapeDtypeStruct((NC, NP, width), jnp.float32),
        mesh=mesh,
        scratch_types=[
            pltpu.VMEM((CH,), jnp.int32),
            pltpu.VMEM((CH,), jnp.int32),
            pltpu.VMEM((CH, width), jnp.float32),
            pltpu.VMEM((ZCH, width), jnp.float32),
            pltpu.VMEM((1, width), jnp.float32),
            pltpu.VMEM_SHARED((NP, width), jnp.float32),
        ],
        compiler_params=pltpu.CompilerParams(use_tc_tiling_on_sc=False,
                                            needs_layout_passes=False),
    )


@functools.lru_cache(maxsize=None)
def _get_sc_kernels():
    l1 = _sc_segsum_kernel(W1, EP // (NS * CH), edge_split=False,
                           dual_table=True)
    l2 = _sc_segsum_kernel(W2, EP // (NC * NS * CH), edge_split=True,
                           dual_table=False)
    return l1, l2



def _mm1_body(x_ref, w_ref, bias_ref, t0_ref, t1_ref, b_ref, c_ref):
    i = pl.program_id(0)
    y = jnp.dot(x_ref[...], w_ref[...],
                preferred_element_type=jnp.float32) + bias_ref[...]
    row = i * BM + lax.broadcasted_iota(jnp.int32, (BM, 1), 0)
    mask = row < N
    t0_ref[...] = jnp.where(mask, y[:, 0:W1], 0.0)
    t1_ref[...] = jnp.where(mask, y[:, W1:2 * W1], 0.0)
    b_ref[...] = y[:, 80:152]
    c_ref[...] = y[:, 152:224]


def _mm1(xp, wc, bias):
    return pl.pallas_call(
        _mm1_body,
        grid=(GRID,),
        in_specs=[
            pl.BlockSpec((BM, 128), lambda i: (i, 0)),
            pl.BlockSpec((128, 224), lambda i: (0, 0)),
            pl.BlockSpec((1, 224), lambda i: (0, 0)),
        ],
        out_specs=[
            pl.BlockSpec((BM, W1), lambda i: (i, 0)),
            pl.BlockSpec((BM, W1), lambda i: (i, 0)),
            pl.BlockSpec((BM, HIDDEN), lambda i: (i, 0)),
            pl.BlockSpec((BM, HIDDEN), lambda i: (i, 0)),
        ],
        out_shape=[
            jax.ShapeDtypeStruct((NP, W1), jnp.float32),
            jax.ShapeDtypeStruct((NP, W1), jnp.float32),
            jax.ShapeDtypeStruct((NP, HIDDEN), jnp.float32),
            jax.ShapeDtypeStruct((NP, HIDDEN), jnp.float32),
        ],
    )(xp, wc, bias)


def _mm2_body(s_ref, b_ref, c_ref, w_ref, bias_ref, t2_ref, f2_ref):
    i = pl.program_id(0)
    s0 = s_ref[0]
    s1 = s_ref[1]
    seg = jnp.concatenate([s0[:, 0:36], s1[:, 0:36]], axis=1)
    deg = s1[:, 36:37]
    pre = seg + c_ref[...] - deg * b_ref[...]
    h = jnp.where(pre > 0, pre, jnp.exp(jnp.minimum(pre, 0.0)) - 1.0)
    y = jnp.dot(h, w_ref[...],
                preferred_element_type=jnp.float32) + bias_ref[...]
    row = i * BM + lax.broadcasted_iota(jnp.int32, (BM, 1), 0)
    mask = row < N
    t2_ref[...] = jnp.where(mask, y[:, 0:W2], 0.0)
    f2_ref[...] = y[:, 2 * W2:3 * W2] - deg * y[:, W2:2 * W2]


def _mm2(s1out, b1o, c1o, w2c, bias2):
    return pl.pallas_call(
        _mm2_body,
        grid=(GRID,),
        in_specs=[
            pl.BlockSpec((NC, BM, W1), lambda i: (0, i, 0)),
            pl.BlockSpec((BM, HIDDEN), lambda i: (i, 0)),
            pl.BlockSpec((BM, HIDDEN), lambda i: (i, 0)),
            pl.BlockSpec((HIDDEN, 3 * W2), lambda i: (0, 0)),
            pl.BlockSpec((1, 3 * W2), lambda i: (0, 0)),
        ],
        out_specs=[
            pl.BlockSpec((BM, W2), lambda i: (i, 0)),
            pl.BlockSpec((BM, W2), lambda i: (i, 0)),
        ],
        out_shape=[
            jax.ShapeDtypeStruct((NP, W2), jnp.float32),
            jax.ShapeDtypeStruct((NP, W2), jnp.float32),
        ],
    )(s1out, b1o, c1o, w2c, bias2)


def _final_body(s_ref, f2_ref, o_ref):
    z = s_ref[0] + s_ref[1] + f2_ref[...]
    col = lax.broadcasted_iota(jnp.int32, (BM, W2), 1)
    valid = col < N_LABELS
    zm = jnp.where(valid, z, -jnp.inf)
    m = jnp.max(zm, axis=1, keepdims=True)
    e = jnp.where(valid, jnp.exp(z - m), 0.0)
    lse = m + jnp.log(jnp.sum(e, axis=1, keepdims=True))
    o_ref[...] = (z - lse)[:, 0:N_LABELS]


def _final(s2out, f2):
    return pl.pallas_call(
        _final_body,
        grid=(GRID,),
        in_specs=[
            pl.BlockSpec((NC, BM, W2), lambda i: (0, i, 0)),
            pl.BlockSpec((BM, W2), lambda i: (i, 0)),
        ],
        out_specs=pl.BlockSpec((BM, N_LABELS), lambda i: (i, 0)),
        out_shape=jax.ShapeDtypeStruct((NP, N_LABELS), jnp.float32),
    )(s2out, f2)



def kernel(x, edge_index, w1_1, b1_1, w2_1, w3_1, b3_1,
           w1_2, b1_2, w2_2, w3_2, b3_2):
    f32 = jnp.float32

    xp = jnp.zeros((NP, 128), f32).at[:N, :N_FEATS].set(x.astype(f32))

    ei = edge_index.astype(jnp.int32)
    pad = jnp.full((2, EP - E), N, jnp.int32)
    eip = jnp.concatenate([ei, pad], axis=1)
    src2d = eip[0].reshape(ER, CH)
    dst2d = eip[1].reshape(ER, CH)

    wc1 = jnp.zeros((128, 224), f32)
    wc1 = wc1.at[:N_FEATS, 0:36].set(w1_1[:, 0:36])
    wc1 = wc1.at[:N_FEATS, 40:76].set(w1_1[:, 36:72])
    wc1 = wc1.at[:N_FEATS, 80:152].set(w2_1)
    wc1 = wc1.at[:N_FEATS, 152:224].set(w3_1)
    bias1 = jnp.zeros((1, 224), f32)
    bias1 = bias1.at[0, 0:36].set(b1_1[0:36])
    bias1 = bias1.at[0, 40:76].set(b1_1[36:72])
    bias1 = bias1.at[0, 76].set(1.0)
    bias1 = bias1.at[0, 152:224].set(b3_1)

    wc2 = jnp.zeros((HIDDEN, 3 * W2), f32)
    wc2 = wc2.at[:, 0:19].set(w1_2)
    wc2 = wc2.at[:, W2:W2 + 19].set(w2_2)
    wc2 = wc2.at[:, 2 * W2:2 * W2 + 19].set(w3_2)
    bias2 = jnp.zeros((1, 3 * W2), f32)
    bias2 = bias2.at[0, 0:19].set(b1_2)
    bias2 = bias2.at[0, 2 * W2:2 * W2 + 19].set(b3_2)

    z1 = jnp.zeros((ZCH, W1), f32)
    z2 = jnp.zeros((ZCH, W2), f32)

    sc_layer1, sc_layer2 = _get_sc_kernels()

    t0, t1, b1o, c1o = _mm1(xp, wc1, bias1)
    s1out = sc_layer1(t0, t1, src2d, dst2d, z1)
    t2, f2 = _mm2(s1out, b1o, c1o, wc2, bias2)

    s2out = sc_layer2(t2, src2d, dst2d, z2)
    out = _final(s2out, f2)

    return out[:N]

# --- scband reference (transcript-rebuilt; emitter-appended) ---
"""Pipeline reference for scband-pyg-legcn-31104153158266 (READ-ONLY COPY).

The authoritative reference and input builder live on the scoring server;
editing this copy changes nothing except your own understanding.
"""

import jax, jax.numpy as jnp
import numpy as np

N = 50000
E = 800000
N_FEATS = 100
HIDDEN = 72
N_LABELS = 19


def setup_inputs(seed: int = 0) -> dict:
    key = jax.random.key(seed)
    ks = jax.random.split(key, 12)
    x = jax.random.normal(ks[0], (N, N_FEATS), dtype=jnp.float32)
    edge_index = jax.random.randint(ks[1], (2, E), 0, N, dtype=jnp.int64)
    def glorot(k, fan_in, fan_out):
        lim = np.sqrt(6.0 / (fan_in + fan_out))
        return jax.random.uniform(k, (fan_in, fan_out), dtype=jnp.float32, minval=-lim, maxval=lim)
    # Layer 1: LEConv(100, 72) -> lin1 (bias), lin2 (no bias), lin3 (bias)
    w1_1 = glorot(ks[2], N_FEATS, HIDDEN)
    b1_1 = jnp.zeros((HIDDEN,), dtype=jnp.float32)
    w2_1 = glorot(ks[3], N_FEATS, HIDDEN)
    w3_1 = glorot(ks[4], N_FEATS, HIDDEN)
    b3_1 = jnp.zeros((HIDDEN,), dtype=jnp.float32)
    # Layer 2: LEConv(72, 19)
    w1_2 = glorot(ks[5], HIDDEN, N_LABELS)
    b1_2 = jnp.zeros((N_LABELS,), dtype=jnp.float32)
    w2_2 = glorot(ks[6], HIDDEN, N_LABELS)
    w3_2 = glorot(ks[7], HIDDEN, N_LABELS)
    b3_2 = jnp.zeros((N_LABELS,), dtype=jnp.float32)
    return {
        'x': x, 'edge_index': edge_index,
        'w1_1': w1_1, 'b1_1': b1_1, 'w2_1': w2_1, 'w3_1': w3_1, 'b3_1': b3_1,
        'w1_2': w1_2, 'b1_2': b1_2, 'w2_2': w2_2, 'w3_2': w3_2, 'b3_2': b3_2,
    }


def _leconv(x, edge_index, w1, b1, w2, w3, b3):
    # PyG LEConv: out_i = lin3(x_i) + sum_{j in N(i)} (lin1(x_j) - lin2(x_i))
    src = edge_index[0]
    dst = edge_index[1]
    a = x @ w1 + b1          # lin1 (bias)
    b = x @ w2               # lin2 (no bias)
    msg = jnp.take(a, src, axis=0) - jnp.take(b, dst, axis=0)
    agg = jax.ops.segment_sum(msg, dst, num_segments=x.shape[0])
    return agg + (x @ w3 + b3)  # lin3 (bias)


def reference(x, edge_index, w1_1, b1_1, w2_1, w3_1, b3_1, w1_2, b1_2, w2_2, w3_2, b3_2):
    h = _leconv(x, edge_index, w1_1, b1_1, w2_1, w3_1, b3_1)
    h = jax.nn.elu(h)
    h = _leconv(h, edge_index, w1_2, b1_2, w2_2, w3_2, b3_2)
    return jax.nn.log_softmax(h, axis=1)

if __name__ == "__main__":
    import jax
    _d = setup_inputs()
    print(jax.jit(kernel)(*tuple(_d.values())))

</pallas_src>

<mosaic_0001>
#map = affine_map<(d0, d1) -> (0, 0)>
#map1 = affine_map<(d0, d1) -> (0, 0, 0)>
module attributes {stable_mosaic.version = 14 : i64} {
  func.func @body(%arg0: i32, %arg1: i32, %arg2: memref<50176x24xf32, #tpu.memory_space<hbm>>, %arg3: memref<12544x64xi32, #tpu.memory_space<hbm>>, %arg4: memref<12544x64xi32, #tpu.memory_space<hbm>>, %arg5: memref<49x24xf32, #tpu.memory_space<hbm>>, %arg6: memref<2x50176x24xf32, #tpu.memory_space<hbm>>, %arg7: memref<64xi32, #tpu.memory_space<vmem>>, %arg8: memref<64xi32, #tpu.memory_space<vmem>>, %arg9: memref<64x24xf32, #tpu.memory_space<vmem>>, %arg10: memref<49x24xf32, #tpu.memory_space<vmem>>, %arg11: memref<1x24xf32, #tpu.memory_space<vmem>>, %arg12: memref<50176x24xf32, #tpu.memory_space<vmem_shared>>) attributes {dimension_semantics = [#tpu.dimension_semantics<core_parallel>, #tpu.dimension_semantics<subcore_parallel>], iteration_bounds = array<i64: 2, 16>, scalar_prefetch = 0 : i64, scratch_operands = 6 : i64, tpu.core_type = #tpu.core_type<sc_vector_subcore>, window_params = [{transform_indices = #map}, {transform_indices = #map}, {transform_indices = #map}, {transform_indices = #map}, {transform_indices = #map1}]} {
    "tpu.region"() ({
      %run_scoped3A = tpu.sem_alloc : memref<!tpu.dma_semaphore, #tpu.memory_space<semaphore_mem>>
      tpu.enqueue_dma source(%arg5 : memref<49x24xf32, #tpu.memory_space<hbm>>) target(%arg10 : memref<49x24xf32, #tpu.memory_space<vmem>>) target_semaphore(%run_scoped3A : memref<!tpu.dma_semaphore, #tpu.memory_space<semaphore_mem>>)
      tpu.wait_dma2 semaphore(%run_scoped3A : memref<!tpu.dma_semaphore, #tpu.memory_space<semaphore_mem>>) src(%arg5 : memref<49x24xf32, #tpu.memory_space<hbm>>) dst(%arg10 : memref<49x24xf32, #tpu.memory_space<vmem>>)
      tpu.yield
    }) : () -> ()
    %scan3A = arith.constant 0 : i32
    %scan3A_0 = arith.constant 0 : i32
    %scan3A_1 = arith.constant 64 : i32
    %scan3A_2 = arith.addi %scan3A_0, %scan3A_1 : i32
    %scan3A_3 = arith.constant 1 : i32
    %scan3A_4 = scf.for %scan3A_68 = %scan3A_0 to %scan3A_2 step %scan3A_3 iter_args(%scan3A_69 = %scan3A) -> (i32)  : i32 {
      %mul3A_70 = arith.constant 3136 : i32
      %mul3A_71 = arith.muli %arg1, %mul3A_70 : i32
      %mul3A_72 = arith.constant 49 : i32
      %mul3A_73 = arith.muli %scan3A_68, %mul3A_72 : i32
      %add3A_74 = arith.addi %mul3A_71, %mul3A_73 : i32
      "tpu.region"() ({
        %run_scoped3A = tpu.sem_alloc : memref<!tpu.dma_semaphore, #tpu.memory_space<semaphore_mem>>
        %dma_start3A = arith.constant 0 : i32
        %dma_start3A_76 = tpu.memref_slice %arg12[%add3A_74, %dma_start3A] : memref<50176x24xf32, #tpu.memory_space<vmem_shared>> -> memref<49x24xf32, #tpu.memory_space<vmem_shared>>
        %dma_start3A_77 = arith.constant 0 : i32
        %dma_start3A_78 = tpu.memref_slice %arg12[%add3A_74, %dma_start3A_77] : memref<50176x24xf32, #tpu.memory_space<vmem_shared>> -> memref<49x24xf32, #tpu.memory_space<vmem_shared>>
        tpu.enqueue_dma source(%arg10 : memref<49x24xf32, #tpu.memory_space<vmem>>) target(%dma_start3A_78 : memref<49x24xf32, #tpu.memory_space<vmem_shared>>) target_semaphore(%run_scoped3A : memref<!tpu.dma_semaphore, #tpu.memory_space<semaphore_mem>>)
        %dma_wait3A = arith.constant 0 : i32
        %dma_wait3A_79 = tpu.memref_slice %arg12[%add3A_74, %dma_wait3A] : memref<50176x24xf32, #tpu.memory_space<vmem_shared>> -> memref<49x24xf32, #tpu.memory_space<vmem_shared>>
        %dma_wait3A_80 = arith.constant 0 : i32
        %dma_wait3A_81 = tpu.memref_slice %arg12[%add3A_74, %dma_wait3A_80] : memref<50176x24xf32, #tpu.memory_space<vmem_shared>> -> memref<49x24xf32, #tpu.memory_space<vmem_shared>>
        tpu.wait_dma2 semaphore(%run_scoped3A : memref<!tpu.dma_semaphore, #tpu.memory_space<semaphore_mem>>) src(%arg10 : memref<49x24xf32, #tpu.memory_space<vmem>>) dst(%dma_wait3A_81 : memref<49x24xf32, #tpu.memory_space<vmem_shared>>)
        tpu.yield
      }) : () -> ()
      %scan3A_75 = arith.constant 0 : i32
      scf.yield %scan3A_75 : i32
    }
    %scan3A_5 = arith.constant 64 : i32
    %mul3A = arith.constant 6272 : i32
    %mul3A_6 = arith.muli %arg0, %mul3A : i32
    %mul3A_7 = arith.constant 392 : i32
    %mul3A_8 = arith.muli %arg1, %mul3A_7 : i32
    %add3A = arith.addi %mul3A_6, %mul3A_8 : i32
    %barrier3A = arith.constant 0 : index
    tpu.barrier barrier_id(%barrier3A)
    %scan3A_9 = arith.constant 0 : i32
    %scan3A_10 = arith.constant 0 : i32
    %scan3A_11 = arith.constant 98 : i32
    %scan3A_12 = arith.addi %scan3A_10, %scan3A_11 : i32
    %scan3A_13 = arith.constant 1 : i32
    %scan3A_14 = scf.for %scan3A_68 = %scan3A_10 to %scan3A_12 step %scan3A_13 iter_args(%scan3A_69 = %scan3A_9) -> (i32)  : i32 {
      %add3A_70 = arith.constant 0 : i32
      %add3A_71 = arith.addi %add3A, %add3A_70 : i32
      %add3A_72 = arith.addi %add3A_71, %scan3A_68 : i32
      "tpu.region"() ({
        %run_scoped3A = tpu.sem_alloc : memref<!tpu.dma_semaphore, #tpu.memory_space<semaphore_mem>>
        %dma_start3A = arith.constant 0 : i32
        %dma_start3A_74 = tpu.memref_slice %arg3[%add3A_72, %dma_start3A] : memref<12544x64xi32, #tpu.memory_space<hbm>> -> memref<1x64xi32, #tpu.memory_space<hbm>>
        %dma_start3A_75 = tpu.memref_squeeze %dma_start3A_74 : memref<1x64xi32, #tpu.memory_space<hbm>> -> memref<64xi32, #tpu.memory_space<hbm>>
        %dma_start3A_76 = arith.constant 0 : i32
        %dma_start3A_77 = tpu.memref_slice %arg3[%add3A_72, %dma_start3A_76] : memref<12544x64xi32, #tpu.memory_space<hbm>> -> memref<1x64xi32, #tpu.memory_space<hbm>>
        %dma_start3A_78 = tpu.memref_squeeze %dma_start3A_77 : memref<1x64xi32, #tpu.memory_space<hbm>> -> memref<64xi32, #tpu.memory_space<hbm>>
        tpu.enqueue_dma source(%dma_start3A_78 : memref<64xi32, #tpu.memory_space<hbm>>) target(%arg7 : memref<64xi32, #tpu.memory_space<vmem>>) target_semaphore(%run_scoped3A : memref<!tpu.dma_semaphore, #tpu.memory_space<semaphore_mem>>)
        %dma_wait3A = arith.constant 0 : i32
        %dma_wait3A_79 = tpu.memref_slice %arg3[%add3A_72, %dma_wait3A] : memref<12544x64xi32, #tpu.memory_space<hbm>> -> memref<1x64xi32, #tpu.memory_space<hbm>>
        %dma_wait3A_80 = tpu.memref_squeeze %dma_wait3A_79 : memref<1x64xi32, #tpu.memory_space<hbm>> -> memref<64xi32, #tpu.memory_space<hbm>>
        %dma_wait3A_81 = arith.constant 0 : i32
        %dma_wait3A_82 = tpu.memref_slice %arg3[%add3A_72, %dma_wait3A_81] : memref<12544x64xi32, #tpu.memory_space<hbm>> -> memref<1x64xi32, #tpu.memory_space<hbm>>
        %dma_wait3A_83 = tpu.memref_squeeze %dma_wait3A_82 : memref<1x64xi32, #tpu.memory_space<hbm>> -> memref<64xi32, #tpu.memory_space<hbm>>
        tpu.wait_dma2 semaphore(%run_scoped3A : memref<!tpu.dma_semaphore, #tpu.memory_space<semaphore_mem>>) src(%dma_wait3A_83 : memref<64xi32, #tpu.memory_space<hbm>>) dst(%arg7 : memref<64xi32, #tpu.memory_space<vmem>>)
        tpu.yield
      }) : () -> ()
      "tpu.region"() ({
        %run_scoped3A = tpu.sem_alloc : memref<!tpu.dma_semaphore, #tpu.memory_space<semaphore_mem>>
        %dma_start3A = arith.constant 0 : i32
        %dma_start3A_74 = tpu.memref_slice %arg4[%add3A_72, %dma_start3A] : memref<12544x64xi32, #tpu.memory_space<hbm>> -> memref<1x64xi32, #tpu.memory_space<hbm>>
        %dma_start3A_75 = tpu.memref_squeeze %dma_start3A_74 : memref<1x64xi32, #tpu.memory_space<hbm>> -> memref<64xi32, #tpu.memory_space<hbm>>
        %dma_start3A_76 = arith.constant 0 : i32
        %dma_start3A_77 = tpu.memref_slice %arg4[%add3A_72, %dma_start3A_76] : memref<12544x64xi32, #tpu.memory_space<hbm>> -> memref<1x64xi32, #tpu.memory_space<hbm>>
        %dma_start3A_78 = tpu.memref_squeeze %dma_start3A_77 : memref<1x64xi32, #tpu.memory_space<hbm>> -> memref<64xi32, #tpu.memory_space<hbm>>
        tpu.enqueue_dma source(%dma_start3A_78 : memref<64xi32, #tpu.memory_space<hbm>>) target(%arg8 : memref<64xi32, #tpu.memory_space<vmem>>) target_semaphore(%run_scoped3A : memref<!tpu.dma_semaphore, #tpu.memory_space<semaphore_mem>>)
        %dma_wait3A = arith.constant 0 : i32
        %dma_wait3A_79 = tpu.memref_slice %arg4[%add3A_72, %dma_wait3A] : memref<12544x64xi32, #tpu.memory_space<hbm>> -> memref<1x64xi32, #tpu.memory_space<hbm>>
        %dma_wait3A_80 = tpu.memref_squeeze %dma_wait3A_79 : memref<1x64xi32, #tpu.memory_space<hbm>> -> memref<64xi32, #tpu.memory_space<hbm>>
        %dma_wait3A_81 = arith.constant 0 : i32
        %dma_wait3A_82 = tpu.memref_slice %arg4[%add3A_72, %dma_wait3A_81] : memref<12544x64xi32, #tpu.memory_space<hbm>> -> memref<1x64xi32, #tpu.memory_space<hbm>>
        %dma_wait3A_83 = tpu.memref_squeeze %dma_wait3A_82 : memref<1x64xi32, #tpu.memory_space<hbm>> -> memref<64xi32, #tpu.memory_space<hbm>>
        tpu.wait_dma2 semaphore(%run_scoped3A : memref<!tpu.dma_semaphore, #tpu.memory_space<semaphore_mem>>) src(%dma_wait3A_83 : memref<64xi32, #tpu.memory_space<hbm>>) dst(%arg8 : memref<64xi32, #tpu.memory_space<vmem>>)
        tpu.yield
      }) : () -> ()
      "tpu.region"() ({
        %run_scoped3A = tpu.sem_alloc : memref<!tpu.dma_semaphore, #tpu.memory_space<semaphore_mem>>
        %dma_start3A = arith.constant 0 : i32
        %dma_start3A_74 = arith.constant 0 : i32
        %dma_start3A_75 = tpu.memref_slice %arg2[%dma_start3A, %dma_start3A_74] : memref<50176x24xf32, #tpu.memory_space<hbm>> -> memref<50176x24xf32, #tpu.memory_space<hbm>>
        tpu.enqueue_indirect_dma source(%dma_start3A_75 : memref<50176x24xf32, #tpu.memory_space<hbm>>) target(%arg9 : memref<64x24xf32, #tpu.memory_space<vmem>>) offsets(%arg7 : memref<64xi32, #tpu.memory_space<vmem>>) semaphore(%run_scoped3A : memref<!tpu.dma_semaphore, #tpu.memory_space<semaphore_mem>>)
        %dma_wait3A = arith.constant 0 : i32
        %dma_wait3A_76 = arith.constant 0 : i32
        %dma_wait3A_77 = tpu.memref_slice %arg2[%dma_wait3A, %dma_wait3A_76] : memref<50176x24xf32, #tpu.memory_space<hbm>> -> memref<50176x24xf32, #tpu.memory_space<hbm>>
        tpu.wait_indirect_dma semaphore(%run_scoped3A : memref<!tpu.dma_semaphore, #tpu.memory_space<semaphore_mem>>) src(%dma_wait3A_77 : memref<50176x24xf32, #tpu.memory_space<hbm>>) dst(%arg9 : memref<64x24xf32, #tpu.memory_space<vmem>>)
        tpu.yield
      }) : () -> ()
      "tpu.region"() ({
        %run_scoped3A = tpu.sem_alloc : memref<!tpu.dma_semaphore, #tpu.memory_space<semaphore_mem>>
        %dma_start3A = arith.constant 0 : i32
        %dma_start3A_74 = arith.constant 0 : i32
        %dma_start3A_75 = tpu.memref_slice %arg12[%dma_start3A, %dma_start3A_74] : memref<50176x24xf32, #tpu.memory_space<vmem_shared>> -> memref<50176x24xf32, #tpu.memory_space<vmem_shared>>
        tpu.enqueue_indirect_dma source(%arg9 : memref<64x24xf32, #tpu.memory_space<vmem>>) target(%dma_start3A_75 : memref<50176x24xf32, #tpu.memory_space<vmem_shared>>) offsets(%arg8 : memref<64xi32, #tpu.memory_space<vmem>>) semaphore(%run_scoped3A : memref<!tpu.dma_semaphore, #tpu.memory_space<semaphore_mem>>) {add = true}
        %dma_wait3A = arith.constant 0 : i32
        %dma_wait3A_76 = arith.constant 0 : i32
        %dma_wait3A_77 = tpu.memref_slice %arg12[%dma_wait3A, %dma_wait3A_76] : memref<50176x24xf32, #tpu.memory_space<vmem_shared>> -> memref<50176x24xf32, #tpu.memory_space<vmem_shared>>
        tpu.wait_indirect_dma semaphore(%run_scoped3A : memref<!tpu.dma_semaphore, #tpu.memory_space<semaphore_mem>>) src(%arg9 : memref<64x24xf32, #tpu.memory_space<vmem>>) dst(%dma_wait3A_77 : memref<50176x24xf32, #tpu.memory_space<vmem_shared>>)
        tpu.yield
      }) : () -> ()
      %scan3A_73 = arith.constant 0 : i32
      scf.yield %scan3A_73 : i32
    }
    %scan3A_15 = arith.constant 98 : i32
    %scan3A_16 = arith.constant 0 : i32
    %scan3A_17 = arith.constant 0 : i32
    %scan3A_18 = arith.constant 98 : i32
    %scan3A_19 = arith.addi %scan3A_17, %scan3A_18 : i32
    %scan3A_20 = arith.constant 1 : i32
    %scan3A_21 = scf.for %scan3A_68 = %scan3A_17 to %scan3A_19 step %scan3A_20 iter_args(%scan3A_69 = %scan3A_16) -> (i32)  : i32 {
      %add3A_70 = arith.constant 98 : i32
      %add3A_71 = arith.addi %add3A, %add3A_70 : i32
      %add3A_72 = arith.addi %add3A_71, %scan3A_68 : i32
      "tpu.region"() ({
        %run_scoped3A = tpu.sem_alloc : memref<!tpu.dma_semaphore, #tpu.memory_space<semaphore_mem>>
        %dma_start3A = arith.constant 0 : i32
        %dma_start3A_74 = tpu.memref_slice %arg3[%add3A_72, %dma_start3A] : memref<12544x64xi32, #tpu.memory_space<hbm>> -> memref<1x64xi32, #tpu.memory_space<hbm>>
        %dma_start3A_75 = tpu.memref_squeeze %dma_start3A_74 : memref<1x64xi32, #tpu.memory_space<hbm>> -> memref<64xi32, #tpu.memory_space<hbm>>
        %dma_start3A_76 = arith.constant 0 : i32
        %dma_start3A_77 = tpu.memref_slice %arg3[%add3A_72, %dma_start3A_76] : memref<12544x64xi32, #tpu.memory_space<hbm>> -> memref<1x64xi32, #tpu.memory_space<hbm>>
        %dma_start3A_78 = tpu.memref_squeeze %dma_start3A_77 : memref<1x64xi32, #tpu.memory_space<hbm>> -> memref<64xi32, #tpu.memory_space<hbm>>
        tpu.enqueue_dma source(%dma_start3A_78 : memref<64xi32, #tpu.memory_space<hbm>>) target(%arg7 : memref<64xi32, #tpu.memory_space<vmem>>) target_semaphore(%run_scoped3A : memref<!tpu.dma_semaphore, #tpu.memory_space<semaphore_mem>>)
        %dma_wait3A = arith.constant 0 : i32
        %dma_wait3A_79 = tpu.memref_slice %arg3[%add3A_72, %dma_wait3A] : memref<12544x64xi32, #tpu.memory_space<hbm>> -> memref<1x64xi32, #tpu.memory_space<hbm>>
        %dma_wait3A_80 = tpu.memref_squeeze %dma_wait3A_79 : memref<1x64xi32, #tpu.memory_space<hbm>> -> memref<64xi32, #tpu.memory_space<hbm>>
        %dma_wait3A_81 = arith.constant 0 : i32
        %dma_wait3A_82 = tpu.memref_slice %arg3[%add3A_72, %dma_wait3A_81] : memref<12544x64xi32, #tpu.memory_space<hbm>> -> memref<1x64xi32, #tpu.memory_space<hbm>>
        %dma_wait3A_83 = tpu.memref_squeeze %dma_wait3A_82 : memref<1x64xi32, #tpu.memory_space<hbm>> -> memref<64xi32, #tpu.memory_space<hbm>>
        tpu.wait_dma2 semaphore(%run_scoped3A : memref<!tpu.dma_semaphore, #tpu.memory_space<semaphore_mem>>) src(%dma_wait3A_83 : memref<64xi32, #tpu.memory_space<hbm>>) dst(%arg7 : memref<64xi32, #tpu.memory_space<vmem>>)
        tpu.yield
      }) : () -> ()
      "tpu.region"() ({
        %run_scoped3A = tpu.sem_alloc : memref<!tpu.dma_semaphore, #tpu.memory_space<semaphore_mem>>
        %dma_start3A = arith.constant 0 : i32
        %dma_start3A_74 = tpu.memref_slice %arg4[%add3A_72, %dma_start3A] : memref<12544x64xi32, #tpu.memory_space<hbm>> -> memref<1x64xi32, #tpu.memory_space<hbm>>
        %dma_start3A_75 = tpu.memref_squeeze %dma_start3A_74 : memref<1x64xi32, #tpu.memory_space<hbm>> -> memref<64xi32, #tpu.memory_space<hbm>>
        %dma_start3A_76 = arith.constant 0 : i32
        %dma_start3A_77 = tpu.memref_slice %arg4[%add3A_72, %dma_start3A_76] : memref<12544x64xi32, #tpu.memory_space<hbm>> -> memref<1x64xi32, #tpu.memory_space<hbm>>
        %dma_start3A_78 = tpu.memref_squeeze %dma_start3A_77 : memref<1x64xi32, #tpu.memory_space<hbm>> -> memref<64xi32, #tpu.memory_space<hbm>>
        tpu.enqueue_dma source(%dma_start3A_78 : memref<64xi32, #tpu.memory_space<hbm>>) target(%arg8 : memref<64xi32, #tpu.memory_space<vmem>>) target_semaphore(%run_scoped3A : memref<!tpu.dma_semaphore, #tpu.memory_space<semaphore_mem>>)
        %dma_wait3A = arith.constant 0 : i32
        %dma_wait3A_79 = tpu.memref_slice %arg4[%add3A_72, %dma_wait3A] : memref<12544x64xi32, #tpu.memory_space<hbm>> -> memref<1x64xi32, #tpu.memory_space<hbm>>
        %dma_wait3A_80 = tpu.memref_squeeze %dma_wait3A_79 : memref<1x64xi32, #tpu.memory_space<hbm>> -> memref<64xi32, #tpu.memory_space<hbm>>
        %dma_wait3A_81 = arith.constant 0 : i32
        %dma_wait3A_82 = tpu.memref_slice %arg4[%add3A_72, %dma_wait3A_81] : memref<12544x64xi32, #tpu.memory_space<hbm>> -> memref<1x64xi32, #tpu.memory_space<hbm>>
        %dma_wait3A_83 = tpu.memref_squeeze %dma_wait3A_82 : memref<1x64xi32, #tpu.memory_space<hbm>> -> memref<64xi32, #tpu.memory_space<hbm>>
        tpu.wait_dma2 semaphore(%run_scoped3A : memref<!tpu.dma_semaphore, #tpu.memory_space<semaphore_mem>>) src(%dma_wait3A_83 : memref<64xi32, #tpu.memory_space<hbm>>) dst(%arg8 : memref<64xi32, #tpu.memory_space<vmem>>)
        tpu.yield
      }) : () -> ()
      "tpu.region"() ({
        %run_scoped3A = tpu.sem_alloc : memref<!tpu.dma_semaphore, #tpu.memory_space<semaphore_mem>>
        %dma_start3A = arith.constant 0 : i32
        %dma_start3A_74 = arith.constant 0 : i32
        %dma_start3A_75 = tpu.memref_slice %arg2[%dma_start3A, %dma_start3A_74] : memref<50176x24xf32, #tpu.memory_space<hbm>> -> memref<50176x24xf32, #tpu.memory_space<hbm>>
        tpu.enqueue_indirect_dma source(%dma_start3A_75 : memref<50176x24xf32, #tpu.memory_space<hbm>>) target(%arg9 : memref<64x24xf32, #tpu.memory_space<vmem>>) offsets(%arg7 : memref<64xi32, #tpu.memory_space<vmem>>) semaphore(%run_scoped3A : memref<!tpu.dma_semaphore, #tpu.memory_space<semaphore_mem>>)
        %dma_wait3A = arith.constant 0 : i32
        %dma_wait3A_76 = arith.constant 0 : i32
        %dma_wait3A_77 = tpu.memref_slice %arg2[%dma_wait3A, %dma_wait3A_76] : memref<50176x24xf32, #tpu.memory_space<hbm>> -> memref<50176x24xf32, #tpu.memory_space<hbm>>
        tpu.wait_indirect_dma semaphore(%run_scoped3A : memref<!tpu.dma_semaphore, #tpu.memory_space<semaphore_mem>>) src(%dma_wait3A_77 : memref<50176x24xf32, #tpu.memory_space<hbm>>) dst(%arg9 : memref<64x24xf32, #tpu.memory_space<vmem>>)
        tpu.yield
      }) : () -> ()
      "tpu.region"() ({
        %run_scoped3A = tpu.sem_alloc : memref<!tpu.dma_semaphore, #tpu.memory_space<semaphore_mem>>
        %dma_start3A = arith.constant 0 : i32
        %dma_start3A_74 = arith.constant 0 : i32
        %dma_start3A_75 = tpu.memref_slice %arg12[%dma_start3A, %dma_start3A_74] : memref<50176x24xf32, #tpu.memory_space<vmem_shared>> -> memref<50176x24xf32, #tpu.memory_space<vmem_shared>>
        tpu.enqueue_indirect_dma source(%arg9 : memref<64x24xf32, #tpu.memory_space<vmem>>) target(%dma_start3A_75 : memref<50176x24xf32, #tpu.memory_space<vmem_shared>>) offsets(%arg8 : memref<64xi32, #tpu.memory_space<vmem>>) semaphore(%run_scoped3A : memref<!tpu.dma_semaphore, #tpu.memory_space<semaphore_mem>>) {add = true}
        %dma_wait3A = arith.constant 0 : i32
        %dma_wait3A_76 = arith.constant 0 : i32
        %dma_wait3A_77 = tpu.memref_slice %arg12[%dma_wait3A, %dma_wait3A_76] : memref<50176x24xf32, #tpu.memory_space<vmem_shared>> -> memref<50176x24xf32, #tpu.memory_space<vmem_shared>>
        tpu.wait_indirect_dma semaphore(%run_scoped3A : memref<!tpu.dma_semaphore, #tpu.memory_space<semaphore_mem>>) src(%arg9 : memref<64x24xf32, #tpu.memory_space<vmem>>) dst(%dma_wait3A_77 : memref<50176x24xf32, #tpu.memory_space<vmem_shared>>)
        tpu.yield
      }) : () -> ()
      %scan3A_73 = arith.constant 0 : i32
      scf.yield %scan3A_73 : i32
    }
    %scan3A_22 = arith.constant 98 : i32
    %scan3A_23 = arith.constant 0 : i32
    %scan3A_24 = arith.constant 0 : i32
    %scan3A_25 = arith.constant 98 : i32
    %scan3A_26 = arith.addi %scan3A_24, %scan3A_25 : i32
    %scan3A_27 = arith.constant 1 : i32
    %scan3A_28 = scf.for %scan3A_68 = %scan3A_24 to %scan3A_26 step %scan3A_27 iter_args(%scan3A_69 = %scan3A_23) -> (i32)  : i32 {
      %add3A_70 = arith.constant 196 : i32
      %add3A_71 = arith.addi %add3A, %add3A_70 : i32
      %add3A_72 = arith.addi %add3A_71, %scan3A_68 : i32
      "tpu.region"() ({
        %run_scoped3A = tpu.sem_alloc : memref<!tpu.dma_semaphore, #tpu.memory_space<semaphore_mem>>
        %dma_start3A = arith.constant 0 : i32
        %dma_start3A_74 = tpu.memref_slice %arg3[%add3A_72, %dma_start3A] : memref<12544x64xi32, #tpu.memory_space<hbm>> -> memref<1x64xi32, #tpu.memory_space<hbm>>
        %dma_start3A_75 = tpu.memref_squeeze %dma_start3A_74 : memref<1x64xi32, #tpu.memory_space<hbm>> -> memref<64xi32, #tpu.memory_space<hbm>>
        %dma_start3A_76 = arith.constant 0 : i32
        %dma_start3A_77 = tpu.memref_slice %arg3[%add3A_72, %dma_start3A_76] : memref<12544x64xi32, #tpu.memory_space<hbm>> -> memref<1x64xi32, #tpu.memory_space<hbm>>
        %dma_start3A_78 = tpu.memref_squeeze %dma_start3A_77 : memref<1x64xi32, #tpu.memory_space<hbm>> -> memref<64xi32, #tpu.memory_space<hbm>>
        tpu.enqueue_dma source(%dma_start3A_78 : memref<64xi32, #tpu.memory_space<hbm>>) target(%arg7 : memref<64xi32, #tpu.memory_space<vmem>>) target_semaphore(%run_scoped3A : memref<!tpu.dma_semaphore, #tpu.memory_space<semaphore_mem>>)
        %dma_wait3A = arith.constant 0 : i32
        %dma_wait3A_79 = tpu.memref_slice %arg3[%add3A_72, %dma_wait3A] : memref<12544x64xi32, #tpu.memory_space<hbm>> -> memref<1x64xi32, #tpu.memory_space<hbm>>
        %dma_wait3A_80 = tpu.memref_squeeze %dma_wait3A_79 : memref<1x64xi32, #tpu.memory_space<hbm>> -> memref<64xi32, #tpu.memory_space<hbm>>
        %dma_wait3A_81 = arith.constant 0 : i32
        %dma_wait3A_82 = tpu.memref_slice %arg3[%add3A_72, %dma_wait3A_81] : memref<12544x64xi32, #tpu.memory_space<hbm>> -> memref<1x64xi32, #tpu.memory_space<hbm>>
        %dma_wait3A_83 = tpu.memref_squeeze %dma_wait3A_82 : memref<1x64xi32, #tpu.memory_space<hbm>> -> memref<64xi32, #tpu.memory_space<hbm>>
        tpu.wait_dma2 semaphore(%run_scoped3A : memref<!tpu.dma_semaphore, #tpu.memory_space<semaphore_mem>>) src(%dma_wait3A_83 : memref<64xi32, #tpu.memory_space<hbm>>) dst(%arg7 : memref<64xi32, #tpu.memory_space<vmem>>)
        tpu.yield
      }) : () -> ()
      "tpu.region"() ({
        %run_scoped3A = tpu.sem_alloc : memref<!tpu.dma_semaphore, #tpu.memory_space<semaphore_mem>>
        %dma_start3A = arith.constant 0 : i32
        %dma_start3A_74 = tpu.memref_slice %arg4[%add3A_72, %dma_start3A] : memref<12544x64xi32, #tpu.memory_space<hbm>> -> memref<1x64xi32, #tpu.memory_space<hbm>>
        %dma_start3A_75 = tpu.memref_squeeze %dma_start3A_74 : memref<1x64xi32, #tpu.memory_space<hbm>> -> memref<64xi32, #tpu.memory_space<hbm>>
        %dma_start3A_76 = arith.constant 0 : i32
        %dma_start3A_77 = tpu.memref_slice %arg4[%add3A_72, %dma_start3A_76] : memref<12544x64xi32, #tpu.memory_space<hbm>> -> memref<1x64xi32, #tpu.memory_space<hbm>>
        %dma_start3A_78 = tpu.memref_squeeze %dma_start3A_77 : memref<1x64xi32, #tpu.memory_space<hbm>> -> memref<64xi32, #tpu.memory_space<hbm>>
        tpu.enqueue_dma source(%dma_start3A_78 : memref<64xi32, #tpu.memory_space<hbm>>) target(%arg8 : memref<64xi32, #tpu.memory_space<vmem>>) target_semaphore(%run_scoped3A : memref<!tpu.dma_semaphore, #tpu.memory_space<semaphore_mem>>)
        %dma_wait3A = arith.constant 0 : i32
        %dma_wait3A_79 = tpu.memref_slice %arg4[%add3A_72, %dma_wait3A] : memref<12544x64xi32, #tpu.memory_space<hbm>> -> memref<1x64xi32, #tpu.memory_space<hbm>>
        %dma_wait3A_80 = tpu.memref_squeeze %dma_wait3A_79 : memref<1x64xi32, #tpu.memory_space<hbm>> -> memref<64xi32, #tpu.memory_space<hbm>>
        %dma_wait3A_81 = arith.constant 0 : i32
        %dma_wait3A_82 = tpu.memref_slice %arg4[%add3A_72, %dma_wait3A_81] : memref<12544x64xi32, #tpu.memory_space<hbm>> -> memref<1x64xi32, #tpu.memory_space<hbm>>
        %dma_wait3A_83 = tpu.memref_squeeze %dma_wait3A_82 : memref<1x64xi32, #tpu.memory_space<hbm>> -> memref<64xi32, #tpu.memory_space<hbm>>
        tpu.wait_dma2 semaphore(%run_scoped3A : memref<!tpu.dma_semaphore, #tpu.memory_space<semaphore_mem>>) src(%dma_wait3A_83 : memref<64xi32, #tpu.memory_space<hbm>>) dst(%arg8 : memref<64xi32, #tpu.memory_space<vmem>>)
        tpu.yield
      }) : () -> ()
      "tpu.region"() ({
        %run_scoped3A = tpu.sem_alloc : memref<!tpu.dma_semaphore, #tpu.memory_space<semaphore_mem>>
        %dma_start3A = arith.constant 0 : i32
        %dma_start3A_74 = arith.constant 0 : i32
        %dma_start3A_75 = tpu.memref_slice %arg2[%dma_start3A, %dma_start3A_74] : memref<50176x24xf32, #tpu.memory_space<hbm>> -> memref<50176x24xf32, #tpu.memory_space<hbm>>
        tpu.enqueue_indirect_dma source(%dma_start3A_75 : memref<50176x24xf32, #tpu.memory_space<hbm>>) target(%arg9 : memref<64x24xf32, #tpu.memory_space<vmem>>) offsets(%arg7 : memref<64xi32, #tpu.memory_space<vmem>>) semaphore(%run_scoped3A : memref<!tpu.dma_semaphore, #tpu.memory_space<semaphore_mem>>)
        %dma_wait3A = arith.constant 0 : i32
        %dma_wait3A_76 = arith.constant 0 : i32
        %dma_wait3A_77 = tpu.memref_slice %arg2[%dma_wait3A, %dma_wait3A_76] : memref<50176x24xf32, #tpu.memory_space<hbm>> -> memref<50176x24xf32, #tpu.memory_space<hbm>>
        tpu.wait_indirect_dma semaphore(%run_scoped3A : memref<!tpu.dma_semaphore, #tpu.memory_space<semaphore_mem>>) src(%dma_wait3A_77 : memref<50176x24xf32, #tpu.memory_space<hbm>>) dst(%arg9 : memref<64x24xf32, #tpu.memory_space<vmem>>)
        tpu.yield
      }) : () -> ()
      "tpu.region"() ({
        %run_scoped3A = tpu.sem_alloc : memref<!tpu.dma_semaphore, #tpu.memory_space<semaphore_mem>>
        %dma_start3A = arith.constant 0 : i32
        %dma_start3A_74 = arith.constant 0 : i32
        %dma_start3A_75 = tpu.memref_slice %arg12[%dma_start3A, %dma_start3A_74] : memref<50176x24xf32, #tpu.memory_space<vmem_shared>> -> memref<50176x24xf32, #tpu.memory_space<vmem_shared>>
        tpu.enqueue_indirect_dma source(%arg9 : memref<64x24xf32, #tpu.memory_space<vmem>>) target(%dma_start3A_75 : memref<50176x24xf32, #tpu.memory_space<vmem_shared>>) offsets(%arg8 : memref<64xi32, #tpu.memory_space<vmem>>) semaphore(%run_scoped3A : memref<!tpu.dma_semaphore, #tpu.memory_space<semaphore_mem>>) {add = true}
        %dma_wait3A = arith.constant 0 : i32
        %dma_wait3A_76 = arith.constant 0 : i32
        %dma_wait3A_77 = tpu.memref_slice %arg12[%dma_wait3A, %dma_wait3A_76] : memref<50176x24xf32, #tpu.memory_space<vmem_shared>> -> memref<50176x24xf32, #tpu.memory_space<vmem_shared>>
        tpu.wait_indirect_dma semaphore(%run_scoped3A : memref<!tpu.dma_semaphore, #tpu.memory_space<semaphore_mem>>) src(%arg9 : memref<64x24xf32, #tpu.memory_space<vmem>>) dst(%dma_wait3A_77 : memref<50176x24xf32, #tpu.memory_space<vmem_shared>>)
        tpu.yield
      }) : () -> ()
      %scan3A_73 = arith.constant 0 : i32
      scf.yield %scan3A_73 : i32
    }
    %scan3A_29 = arith.constant 98 : i32
    %scan3A_30 = arith.constant 0 : i32
    %scan3A_31 = arith.constant 0 : i32
    %scan3A_32 = arith.constant 98 : i32
    %scan3A_33 = arith.addi %scan3A_31, %scan3A_32 : i32
    %scan3A_34 = arith.constant 1 : i32
    %scan3A_35 = scf.for %scan3A_68 = %scan3A_31 to %scan3A_33 step %scan3A_34 iter_args(%scan3A_69 = %scan3A_30) -> (i32)  : i32 {
      %add3A_70 = arith.constant 294 : i32
      %add3A_71 = arith.addi %add3A, %add3A_70 : i32
      %add3A_72 = arith.addi %add3A_71, %scan3A_68 : i32
      "tpu.region"() ({
        %run_scoped3A = tpu.sem_alloc : memref<!tpu.dma_semaphore, #tpu.memory_space<semaphore_mem>>
        %dma_start3A = arith.constant 0 : i32
        %dma_start3A_74 = tpu.memref_slice %arg3[%add3A_72, %dma_start3A] : memref<12544x64xi32, #tpu.memory_space<hbm>> -> memref<1x64xi32, #tpu.memory_space<hbm>>
        %dma_start3A_75 = tpu.memref_squeeze %dma_start3A_74 : memref<1x64xi32, #tpu.memory_space<hbm>> -> memref<64xi32, #tpu.memory_space<hbm>>
        %dma_start3A_76 = arith.constant 0 : i32
        %dma_start3A_77 = tpu.memref_slice %arg3[%add3A_72, %dma_start3A_76] : memref<12544x64xi32, #tpu.memory_space<hbm>> -> memref<1x64xi32, #tpu.memory_space<hbm>>
        %dma_start3A_78 = tpu.memref_squeeze %dma_start3A_77 : memref<1x64xi32, #tpu.memory_space<hbm>> -> memref<64xi32, #tpu.memory_space<hbm>>
        tpu.enqueue_dma source(%dma_start3A_78 : memref<64xi32, #tpu.memory_space<hbm>>) target(%arg7 : memref<64xi32, #tpu.memory_space<vmem>>) target_semaphore(%run_scoped3A : memref<!tpu.dma_semaphore, #tpu.memory_space<semaphore_mem>>)
        %dma_wait3A = arith.constant 0 : i32
        %dma_wait3A_79 = tpu.memref_slice %arg3[%add3A_72, %dma_wait3A] : memref<12544x64xi32, #tpu.memory_space<hbm>> -> memref<1x64xi32, #tpu.memory_space<hbm>>
        %dma_wait3A_80 = tpu.memref_squeeze %dma_wait3A_79 : memref<1x64xi32, #tpu.memory_space<hbm>> -> memref<64xi32, #tpu.memory_space<hbm>>
        %dma_wait3A_81 = arith.constant 0 : i32
        %dma_wait3A_82 = tpu.memref_slice %arg3[%add3A_72, %dma_wait3A_81] : memref<12544x64xi32, #tpu.memory_space<hbm>> -> memref<1x64xi32, #tpu.memory_space<hbm>>
        %dma_wait3A_83 = tpu.memref_squeeze %dma_wait3A_82 : memref<1x64xi32, #tpu.memory_space<hbm>> -> memref<64xi32, #tpu.memory_space<hbm>>
        tpu.wait_dma2 semaphore(%run_scoped3A : memref<!tpu.dma_semaphore, #tpu.memory_space<semaphore_mem>>) src(%dma_wait3A_83 : memref<64xi32, #tpu.memory_space<hbm>>) dst(%arg7 : memref<64xi32, #tpu.memory_space<vmem>>)
        tpu.yield
      }) : () -> ()
      "tpu.region"() ({
        %run_scoped3A = tpu.sem_alloc : memref<!tpu.dma_semaphore, #tpu.memory_space<semaphore_mem>>
        %dma_start3A = arith.constant 0 : i32
        %dma_start3A_74 = tpu.memref_slice %arg4[%add3A_72, %dma_start3A] : memref<12544x64xi32, #tpu.memory_space<hbm>> -> memref<1x64xi32, #tpu.memory_space<hbm>>
        %dma_start3A_75 = tpu.memref_squeeze %dma_start3A_74 : memref<1x64xi32, #tpu.memory_space<hbm>> -> memref<64xi32, #tpu.memory_space<hbm>>
        %dma_start3A_76 = arith.constant 0 : i32
        %dma_start3A_77 = tpu.memref_slice %arg4[%add3A_72, %dma_start3A_76] : memref<12544x64xi32, #tpu.memory_space<hbm>> -> memref<1x64xi32, #tpu.memory_space<hbm>>
        %dma_start3A_78 = tpu.memref_squeeze %dma_start3A_77 : memref<1x64xi32, #tpu.memory_space<hbm>> -> memref<64xi32, #tpu.memory_space<hbm>>
        tpu.enqueue_dma source(%dma_start3A_78 : memref<64xi32, #tpu.memory_space<hbm>>) target(%arg8 : memref<64xi32, #tpu.memory_space<vmem>>) target_semaphore(%run_scoped3A : memref<!tpu.dma_semaphore, #tpu.memory_space<semaphore_mem>>)
        %dma_wait3A = arith.constant 0 : i32
        %dma_wait3A_79 = tpu.memref_slice %arg4[%add3A_72, %dma_wait3A] : memref<12544x64xi32, #tpu.memory_space<hbm>> -> memref<1x64xi32, #tpu.memory_space<hbm>>
        %dma_wait3A_80 = tpu.memref_squeeze %dma_wait3A_79 : memref<1x64xi32, #tpu.memory_space<hbm>> -> memref<64xi32, #tpu.memory_space<hbm>>
        %dma_wait3A_81 = arith.constant 0 : i32
        %dma_wait3A_82 = tpu.memref_slice %arg4[%add3A_72, %dma_wait3A_81] : memref<12544x64xi32, #tpu.memory_space<hbm>> -> memref<1x64xi32, #tpu.memory_space<hbm>>
        %dma_wait3A_83 = tpu.memref_squeeze %dma_wait3A_82 : memref<1x64xi32, #tpu.memory_space<hbm>> -> memref<64xi32, #tpu.memory_space<hbm>>
        tpu.wait_dma2 semaphore(%run_scoped3A : memref<!tpu.dma_semaphore, #tpu.memory_space<semaphore_mem>>) src(%dma_wait3A_83 : memref<64xi32, #tpu.memory_space<hbm>>) dst(%arg8 : memref<64xi32, #tpu.memory_space<vmem>>)
        tpu.yield
      }) : () -> ()
      "tpu.region"() ({
        %run_scoped3A = tpu.sem_alloc : memref<!tpu.dma_semaphore, #tpu.memory_space<semaphore_mem>>
        %dma_start3A = arith.constant 0 : i32
        %dma_start3A_74 = arith.constant 0 : i32
        %dma_start3A_75 = tpu.memref_slice %arg2[%dma_start3A, %dma_start3A_74] : memref<50176x24xf32, #tpu.memory_space<hbm>> -> memref<50176x24xf32, #tpu.memory_space<hbm>>
        tpu.enqueue_indirect_dma source(%dma_start3A_75 : memref<50176x24xf32, #tpu.memory_space<hbm>>) target(%arg9 : memref<64x24xf32, #tpu.memory_space<vmem>>) offsets(%arg7 : memref<64xi32, #tpu.memory_space<vmem>>) semaphore(%run_scoped3A : memref<!tpu.dma_semaphore, #tpu.memory_space<semaphore_mem>>)
        %dma_wait3A = arith.constant 0 : i32
        %dma_wait3A_76 = arith.constant 0 : i32
        %dma_wait3A_77 = tpu.memref_slice %arg2[%dma_wait3A, %dma_wait3A_76] : memref<50176x24xf32, #tpu.memory_space<hbm>> -> memref<50176x24xf32, #tpu.memory_space<hbm>>
        tpu.wait_indirect_dma semaphore(%run_scoped3A : memref<!tpu.dma_semaphore, #tpu.memory_space<semaphore_mem>>) src(%dma_wait3A_77 : memref<50176x24xf32, #tpu.memory_space<hbm>>) dst(%arg9 : memref<64x24xf32, #tpu.memory_space<vmem>>)
        tpu.yield
      }) : () -> ()
      "tpu.region"() ({
        %run_scoped3A = tpu.sem_alloc : memref<!tpu.dma_semaphore, #tpu.memory_space<semaphore_mem>>
        %dma_start3A = arith.constant 0 : i32
        %dma_start3A_74 = arith.constant 0 : i32
        %dma_start3A_75 = tpu.memref_slice %arg12[%dma_start3A, %dma_start3A_74] : memref<50176x24xf32, #tpu.memory_space<vmem_shared>> -> memref<50176x24xf32, #tpu.memory_space<vmem_shared>>
        tpu.enqueue_indirect_dma source(%arg9 : memref<64x24xf32, #tpu.memory_space<vmem>>) target(%dma_start3A_75 : memref<50176x24xf32, #tpu.memory_space<vmem_shared>>) offsets(%arg8 : memref<64xi32, #tpu.memory_space<vmem>>) semaphore(%run_scoped3A : memref<!tpu.dma_semaphore, #tpu.memory_space<semaphore_mem>>) {add = true}
        %dma_wait3A = arith.constant 0 : i32
        %dma_wait3A_76 = arith.constant 0 : i32
        %dma_wait3A_77 = tpu.memref_slice %arg12[%dma_wait3A, %dma_wait3A_76] : memref<50176x24xf32, #tpu.memory_space<vmem_shared>> -> memref<50176x24xf32, #tpu.memory_space<vmem_shared>>
        tpu.wait_indirect_dma semaphore(%run_scoped3A : memref<!tpu.dma_semaphore, #tpu.memory_space<semaphore_mem>>) src(%arg9 : memref<64x24xf32, #tpu.memory_space<vmem>>) dst(%dma_wait3A_77 : memref<50176x24xf32, #tpu.memory_space<vmem_shared>>)
        tpu.yield
      }) : () -> ()
      %scan3A_73 = arith.constant 0 : i32
      scf.yield %scan3A_73 : i32
    }
    %scan3A_36 = arith.constant 98 : i32
    %add3A_37 = arith.constant 50112 : i32
    %add3A_38 = arith.addi %add3A_37, %arg1 : i32
    %scan3A_39 = arith.constant 0 : i32
    %scan3A_40 = arith.constant 0 : i32
    %scan3A_41 = arith.constant 64 : i32
    %scan3A_42 = arith.addi %scan3A_40, %scan3A_41 : i32
    %scan3A_43 = arith.constant 1 : i32
    %scan3A_44 = scf.for %scan3A_68 = %scan3A_40 to %scan3A_42 step %scan3A_43 iter_args(%scan3A_69 = %scan3A_39) -> (i32)  : i32 {
      %broadcast_in_dim3A = arith.constant 1.000000e+00 : f32
      %broadcast_in_dim3A_70 = vector.broadcast %broadcast_in_dim3A : f32 to vector<16xf32>
      %swap3A = arith.index_cast %scan3A_68 : i32 to index
      %swap3A_71 = arith.constant 0 : index
      %swap3A_72 = tpu.vector_load %arg9[%swap3A, %swap3A_71] {strides = array<i32>} : memref<64x24xf32, #tpu.memory_space<vmem>>, vector<16xf32>,
      tpu.vector_store %arg9[%swap3A, %swap3A_71], %broadcast_in_dim3A_70 {strides = array<i32>} : memref<64x24xf32, #tpu.memory_space<vmem>>, vector<16xf32>,
      %broadcast_in_dim3A_73 = arith.constant 1.000000e+00 : f32
      %broadcast_in_dim3A_74 = vector.broadcast %broadcast_in_dim3A_73 : f32 to vector<16xf32>
      %swap3A_75 = arith.index_cast %scan3A_68 : i32 to index
      %swap3A_76 = arith.constant 8 : index
      %swap3A_77 = tpu.vector_load %arg9[%swap3A_75, %swap3A_76] {strides = array<i32>} : memref<64x24xf32, #tpu.memory_space<vmem>>, vector<16xf32>,
      tpu.vector_store %arg9[%swap3A_75, %swap3A_76], %broadcast_in_dim3A_74 {strides = array<i32>} : memref<64x24xf32, #tpu.memory_space<vmem>>, vector<16xf32>,
      %scan3A_78 = arith.constant 0 : i32
      scf.yield %scan3A_78 : i32
    }
    %scan3A_45 = arith.constant 64 : i32
    %scan3A_46 = arith.constant 0 : i32
    %scan3A_47 = arith.constant 0 : i32
    %scan3A_48 = arith.constant 4 : i32
    %scan3A_49 = arith.addi %scan3A_47, %scan3A_48 : i32
    %scan3A_50 = arith.constant 1 : i32
    %scan3A_51 = scf.for %scan3A_68 = %scan3A_47 to %scan3A_49 step %scan3A_50 iter_args(%scan3A_69 = %scan3A_46) -> (i32)  : i32 {
      %broadcast_in_dim3A = arith.constant 1 : i32
      %broadcast_in_dim3A_70 = vector.broadcast %broadcast_in_dim3A : i32 to vector<16xi32>
      %mul3A_71 = vector.broadcast %add3A_38 : i32 to vector<16xi32>
      %mul3A_72 = arith.muli %broadcast_in_dim3A_70, %mul3A_71 : vector<16xi32>
      %mul3A_73 = arith.constant 16 : i32
      %mul3A_74 = arith.muli %scan3A_68, %mul3A_73 : i32
      %swap3A = arith.index_cast %mul3A_74 : i32 to index
      %swap3A_75 = tpu.vector_load %arg8[%swap3A] {strides = array<i32>} : memref<64xi32, #tpu.memory_space<vmem>>, vector<16xi32>,
      tpu.vector_store %arg8[%swap3A], %mul3A_72 {strides = array<i32>} : memref<64xi32, #tpu.memory_space<vmem>>, vector<16xi32>,
      %scan3A_76 = arith.constant 0 : i32
      scf.yield %scan3A_76 : i32
    }
    %scan3A_52 = arith.constant 4 : i32
    "tpu.region"() ({
      %run_scoped3A = tpu.sem_alloc : memref<!tpu.dma_semaphore, #tpu.memory_space<semaphore_mem>>
      %dma_start3A = arith.constant 0 : i32
      %dma_start3A_68 = arith.constant 0 : i32
      %dma_start3A_69 = tpu.memref_slice %arg12[%dma_start3A, %dma_start3A_68] : memref<50176x24xf32, #tpu.memory_space<vmem_shared>> -> memref<50176x24xf32, #tpu.memory_space<vmem_shared>>
      tpu.enqueue_indirect_dma source(%arg9 : memref<64x24xf32, #tpu.memory_space<vmem>>) target(%dma_start3A_69 : memref<50176x24xf32, #tpu.memory_space<vmem_shared>>) offsets(%arg8 : memref<64xi32, #tpu.memory_space<vmem>>) semaphore(%run_scoped3A : memref<!tpu.dma_semaphore, #tpu.memory_space<semaphore_mem>>) {add = true}
      %dma_wait3A = arith.constant 0 : i32
      %dma_wait3A_70 = arith.constant 0 : i32
      %dma_wait3A_71 = tpu.memref_slice %arg12[%dma_wait3A, %dma_wait3A_70] : memref<50176x24xf32, #tpu.memory_space<vmem_shared>> -> memref<50176x24xf32, #tpu.memory_space<vmem_shared>>
      tpu.wait_indirect_dma semaphore(%run_scoped3A : memref<!tpu.dma_semaphore, #tpu.memory_space<semaphore_mem>>) src(%arg9 : memref<64x24xf32, #tpu.memory_space<vmem>>) dst(%dma_wait3A_71 : memref<50176x24xf32, #tpu.memory_space<vmem_shared>>)
      tpu.yield
    }) : () -> ()
    %scan3A_53 = arith.constant 0 : i32
    %scan3A_54 = arith.constant 0 : i32
    %scan3A_55 = arith.constant 256 : i32
    %scan3A_56 = arith.addi %scan3A_54, %scan3A_55 : i32
    %scan3A_57 = arith.constant 1 : i32
    %scan3A_58 = scf.for %scan3A_68 = %scan3A_54 to %scan3A_56 step %scan3A_57 iter_args(%scan3A_69 = %scan3A_53) -> (i32)  : i32 {
      %eq3A = arith.constant 0 : i32
      %eq3A_70 = arith.cmpi eq, %scan3A_69, %eq3A : i32
      %convert_element_type3A = arith.extui %eq3A_70 : i1 to i32
      %cond3A = arith.constant 0 : i32
      %cond3A_71 = arith.cmpi ne, %convert_element_type3A, %cond3A : i32
      scf.if %cond3A_71 {
        "tpu.region"() ({
          %run_scoped3A = tpu.sem_alloc : memref<!tpu.dma_semaphore, #tpu.memory_space<semaphore_mem>>
          %dma_start3A = arith.constant 0 : i32
          %dma_start3A_79 = tpu.memref_slice %arg12[%add3A_38, %dma_start3A] : memref<50176x24xf32, #tpu.memory_space<vmem_shared>> -> memref<1x24xf32, #tpu.memory_space<vmem_shared>>
          %dma_start3A_80 = arith.constant 0 : i32
          %dma_start3A_81 = tpu.memref_slice %arg12[%add3A_38, %dma_start3A_80] : memref<50176x24xf32, #tpu.memory_space<vmem_shared>> -> memref<1x24xf32, #tpu.memory_space<vmem_shared>>
          tpu.enqueue_dma source(%dma_start3A_81 : memref<1x24xf32, #tpu.memory_space<vmem_shared>>) target(%arg11 : memref<1x24xf32, #tpu.memory_space<vmem>>) target_semaphore(%run_scoped3A : memref<!tpu.dma_semaphore, #tpu.memory_space<semaphore_mem>>)
          %dma_wait3A = arith.constant 0 : i32
          %dma_wait3A_82 = tpu.memref_slice %arg12[%add3A_38, %dma_wait3A] : memref<50176x24xf32, #tpu.memory_space<vmem_shared>> -> memref<1x24xf32, #tpu.memory_space<vmem_shared>>
          %dma_wait3A_83 = arith.constant 0 : i32
          %dma_wait3A_84 = tpu.memref_slice %arg12[%add3A_38, %dma_wait3A_83] : memref<50176x24xf32, #tpu.memory_space<vmem_shared>> -> memref<1x24xf32, #tpu.memory_space<vmem_shared>>
          tpu.wait_dma2 semaphore(%run_scoped3A : memref<!tpu.dma_semaphore, #tpu.memory_space<semaphore_mem>>) src(%dma_wait3A_84 : memref<1x24xf32, #tpu.memory_space<vmem_shared>>) dst(%arg11 : memref<1x24xf32, #tpu.memory_space<vmem>>)
          tpu.yield
        }) : () -> ()
      } else {
      }
      %get3A = arith.constant 0 : i32
      %get3A_72 = arith.index_cast %get3A : i32 to index
      %get3A_73 = arith.constant 0 : index
      %get3A_74 = tpu.vector_load %arg11[%get3A_72, %get3A_73] {strides = array<i32>} : memref<1x24xf32, #tpu.memory_space<vmem>>, vector<16xf32>,
      %reduce_max3A = arith.constant true
      %reduce_max3A_75 = vector.broadcast %reduce_max3A : i1 to vector<16xi1>
      %reduce_max3A_76 = tpu.scan <max>, %get3A_74 masked %reduce_max3A_75 : vector<16xf32>, vector<16xi1> -> vector<16xf32>
      %reduce_max3A_77 = vector.extract %reduce_max3A_76[15] : f32 from vector<16xf32>
      %ge3A = arith.constant 6.350000e+01 : f32
      %ge3A_78 = arith.cmpf oge, %reduce_max3A_77, %ge3A : f32
      %jit3A = arith.constant 1 : i32
      %select_n3A = arith.select %ge3A_78, %jit3A, %scan3A_69 : i32
      scf.yield %select_n3A : i32
    }
    %scan3A_59 = arith.constant 256 : i32
    %barrier3A_60 = arith.constant 0 : index
    tpu.barrier barrier_id(%barrier3A_60)
    %scan3A_61 = arith.constant 0 : i32
    %scan3A_62 = arith.constant 0 : i32
    %scan3A_63 = arith.constant 64 : i32
    %scan3A_64 = arith.addi %scan3A_62, %scan3A_63 : i32
    %scan3A_65 = arith.constant 1 : i32
    %scan3A_66 = scf.for %scan3A_68 = %scan3A_62 to %scan3A_64 step %scan3A_65 iter_args(%scan3A_69 = %scan3A_61) -> (i32)  : i32 {
      %mul3A_70 = arith.constant 3136 : i32
      %mul3A_71 = arith.muli %arg1, %mul3A_70 : i32
      %mul3A_72 = arith.constant 49 : i32
      %mul3A_73 = arith.muli %scan3A_68, %mul3A_72 : i32
      %add3A_74 = arith.addi %mul3A_71, %mul3A_73 : i32
      "tpu.region"() ({
        %run_scoped3A = tpu.sem_alloc : memref<!tpu.dma_semaphore, #tpu.memory_space<semaphore_mem>>
        %dma_start3A = arith.constant 0 : i32
        %dma_start3A_81 = tpu.memref_slice %arg12[%add3A_74, %dma_start3A] : memref<50176x24xf32, #tpu.memory_space<vmem_shared>> -> memref<49x24xf32, #tpu.memory_space<vmem_shared>>
        %dma_start3A_82 = arith.constant 0 : i32
        %dma_start3A_83 = tpu.memref_slice %arg12[%add3A_74, %dma_start3A_82] : memref<50176x24xf32, #tpu.memory_space<vmem_shared>> -> memref<49x24xf32, #tpu.memory_space<vmem_shared>>
        tpu.enqueue_dma source(%dma_start3A_83 : memref<49x24xf32, #tpu.memory_space<vmem_shared>>) target(%arg10 : memref<49x24xf32, #tpu.memory_space<vmem>>) target_semaphore(%run_scoped3A : memref<!tpu.dma_semaphore, #tpu.memory_space<semaphore_mem>>)
        %dma_wait3A = arith.constant 0 : i32
        %dma_wait3A_84 = tpu.memref_slice %arg12[%add3A_74, %dma_wait3A] : memref<50176x24xf32, #tpu.memory_space<vmem_shared>> -> memref<49x24xf32, #tpu.memory_space<vmem_shared>>
        %dma_wait3A_85 = arith.constant 0 : i32
        %dma_wait3A_86 = tpu.memref_slice %arg12[%add3A_74, %dma_wait3A_85] : memref<50176x24xf32, #tpu.memory_space<vmem_shared>> -> memref<49x24xf32, #tpu.memory_space<vmem_shared>>
        tpu.wait_dma2 semaphore(%run_scoped3A : memref<!tpu.dma_semaphore, #tpu.memory_space<semaphore_mem>>) src(%dma_wait3A_86 : memref<49x24xf32, #tpu.memory_space<vmem_shared>>) dst(%arg10 : memref<49x24xf32, #tpu.memory_space<vmem>>)
        tpu.yield
      }) : () -> ()
      %mul3A_75 = arith.constant 3136 : i32
      %mul3A_76 = arith.muli %arg1, %mul3A_75 : i32
      %mul3A_77 = arith.constant 49 : i32
      %mul3A_78 = arith.muli %scan3A_68, %mul3A_77 : i32
      %add3A_79 = arith.addi %mul3A_76, %mul3A_78 : i32
      "tpu.region"() ({
        %run_scoped3A = tpu.sem_alloc : memref<!tpu.dma_semaphore, #tpu.memory_space<semaphore_mem>>
        %dma_start3A = arith.constant 0 : i32
        %dma_start3A_81 = tpu.memref_slice %arg6[%arg0, %add3A_79, %dma_start3A] : memref<2x50176x24xf32, #tpu.memory_space<hbm>> -> memref<1x49x24xf32, #tpu.memory_space<hbm>>
        %dma_start3A_82 = tpu.memref_squeeze %dma_start3A_81 : memref<1x49x24xf32, #tpu.memory_space<hbm>> -> memref<49x24xf32, #tpu.memory_space<hbm>>
        %dma_start3A_83 = arith.constant 0 : i32
        %dma_start3A_84 = tpu.memref_slice %arg6[%arg0, %add3A_79, %dma_start3A_83] : memref<2x50176x24xf32, #tpu.memory_space<hbm>> -> memref<1x49x24xf32, #tpu.memory_space<hbm>>
        %dma_start3A_85 = tpu.memref_squeeze %dma_start3A_84 : memref<1x49x24xf32, #tpu.memory_space<hbm>> -> memref<49x24xf32, #tpu.memory_space<hbm>>
        tpu.enqueue_dma source(%arg10 : memref<49x24xf32, #tpu.memory_space<vmem>>) target(%dma_start3A_85 : memref<49x24xf32, #tpu.memory_space<hbm>>) target_semaphore(%run_scoped3A : memref<!tpu.dma_semaphore, #tpu.memory_space<semaphore_mem>>)
        %dma_wait3A = arith.constant 0 : i32
        %dma_wait3A_86 = tpu.memref_slice %arg6[%arg0, %add3A_79, %dma_wait3A] : memref<2x50176x24xf32, #tpu.memory_space<hbm>> -> memref<1x49x24xf32, #tpu.memory_space<hbm>>
        %dma_wait3A_87 = tpu.memref_squeeze %dma_wait3A_86 : memref<1x49x24xf32, #tpu.memory_space<hbm>> -> memref<49x24xf32, #tpu.memory_space<hbm>>
        %dma_wait3A_88 = arith.constant 0 : i32
        %dma_wait3A_89 = tpu.memref_slice %arg6[%arg0, %add3A_79, %dma_wait3A_88] : memref<2x50176x24xf32, #tpu.memory_space<hbm>> -> memref<1x49x24xf32, #tpu.memory_space<hbm>>
        %dma_wait3A_90 = tpu.memref_squeeze %dma_wait3A_89 : memref<1x49x24xf32, #tpu.memory_space<hbm>> -> memref<49x24xf32, #tpu.memory_space<hbm>>
        tpu.wait_dma2 semaphore(%run_scoped3A : memref<!tpu.dma_semaphore, #tpu.memory_space<semaphore_mem>>) src(%arg10 : memref<49x24xf32, #tpu.memory_space<vmem>>) dst(%dma_wait3A_90 : memref<49x24xf32, #tpu.memory_space<hbm>>)
        tpu.yield
      }) : () -> ()
      %scan3A_80 = arith.constant 0 : i32
      scf.yield %scan3A_80 : i32
    }
    %scan3A_67 = arith.constant 64 : i32
    return
  }
}

#map = affine_map<(d0, d1) -> (0, 0)>
#map1 = affine_map<(d0, d1) -> (0, 0, 0)>
module attributes {stable_mosaic.version = 14 : i64} {
  func.func @body(%arg0: i32, %arg1: i32, %arg2: memref<50176x40xf32, #tpu.memory_space<hbm>>, %arg3: memref<50176x40xf32, #tpu.memory_space<hbm>>, %arg4: memref<12544x64xi32, #tpu.memory_space<hbm>>, %arg5: memref<12544x64xi32, #tpu.memory_space<hbm>>, %arg6: memref<49x40xf32, #tpu.memory_space<hbm>>, %arg7: memref<2x50176x40xf32, #tpu.memory_space<hbm>>, %arg8: memref<64xi32, #tpu.memory_space<vmem>>, %arg9: memref<64xi32, #tpu.memory_space<vmem>>, %arg10: memref<64x40xf32, #tpu.memory_space<vmem>>, %arg11: memref<49x40xf32, #tpu.memory_space<vmem>>, %arg12: memref<1x40xf32, #tpu.memory_space<vmem>>, %arg13: memref<50176x40xf32, #tpu.memory_space<vmem_shared>>) attributes {dimension_semantics = [#tpu.dimension_semantics<core_parallel>, #tpu.dimension_semantics<subcore_parallel>], iteration_bounds = array<i64: 2, 16>, scalar_prefetch = 0 : i64, scratch_operands = 6 : i64, tpu.core_type = #tpu.core_type<sc_vector_subcore>, window_params = [{transform_indices = #map}, {transform_indices = #map}, {transform_indices = #map}, {transform_indices = #map}, {transform_indices = #map}, {transform_indices = #map1}]} {
    "tpu.region"() ({
      %run_scoped3A = tpu.sem_alloc : memref<!tpu.dma_semaphore, #tpu.memory_space<semaphore_mem>>
      tpu.enqueue_dma source(%arg6 : memref<49x40xf32, #tpu.memory_space<hbm>>) target(%arg11 : memref<49x40xf32, #tpu.memory_space<vmem>>) target_semaphore(%run_scoped3A : memref<!tpu.dma_semaphore, #tpu.memory_space<semaphore_mem>>)
      tpu.wait_dma2 semaphore(%run_scoped3A : memref<!tpu.dma_semaphore, #tpu.memory_space<semaphore_mem>>) src(%arg6 : memref<49x40xf32, #tpu.memory_space<hbm>>) dst(%arg11 : memref<49x40xf32, #tpu.memory_space<vmem>>)
      tpu.yield
    }) : () -> ()
    %scan3A = arith.constant 0 : i32
    %scan3A_0 = arith.constant 0 : i32
    %scan3A_1 = arith.constant 64 : i32
    %scan3A_2 = arith.addi %scan3A_0, %scan3A_1 : i32
    %scan3A_3 = arith.constant 1 : i32
    %scan3A_4 = scf.for %scan3A_93 = %scan3A_0 to %scan3A_2 step %scan3A_3 iter_args(%scan3A_94 = %scan3A) -> (i32)  : i32 {
      %mul3A_95 = arith.constant 3136 : i32
      %mul3A_96 = arith.muli %arg1, %mul3A_95 : i32
      %mul3A_97 = arith.constant 49 : i32
      %mul3A_98 = arith.muli %scan3A_93, %mul3A_97 : i32
      %add3A_99 = arith.addi %mul3A_96, %mul3A_98 : i32
      "tpu.region"() ({
        %run_scoped3A = tpu.sem_alloc : memref<!tpu.dma_semaphore, #tpu.memory_space<semaphore_mem>>
        %dma_start3A = arith.constant 0 : i32
        %dma_start3A_101 = tpu.memref_slice %arg13[%add3A_99, %dma_start3A] : memref<50176x40xf32, #tpu.memory_space<vmem_shared>> -> memref<49x40xf32, #tpu.memory_space<vmem_shared>>
        %dma_start3A_102 = arith.constant 0 : i32
        %dma_start3A_103 = tpu.memref_slice %arg13[%add3A_99, %dma_start3A_102] : memref<50176x40xf32, #tpu.memory_space<vmem_shared>> -> memref<49x40xf32, #tpu.memory_space<vmem_shared>>
        tpu.enqueue_dma source(%arg11 : memref<49x40xf32, #tpu.memory_space<vmem>>) target(%dma_start3A_103 : memref<49x40xf32, #tpu.memory_space<vmem_shared>>) target_semaphore(%run_scoped3A : memref<!tpu.dma_semaphore, #tpu.memory_space<semaphore_mem>>)
        %dma_wait3A = arith.constant 0 : i32
        %dma_wait3A_104 = tpu.memref_slice %arg13[%add3A_99, %dma_wait3A] : memref<50176x40xf32, #tpu.memory_space<vmem_shared>> -> memref<49x40xf32, #tpu.memory_space<vmem_shared>>
        %dma_wait3A_105 = arith.constant 0 : i32
        %dma_wait3A_106 = tpu.memref_slice %arg13[%add3A_99, %dma_wait3A_105] : memref<50176x40xf32, #tpu.memory_space<vmem_shared>> -> memref<49x40xf32, #tpu.memory_space<vmem_shared>>
        tpu.wait_dma2 semaphore(%run_scoped3A : memref<!tpu.dma_semaphore, #tpu.memory_space<semaphore_mem>>) src(%arg11 : memref<49x40xf32, #tpu.memory_space<vmem>>) dst(%dma_wait3A_106 : memref<49x40xf32, #tpu.memory_space<vmem_shared>>)
        tpu.yield
      }) : () -> ()
      %scan3A_100 = arith.constant 0 : i32
      scf.yield %scan3A_100 : i32
    }
    %scan3A_5 = arith.constant 64 : i32
    %mul3A = arith.constant 784 : i32
    %mul3A_6 = arith.muli %arg1, %mul3A : i32
    %barrier3A = arith.constant 0 : index
    tpu.barrier barrier_id(%barrier3A)
    %scan3A_7 = arith.constant 0 : i32
    %scan3A_8 = arith.constant 0 : i32
    %scan3A_9 = arith.constant 98 : i32
    %scan3A_10 = arith.addi %scan3A_8, %scan3A_9 : i32
    %scan3A_11 = arith.constant 1 : i32
    %scan3A_12 = scf.for %scan3A_93 = %scan3A_8 to %scan3A_10 step %scan3A_11 iter_args(%scan3A_94 = %scan3A_7) -> (i32)  : i32 {
      %add3A_95 = arith.constant 0 : i32
      %add3A_96 = arith.addi %mul3A_6, %add3A_95 : i32
      %add3A_97 = arith.addi %add3A_96, %scan3A_93 : i32
      "tpu.region"() ({
        %run_scoped3A = tpu.sem_alloc : memref<!tpu.dma_semaphore, #tpu.memory_space<semaphore_mem>>
        %dma_start3A = arith.constant 0 : i32
        %dma_start3A_106 = tpu.memref_slice %arg4[%add3A_97, %dma_start3A] : memref<12544x64xi32, #tpu.memory_space<hbm>> -> memref<1x64xi32, #tpu.memory_space<hbm>>
        %dma_start3A_107 = tpu.memref_squeeze %dma_start3A_106 : memref<1x64xi32, #tpu.memory_space<hbm>> -> memref<64xi32, #tpu.memory_space<hbm>>
        %dma_start3A_108 = arith.constant 0 : i32
        %dma_start3A_109 = tpu.memref_slice %arg4[%add3A_97, %dma_start3A_108] : memref<12544x64xi32, #tpu.memory_space<hbm>> -> memref<1x64xi32, #tpu.memory_space<hbm>>
        %dma_start3A_110 = tpu.memref_squeeze %dma_start3A_109 : memref<1x64xi32, #tpu.memory_space<hbm>> -> memref<64xi32, #tpu.memory_space<hbm>>
        tpu.enqueue_dma source(%dma_start3A_110 : memref<64xi32, #tpu.memory_space<hbm>>) target(%arg8 : memref<64xi32, #tpu.memory_space<vmem>>) target_semaphore(%run_scoped3A : memref<!tpu.dma_semaphore, #tpu.memory_space<semaphore_mem>>)
        %dma_wait3A = arith.constant 0 : i32
        %dma_wait3A_111 = tpu.memref_slice %arg4[%add3A_97, %dma_wait3A] : memref<12544x64xi32, #tpu.memory_space<hbm>> -> memref<1x64xi32, #tpu.memory_space<hbm>>
        %dma_wait3A_112 = tpu.memref_squeeze %dma_wait3A_111 : memref<1x64xi32, #tpu.memory_space<hbm>> -> memref<64xi32, #tpu.memory_space<hbm>>
        %dma_wait3A_113 = arith.constant 0 : i32
        %dma_wait3A_114 = tpu.memref_slice %arg4[%add3A_97, %dma_wait3A_113] : memref<12544x64xi32, #tpu.memory_space<hbm>> -> memref<1x64xi32, #tpu.memory_space<hbm>>
        %dma_wait3A_115 = tpu.memref_squeeze %dma_wait3A_114 : memref<1x64xi32, #tpu.memory_space<hbm>> -> memref<64xi32, #tpu.memory_space<hbm>>
        tpu.wait_dma2 semaphore(%run_scoped3A : memref<!tpu.dma_semaphore, #tpu.memory_space<semaphore_mem>>) src(%dma_wait3A_115 : memref<64xi32, #tpu.memory_space<hbm>>) dst(%arg8 : memref<64xi32, #tpu.memory_space<vmem>>)
        tpu.yield
      }) : () -> ()
      "tpu.region"() ({
        %run_scoped3A = tpu.sem_alloc : memref<!tpu.dma_semaphore, #tpu.memory_space<semaphore_mem>>
        %dma_start3A = arith.constant 0 : i32
        %dma_start3A_106 = tpu.memref_slice %arg5[%add3A_97, %dma_start3A] : memref<12544x64xi32, #tpu.memory_space<hbm>> -> memref<1x64xi32, #tpu.memory_space<hbm>>
        %dma_start3A_107 = tpu.memref_squeeze %dma_start3A_106 : memref<1x64xi32, #tpu.memory_space<hbm>> -> memref<64xi32, #tpu.memory_space<hbm>>
        %dma_start3A_108 = arith.constant 0 : i32
        %dma_start3A_109 = tpu.memref_slice %arg5[%add3A_97, %dma_start3A_108] : memref<12544x64xi32, #tpu.memory_space<hbm>> -> memref<1x64xi32, #tpu.memory_space<hbm>>
        %dma_start3A_110 = tpu.memref_squeeze %dma_start3A_109 : memref<1x64xi32, #tpu.memory_space<hbm>> -> memref<64xi32, #tpu.memory_space<hbm>>
        tpu.enqueue_dma source(%dma_start3A_110 : memref<64xi32, #tpu.memory_space<hbm>>) target(%arg9 : memref<64xi32, #tpu.memory_space<vmem>>) target_semaphore(%run_scoped3A : memref<!tpu.dma_semaphore, #tpu.memory_space<semaphore_mem>>)
        %dma_wait3A = arith.constant 0 : i32
        %dma_wait3A_111 = tpu.memref_slice %arg5[%add3A_97, %dma_wait3A] : memref<12544x64xi32, #tpu.memory_space<hbm>> -> memref<1x64xi32, #tpu.memory_space<hbm>>
        %dma_wait3A_112 = tpu.memref_squeeze %dma_wait3A_111 : memref<1x64xi32, #tpu.memory_space<hbm>> -> memref<64xi32, #tpu.memory_space<hbm>>
        %dma_wait3A_113 = arith.constant 0 : i32
        %dma_wait3A_114 = tpu.memref_slice %arg5[%add3A_97, %dma_wait3A_113] : memref<12544x64xi32, #tpu.memory_space<hbm>> -> memref<1x64xi32, #tpu.memory_space<hbm>>
        %dma_wait3A_115 = tpu.memref_squeeze %dma_wait3A_114 : memref<1x64xi32, #tpu.memory_space<hbm>> -> memref<64xi32, #tpu.memory_space<hbm>>
        tpu.wait_dma2 semaphore(%run_scoped3A : memref<!tpu.dma_semaphore, #tpu.memory_space<semaphore_mem>>) src(%dma_wait3A_115 : memref<64xi32, #tpu.memory_space<hbm>>) dst(%arg9 : memref<64xi32, #tpu.memory_space<vmem>>)
        tpu.yield
      }) : () -> ()
      %eq3A = arith.constant 0 : i32
      %eq3A_98 = arith.cmpi eq, %arg0, %eq3A : i32
      %convert_element_type3A = arith.extui %eq3A_98 : i1 to i32
      %cond3A = arith.constant 0 : i32
      %cond3A_99 = arith.cmpi ne, %convert_element_type3A, %cond3A : i32
      scf.if %cond3A_99 {
        "tpu.region"() ({
          %run_scoped3A = tpu.sem_alloc : memref<!tpu.dma_semaphore, #tpu.memory_space<semaphore_mem>>
          %dma_start3A = arith.constant 0 : i32
          %dma_start3A_106 = arith.constant 0 : i32
          %dma_start3A_107 = tpu.memref_slice %arg2[%dma_start3A, %dma_start3A_106] : memref<50176x40xf32, #tpu.memory_space<hbm>> -> memref<50176x40xf32, #tpu.memory_space<hbm>>
          tpu.enqueue_indirect_dma source(%dma_start3A_107 : memref<50176x40xf32, #tpu.memory_space<hbm>>) target(%arg10 : memref<64x40xf32, #tpu.memory_space<vmem>>) offsets(%arg8 : memref<64xi32, #tpu.memory_space<vmem>>) semaphore(%run_scoped3A : memref<!tpu.dma_semaphore, #tpu.memory_space<semaphore_mem>>)
          %dma_wait3A = arith.constant 0 : i32
          %dma_wait3A_108 = arith.constant 0 : i32
          %dma_wait3A_109 = tpu.memref_slice %arg2[%dma_wait3A, %dma_wait3A_108] : memref<50176x40xf32, #tpu.memory_space<hbm>> -> memref<50176x40xf32, #tpu.memory_space<hbm>>
          tpu.wait_indirect_dma semaphore(%run_scoped3A : memref<!tpu.dma_semaphore, #tpu.memory_space<semaphore_mem>>) src(%dma_wait3A_109 : memref<50176x40xf32, #tpu.memory_space<hbm>>) dst(%arg10 : memref<64x40xf32, #tpu.memory_space<vmem>>)
          tpu.yield
        }) : () -> ()
      } else {
      }
      %eq3A_100 = arith.constant 1 : i32
      %eq3A_101 = arith.cmpi eq, %arg0, %eq3A_100 : i32
      %convert_element_type3A_102 = arith.extui %eq3A_101 : i1 to i32
      %cond3A_103 = arith.constant 0 : i32
      %cond3A_104 = arith.cmpi ne, %convert_element_type3A_102, %cond3A_103 : i32
      scf.if %cond3A_104 {
        "tpu.region"() ({
          %run_scoped3A = tpu.sem_alloc : memref<!tpu.dma_semaphore, #tpu.memory_space<semaphore_mem>>
          %dma_start3A = arith.constant 0 : i32
          %dma_start3A_106 = arith.constant 0 : i32
          %dma_start3A_107 = tpu.memref_slice %arg3[%dma_start3A, %dma_start3A_106] : memref<50176x40xf32, #tpu.memory_space<hbm>> -> memref<50176x40xf32, #tpu.memory_space<hbm>>
          tpu.enqueue_indirect_dma source(%dma_start3A_107 : memref<50176x40xf32, #tpu.memory_space<hbm>>) target(%arg10 : memref<64x40xf32, #tpu.memory_space<vmem>>) offsets(%arg8 : memref<64xi32, #tpu.memory_space<vmem>>) semaphore(%run_scoped3A : memref<!tpu.dma_semaphore, #tpu.memory_space<semaphore_mem>>)
          %dma_wait3A = arith.constant 0 : i32
          %dma_wait3A_108 = arith.constant 0 : i32
          %dma_wait3A_109 = tpu.memref_slice %arg3[%dma_wait3A, %dma_wait3A_108] : memref<50176x40xf32, #tpu.memory_space<hbm>> -> memref<50176x40xf32, #tpu.memory_space<hbm>>
          tpu.wait_indirect_dma semaphore(%run_scoped3A : memref<!tpu.dma_semaphore, #tpu.memory_space<semaphore_mem>>) src(%dma_wait3A_109 : memref<50176x40xf32, #tpu.memory_space<hbm>>) dst(%arg10 : memref<64x40xf32, #tpu.memory_space<vmem>>)
          tpu.yield
        }) : () -> ()
      } else {
      }
      "tpu.region"() ({
        %run_scoped3A = tpu.sem_alloc : memref<!tpu.dma_semaphore, #tpu.memory_space<semaphore_mem>>
        %dma_start3A = arith.constant 0 : i32
        %dma_start3A_106 = arith.constant 0 : i32
        %dma_start3A_107 = tpu.memref_slice %arg13[%dma_start3A, %dma_start3A_106] : memref<50176x40xf32, #tpu.memory_space<vmem_shared>> -> memref<50176x40xf32, #tpu.memory_space<vmem_shared>>
        tpu.enqueue_indirect_dma source(%arg10 : memref<64x40xf32, #tpu.memory_space<vmem>>) target(%dma_start3A_107 : memref<50176x40xf32, #tpu.memory_space<vmem_shared>>) offsets(%arg9 : memref<64xi32, #tpu.memory_space<vmem>>) semaphore(%run_scoped3A : memref<!tpu.dma_semaphore, #tpu.memory_space<semaphore_mem>>) {add = true}
        %dma_wait3A = arith.constant 0 : i32
        %dma_wait3A_108 = arith.constant 0 : i32
        %dma_wait3A_109 = tpu.memref_slice %arg13[%dma_wait3A, %dma_wait3A_108] : memref<50176x40xf32, #tpu.memory_space<vmem_shared>> -> memref<50176x40xf32, #tpu.memory_space<vmem_shared>>
        tpu.wait_indirect_dma semaphore(%run_scoped3A : memref<!tpu.dma_semaphore, #tpu.memory_space<semaphore_mem>>) src(%arg10 : memref<64x40xf32, #tpu.memory_space<vmem>>) dst(%dma_wait3A_109 : memref<50176x40xf32, #tpu.memory_space<vmem_shared>>)
        tpu.yield
      }) : () -> ()
      %scan3A_105 = arith.constant 0 : i32
      scf.yield %scan3A_105 : i32
    }
    %scan3A_13 = arith.constant 98 : i32
    %scan3A_14 = arith.constant 0 : i32
    %scan3A_15 = arith.constant 0 : i32
    %scan3A_16 = arith.constant 98 : i32
    %scan3A_17 = arith.addi %scan3A_15, %scan3A_16 : i32
    %scan3A_18 = arith.constant 1 : i32
    %scan3A_19 = scf.for %scan3A_93 = %scan3A_15 to %scan3A_17 step %scan3A_18 iter_args(%scan3A_94 = %scan3A_14) -> (i32)  : i32 {
      %add3A_95 = arith.constant 98 : i32
      %add3A_96 = arith.addi %mul3A_6, %add3A_95 : i32
      %add3A_97 = arith.addi %add3A_96, %scan3A_93 : i32
      "tpu.region"() ({
        %run_scoped3A = tpu.sem_alloc : memref<!tpu.dma_semaphore, #tpu.memory_space<semaphore_mem>>
        %dma_start3A = arith.constant 0 : i32
        %dma_start3A_106 = tpu.memref_slice %arg4[%add3A_97, %dma_start3A] : memref<12544x64xi32, #tpu.memory_space<hbm>> -> memref<1x64xi32, #tpu.memory_space<hbm>>
        %dma_start3A_107 = tpu.memref_squeeze %dma_start3A_106 : memref<1x64xi32, #tpu.memory_space<hbm>> -> memref<64xi32, #tpu.memory_space<hbm>>
        %dma_start3A_108 = arith.constant 0 : i32
        %dma_start3A_109 = tpu.memref_slice %arg4[%add3A_97, %dma_start3A_108] : memref<12544x64xi32, #tpu.memory_space<hbm>> -> memref<1x64xi32, #tpu.memory_space<hbm>>
        %dma_start3A_110 = tpu.memref_squeeze %dma_start3A_109 : memref<1x64xi32, #tpu.memory_space<hbm>> -> memref<64xi32, #tpu.memory_space<hbm>>
        tpu.enqueue_dma source(%dma_start3A_110 : memref<64xi32, #tpu.memory_space<hbm>>) target(%arg8 : memref<64xi32, #tpu.memory_space<vmem>>) target_semaphore(%run_scoped3A : memref<!tpu.dma_semaphore, #tpu.memory_space<semaphore_mem>>)
        %dma_wait3A = arith.constant 0 : i32
        %dma_wait3A_111 = tpu.memref_slice %arg4[%add3A_97, %dma_wait3A] : memref<12544x64xi32, #tpu.memory_space<hbm>> -> memref<1x64xi32, #tpu.memory_space<hbm>>
        %dma_wait3A_112 = tpu.memref_squeeze %dma_wait3A_111 : memref<1x64xi32, #tpu.memory_space<hbm>> -> memref<64xi32, #tpu.memory_space<hbm>>
        %dma_wait3A_113 = arith.constant 0 : i32
        %dma_wait3A_114 = tpu.memref_slice %arg4[%add3A_97, %dma_wait3A_113] : memref<12544x64xi32, #tpu.memory_space<hbm>> -> memref<1x64xi32, #tpu.memory_space<hbm>>
        %dma_wait3A_115 = tpu.memref_squeeze %dma_wait3A_114 : memref<1x64xi32, #tpu.memory_space<hbm>> -> memref<64xi32, #tpu.memory_space<hbm>>
        tpu.wait_dma2 semaphore(%run_scoped3A : memref<!tpu.dma_semaphore, #tpu.memory_space<semaphore_mem>>) src(%dma_wait3A_115 : memref<64xi32, #tpu.memory_space<hbm>>) dst(%arg8 : memref<64xi32, #tpu.memory_space<vmem>>)
        tpu.yield
      }) : () -> ()
      "tpu.region"() ({
        %run_scoped3A = tpu.sem_alloc : memref<!tpu.dma_semaphore, #tpu.memory_space<semaphore_mem>>
        %dma_start3A = arith.constant 0 : i32
        %dma_start3A_106 = tpu.memref_slice %arg5[%add3A_97, %dma_start3A] : memref<12544x64xi32, #tpu.memory_space<hbm>> -> memref<1x64xi32, #tpu.memory_space<hbm>>
        %dma_start3A_107 = tpu.memref_squeeze %dma_start3A_106 : memref<1x64xi32, #tpu.memory_space<hbm>> -> memref<64xi32, #tpu.memory_space<hbm>>
        %dma_start3A_108 = arith.constant 0 : i32
        %dma_start3A_109 = tpu.memref_slice %arg5[%add3A_97, %dma_start3A_108] : memref<12544x64xi32, #tpu.memory_space<hbm>> -> memref<1x64xi32, #tpu.memory_space<hbm>>
        %dma_start3A_110 = tpu.memref_squeeze %dma_start3A_109 : memref<1x64xi32, #tpu.memory_space<hbm>> -> memref<64xi32, #tpu.memory_space<hbm>>
        tpu.enqueue_dma source(%dma_start3A_110 : memref<64xi32, #tpu.memory_space<hbm>>) target(%arg9 : memref<64xi32, #tpu.memory_space<vmem>>) target_semaphore(%run_scoped3A : memref<!tpu.dma_semaphore, #tpu.memory_space<semaphore_mem>>)
        %dma_wait3A = arith.constant 0 : i32
        %dma_wait3A_111 = tpu.memref_slice %arg5[%add3A_97, %dma_wait3A] : memref<12544x64xi32, #tpu.memory_space<hbm>> -> memref<1x64xi32, #tpu.memory_space<hbm>>
        %dma_wait3A_112 = tpu.memref_squeeze %dma_wait3A_111 : memref<1x64xi32, #tpu.memory_space<hbm>> -> memref<64xi32, #tpu.memory_space<hbm>>
        %dma_wait3A_113 = arith.constant 0 : i32
        %dma_wait3A_114 = tpu.memref_slice %arg5[%add3A_97, %dma_wait3A_113] : memref<12544x64xi32, #tpu.memory_space<hbm>> -> memref<1x64xi32, #tpu.memory_space<hbm>>
        %dma_wait3A_115 = tpu.memref_squeeze %dma_wait3A_114 : memref<1x64xi32, #tpu.memory_space<hbm>> -> memref<64xi32, #tpu.memory_space<hbm>>
        tpu.wait_dma2 semaphore(%run_scoped3A : memref<!tpu.dma_semaphore, #tpu.memory_space<semaphore_mem>>) src(%dma_wait3A_115 : memref<64xi32, #tpu.memory_space<hbm>>) dst(%arg9 : memref<64xi32, #tpu.memory_space<vmem>>)
        tpu.yield
      }) : () -> ()
      %eq3A = arith.constant 0 : i32
      %eq3A_98 = arith.cmpi eq, %arg0, %eq3A : i32
      %convert_element_type3A = arith.extui %eq3A_98 : i1 to i32
      %cond3A = arith.constant 0 : i32
      %cond3A_99 = arith.cmpi ne, %convert_element_type3A, %cond3A : i32
      scf.if %cond3A_99 {
        "tpu.region"() ({
          %run_scoped3A = tpu.sem_alloc : memref<!tpu.dma_semaphore, #tpu.memory_space<semaphore_mem>>
          %dma_start3A = arith.constant 0 : i32
          %dma_start3A_106 = arith.constant 0 : i32
          %dma_start3A_107 = tpu.memref_slice %arg2[%dma_start3A, %dma_start3A_106] : memref<50176x40xf32, #tpu.memory_space<hbm>> -> memref<50176x40xf32, #tpu.memory_space<hbm>>
          tpu.enqueue_indirect_dma source(%dma_start3A_107 : memref<50176x40xf32, #tpu.memory_space<hbm>>) target(%arg10 : memref<64x40xf32, #tpu.memory_space<vmem>>) offsets(%arg8 : memref<64xi32, #tpu.memory_space<vmem>>) semaphore(%run_scoped3A : memref<!tpu.dma_semaphore, #tpu.memory_space<semaphore_mem>>)
          %dma_wait3A = arith.constant 0 : i32
          %dma_wait3A_108 = arith.constant 0 : i32
          %dma_wait3A_109 = tpu.memref_slice %arg2[%dma_wait3A, %dma_wait3A_108] : memref<50176x40xf32, #tpu.memory_space<hbm>> -> memref<50176x40xf32, #tpu.memory_space<hbm>>
          tpu.wait_indirect_dma semaphore(%run_scoped3A : memref<!tpu.dma_semaphore, #tpu.memory_space<semaphore_mem>>) src(%dma_wait3A_109 : memref<50176x40xf32, #tpu.memory_space<hbm>>) dst(%arg10 : memref<64x40xf32, #tpu.memory_space<vmem>>)
          tpu.yield
        }) : () -> ()
      } else {
      }
      %eq3A_100 = arith.constant 1 : i32
      %eq3A_101 = arith.cmpi eq, %arg0, %eq3A_100 : i32
      %convert_element_type3A_102 = arith.extui %eq3A_101 : i1 to i32
      %cond3A_103 = arith.constant 0 : i32
      %cond3A_104 = arith.cmpi ne, %convert_element_type3A_102, %cond3A_103 : i32
      scf.if %cond3A_104 {
        "tpu.region"() ({
          %run_scoped3A = tpu.sem_alloc : memref<!tpu.dma_semaphore, #tpu.memory_space<semaphore_mem>>
          %dma_start3A = arith.constant 0 : i32
          %dma_start3A_106 = arith.constant 0 : i32
          %dma_start3A_107 = tpu.memref_slice %arg3[%dma_start3A, %dma_start3A_106] : memref<50176x40xf32, #tpu.memory_space<hbm>> -> memref<50176x40xf32, #tpu.memory_space<hbm>>
          tpu.enqueue_indirect_dma source(%dma_start3A_107 : memref<50176x40xf32, #tpu.memory_space<hbm>>) target(%arg10 : memref<64x40xf32, #tpu.memory_space<vmem>>) offsets(%arg8 : memref<64xi32, #tpu.memory_space<vmem>>) semaphore(%run_scoped3A : memref<!tpu.dma_semaphore, #tpu.memory_space<semaphore_mem>>)
          %dma_wait3A = arith.constant 0 : i32
          %dma_wait3A_108 = arith.constant 0 : i32
          %dma_wait3A_109 = tpu.memref_slice %arg3[%dma_wait3A, %dma_wait3A_108] : memref<50176x40xf32, #tpu.memory_space<hbm>> -> memref<50176x40xf32, #tpu.memory_space<hbm>>
          tpu.wait_indirect_dma semaphore(%run_scoped3A : memref<!tpu.dma_semaphore, #tpu.memory_space<semaphore_mem>>) src(%dma_wait3A_109 : memref<50176x40xf32, #tpu.memory_space<hbm>>) dst(%arg10 : memref<64x40xf32, #tpu.memory_space<vmem>>)
          tpu.yield
        }) : () -> ()
      } else {
      }
      "tpu.region"() ({
        %run_scoped3A = tpu.sem_alloc : memref<!tpu.dma_semaphore, #tpu.memory_space<semaphore_mem>>
        %dma_start3A = arith.constant 0 : i32
        %dma_start3A_106 = arith.constant 0 : i32
        %dma_start3A_107 = tpu.memref_slice %arg13[%dma_start3A, %dma_start3A_106] : memref<50176x40xf32, #tpu.memory_space<vmem_shared>> -> memref<50176x40xf32, #tpu.memory_space<vmem_shared>>
        tpu.enqueue_indirect_dma source(%arg10 : memref<64x40xf32, #tpu.memory_space<vmem>>) target(%dma_start3A_107 : memref<50176x40xf32, #tpu.memory_space<vmem_shared>>) offsets(%arg9 : memref<64xi32, #tpu.memory_space<vmem>>) semaphore(%run_scoped3A : memref<!tpu.dma_semaphore, #tpu.memory_space<semaphore_mem>>) {add = true}
        %dma_wait3A = arith.constant 0 : i32
        %dma_wait3A_108 = arith.constant 0 : i32
        %dma_wait3A_109 = tpu.memref_slice %arg13[%dma_wait3A, %dma_wait3A_108] : memref<50176x40xf32, #tpu.memory_space<vmem_shared>> -> memref<50176x40xf32, #tpu.memory_space<vmem_shared>>
        tpu.wait_indirect_dma semaphore(%run_scoped3A : memref<!tpu.dma_semaphore, #tpu.memory_space<semaphore_mem>>) src(%arg10 : memref<64x40xf32, #tpu.memory_space<vmem>>) dst(%dma_wait3A_109 : memref<50176x40xf32, #tpu.memory_space<vmem_shared>>)
        tpu.yield
      }) : () -> ()
      %scan3A_105 = arith.constant 0 : i32
      scf.yield %scan3A_105 : i32
    }
    %scan3A_20 = arith.constant 98 : i32
    %scan3A_21 = arith.constant 0 : i32
    %scan3A_22 = arith.constant 0 : i32
    %scan3A_23 = arith.constant 98 : i32
    %scan3A_24 = arith.addi %scan3A_22, %scan3A_23 : i32
    %scan3A_25 = arith.constant 1 : i32
    %scan3A_26 = scf.for %scan3A_93 = %scan3A_22 to %scan3A_24 step %scan3A_25 iter_args(%scan3A_94 = %scan3A_21) -> (i32)  : i32 {
      %add3A_95 = arith.constant 196 : i32
      %add3A_96 = arith.addi %mul3A_6, %add3A_95 : i32
      %add3A_97 = arith.addi %add3A_96, %scan3A_93 : i32
      "tpu.region"() ({
        %run_scoped3A = tpu.sem_alloc : memref<!tpu.dma_semaphore, #tpu.memory_space<semaphore_mem>>
        %dma_start3A = arith.constant 0 : i32
        %dma_start3A_106 = tpu.memref_slice %arg4[%add3A_97, %dma_start3A] : memref<12544x64xi32, #tpu.memory_space<hbm>> -> memref<1x64xi32, #tpu.memory_space<hbm>>
        %dma_start3A_107 = tpu.memref_squeeze %dma_start3A_106 : memref<1x64xi32, #tpu.memory_space<hbm>> -> memref<64xi32, #tpu.memory_space<hbm>>
        %dma_start3A_108 = arith.constant 0 : i32
        %dma_start3A_109 = tpu.memref_slice %arg4[%add3A_97, %dma_start3A_108] : memref<12544x64xi32, #tpu.memory_space<hbm>> -> memref<1x64xi32, #tpu.memory_space<hbm>>
        %dma_start3A_110 = tpu.memref_squeeze %dma_start3A_109 : memref<1x64xi32, #tpu.memory_space<hbm>> -> memref<64xi32, #tpu.memory_space<hbm>>
        tpu.enqueue_dma source(%dma_start3A_110 : memref<64xi32, #tpu.memory_space<hbm>>) target(%arg8 : memref<64xi32, #tpu.memory_space<vmem>>) target_semaphore(%run_scoped3A : memref<!tpu.dma_semaphore, #tpu.memory_space<semaphore_mem>>)
        %dma_wait3A = arith.constant 0 : i32
        %dma_wait3A_111 = tpu.memref_slice %arg4[%add3A_97, %dma_wait3A] : memref<12544x64xi32, #tpu.memory_space<hbm>> -> memref<1x64xi32, #tpu.memory_space<hbm>>
        %dma_wait3A_112 = tpu.memref_squeeze %dma_wait3A_111 : memref<1x64xi32, #tpu.memory_space<hbm>> -> memref<64xi32, #tpu.memory_space<hbm>>
        %dma_wait3A_113 = arith.constant 0 : i32
        %dma_wait3A_114 = tpu.memref_slice %arg4[%add3A_97, %dma_wait3A_113] : memref<12544x64xi32, #tpu.memory_space<hbm>> -> memref<1x64xi32, #tpu.memory_space<hbm>>
        %dma_wait3A_115 = tpu.memref_squeeze %dma_wait3A_114 : memref<1x64xi32, #tpu.memory_space<hbm>> -> memref<64xi32, #tpu.memory_space<hbm>>
        tpu.wait_dma2 semaphore(%run_scoped3A : memref<!tpu.dma_semaphore, #tpu.memory_space<semaphore_mem>>) src(%dma_wait3A_115 : memref<64xi32, #tpu.memory_space<hbm>>) dst(%arg8 : memref<64xi32, #tpu.memory_space<vmem>>)
        tpu.yield
      }) : () -> ()
      "tpu.region"() ({
        %run_scoped3A = tpu.sem_alloc : memref<!tpu.dma_semaphore, #tpu.memory_space<semaphore_mem>>
        %dma_start3A = arith.constant 0 : i32
        %dma_start3A_106 = tpu.memref_slice %arg5[%add3A_97, %dma_start3A] : memref<12544x64xi32, #tpu.memory_space<hbm>> -> memref<1x64xi32, #tpu.memory_space<hbm>>
        %dma_start3A_107 = tpu.memref_squeeze %dma_start3A_106 : memref<1x64xi32, #tpu.memory_space<hbm>> -> memref<64xi32, #tpu.memory_space<hbm>>
        %dma_start3A_108 = arith.constant 0 : i32
        %dma_start3A_109 = tpu.memref_slice %arg5[%add3A_97, %dma_start3A_108] : memref<12544x64xi32, #tpu.memory_space<hbm>> -> memref<1x64xi32, #tpu.memory_space<hbm>>
        %dma_start3A_110 = tpu.memref_squeeze %dma_start3A_109 : memref<1x64xi32, #tpu.memory_space<hbm>> -> memref<64xi32, #tpu.memory_space<hbm>>
        tpu.enqueue_dma source(%dma_start3A_110 : memref<64xi32, #tpu.memory_space<hbm>>) target(%arg9 : memref<64xi32, #tpu.memory_space<vmem>>) target_semaphore(%run_scoped3A : memref<!tpu.dma_semaphore, #tpu.memory_space<semaphore_mem>>)
        %dma_wait3A = arith.constant 0 : i32
        %dma_wait3A_111 = tpu.memref_slice %arg5[%add3A_97, %dma_wait3A] : memref<12544x64xi32, #tpu.memory_space<hbm>> -> memref<1x64xi32, #tpu.memory_space<hbm>>
        %dma_wait3A_112 = tpu.memref_squeeze %dma_wait3A_111 : memref<1x64xi32, #tpu.memory_space<hbm>> -> memref<64xi32, #tpu.memory_space<hbm>>
        %dma_wait3A_113 = arith.constant 0 : i32
        %dma_wait3A_114 = tpu.memref_slice %arg5[%add3A_97, %dma_wait3A_113] : memref<12544x64xi32, #tpu.memory_space<hbm>> -> memref<1x64xi32, #tpu.memory_space<hbm>>
        %dma_wait3A_115 = tpu.memref_squeeze %dma_wait3A_114 : memref<1x64xi32, #tpu.memory_space<hbm>> -> memref<64xi32, #tpu.memory_space<hbm>>
        tpu.wait_dma2 semaphore(%run_scoped3A : memref<!tpu.dma_semaphore, #tpu.memory_space<semaphore_mem>>) src(%dma_wait3A_115 : memref<64xi32, #tpu.memory_space<hbm>>) dst(%arg9 : memref<64xi32, #tpu.memory_space<vmem>>)
        tpu.yield
      }) : () -> ()
      %eq3A = arith.constant 0 : i32
      %eq3A_98 = arith.cmpi eq, %arg0, %eq3A : i32
      %convert_element_type3A = arith.extui %eq3A_98 : i1 to i32
      %cond3A = arith.constant 0 : i32
      %cond3A_99 = arith.cmpi ne, %convert_element_type3A, %cond3A : i32
      scf.if %cond3A_99 {
        "tpu.region"() ({
          %run_scoped3A = tpu.sem_alloc : memref<!tpu.dma_semaphore, #tpu.memory_space<semaphore_mem>>
          %dma_start3A = arith.constant 0 : i32
          %dma_start3A_106 = arith.constant 0 : i32
          %dma_start3A_107 = tpu.memref_slice %arg2[%dma_start3A, %dma_start3A_106] : memref<50176x40xf32, #tpu.memory_space<hbm>> -> memref<50176x40xf32, #tpu.memory_space<hbm>>
          tpu.enqueue_indirect_dma source(%dma_start3A_107 : memref<50176x40xf32, #tpu.memory_space<hbm>>) target(%arg10 : memref<64x40xf32, #tpu.memory_space<vmem>>) offsets(%arg8 : memref<64xi32, #tpu.memory_space<vmem>>) semaphore(%run_scoped3A : memref<!tpu.dma_semaphore, #tpu.memory_space<semaphore_mem>>)
          %dma_wait3A = arith.constant 0 : i32
          %dma_wait3A_108 = arith.constant 0 : i32
          %dma_wait3A_109 = tpu.memref_slice %arg2[%dma_wait3A, %dma_wait3A_108] : memref<50176x40xf32, #tpu.memory_space<hbm>> -> memref<50176x40xf32, #tpu.memory_space<hbm>>
          tpu.wait_indirect_dma semaphore(%run_scoped3A : memref<!tpu.dma_semaphore, #tpu.memory_space<semaphore_mem>>) src(%dma_wait3A_109 : memref<50176x40xf32, #tpu.memory_space<hbm>>) dst(%arg10 : memref<64x40xf32, #tpu.memory_space<vmem>>)
          tpu.yield
        }) : () -> ()
      } else {
      }
      %eq3A_100 = arith.constant 1 : i32
      %eq3A_101 = arith.cmpi eq, %arg0, %eq3A_100 : i32
      %convert_element_type3A_102 = arith.extui %eq3A_101 : i1 to i32
      %cond3A_103 = arith.constant 0 : i32
      %cond3A_104 = arith.cmpi ne, %convert_element_type3A_102, %cond3A_103 : i32
      scf.if %cond3A_104 {
        "tpu.region"() ({
          %run_scoped3A = tpu.sem_alloc : memref<!tpu.dma_semaphore, #tpu.memory_space<semaphore_mem>>
          %dma_start3A = arith.constant 0 : i32
          %dma_start3A_106 = arith.constant 0 : i32
          %dma_start3A_107 = tpu.memref_slice %arg3[%dma_start3A, %dma_start3A_106] : memref<50176x40xf32, #tpu.memory_space<hbm>> -> memref<50176x40xf32, #tpu.memory_space<hbm>>
          tpu.enqueue_indirect_dma source(%dma_start3A_107 : memref<50176x40xf32, #tpu.memory_space<hbm>>) target(%arg10 : memref<64x40xf32, #tpu.memory_space<vmem>>) offsets(%arg8 : memref<64xi32, #tpu.memory_space<vmem>>) semaphore(%run_scoped3A : memref<!tpu.dma_semaphore, #tpu.memory_space<semaphore_mem>>)
          %dma_wait3A = arith.constant 0 : i32
          %dma_wait3A_108 = arith.constant 0 : i32
          %dma_wait3A_109 = tpu.memref_slice %arg3[%dma_wait3A, %dma_wait3A_108] : memref<50176x40xf32, #tpu.memory_space<hbm>> -> memref<50176x40xf32, #tpu.memory_space<hbm>>
          tpu.wait_indirect_dma semaphore(%run_scoped3A : memref<!tpu.dma_semaphore, #tpu.memory_space<semaphore_mem>>) src(%dma_wait3A_109 : memref<50176x40xf32, #tpu.memory_space<hbm>>) dst(%arg10 : memref<64x40xf32, #tpu.memory_space<vmem>>)
          tpu.yield
        }) : () -> ()
      } else {
      }
      "tpu.region"() ({
        %run_scoped3A = tpu.sem_alloc : memref<!tpu.dma_semaphore, #tpu.memory_space<semaphore_mem>>
        %dma_start3A = arith.constant 0 : i32
        %dma_start3A_106 = arith.constant 0 : i32
        %dma_start3A_107 = tpu.memref_slice %arg13[%dma_start3A, %dma_start3A_106] : memref<50176x40xf32, #tpu.memory_space<vmem_shared>> -> memref<50176x40xf32, #tpu.memory_space<vmem_shared>>
        tpu.enqueue_indirect_dma source(%arg10 : memref<64x40xf32, #tpu.memory_space<vmem>>) target(%dma_start3A_107 : memref<50176x40xf32, #tpu.memory_space<vmem_shared>>) offsets(%arg9 : memref<64xi32, #tpu.memory_space<vmem>>) semaphore(%run_scoped3A : memref<!tpu.dma_semaphore, #tpu.memory_space<semaphore_mem>>) {add = true}
        %dma_wait3A = arith.constant 0 : i32
        %dma_wait3A_108 = arith.constant 0 : i32
        %dma_wait3A_109 = tpu.memref_slice %arg13[%dma_wait3A, %dma_wait3A_108] : memref<50176x40xf32, #tpu.memory_space<vmem_shared>> -> memref<50176x40xf32, #tpu.memory_space<vmem_shared>>
        tpu.wait_indirect_dma semaphore(%run_scoped3A : memref<!tpu.dma_semaphore, #tpu.memory_space<semaphore_mem>>) src(%arg10 : memref<64x40xf32, #tpu.memory_space<vmem>>) dst(%dma_wait3A_109 : memref<50176x40xf32, #tpu.memory_space<vmem_shared>>)
        tpu.yield
      }) : () -> ()
      %scan3A_105 = arith.constant 0 : i32
      scf.yield %scan3A_105 : i32
    }
    %scan3A_27 = arith.constant 98 : i32
    %scan3A_28 = arith.constant 0 : i32
    %scan3A_29 = arith.constant 0 : i32
    %scan3A_30 = arith.constant 98 : i32
    %scan3A_31 = arith.addi %scan3A_29, %scan3A_30 : i32
    %scan3A_32 = arith.constant 1 : i32
    %scan3A_33 = scf.for %scan3A_93 = %scan3A_29 to %scan3A_31 step %scan3A_32 iter_args(%scan3A_94 = %scan3A_28) -> (i32)  : i32 {
      %add3A_95 = arith.constant 294 : i32
      %add3A_96 = arith.addi %mul3A_6, %add3A_95 : i32
      %add3A_97 = arith.addi %add3A_96, %scan3A_93 : i32
      "tpu.region"() ({
        %run_scoped3A = tpu.sem_alloc : memref<!tpu.dma_semaphore, #tpu.memory_space<semaphore_mem>>
        %dma_start3A = arith.constant 0 : i32
        %dma_start3A_106 = tpu.memref_slice %arg4[%add3A_97, %dma_start3A] : memref<12544x64xi32, #tpu.memory_space<hbm>> -> memref<1x64xi32, #tpu.memory_space<hbm>>
        %dma_start3A_107 = tpu.memref_squeeze %dma_start3A_106 : memref<1x64xi32, #tpu.memory_space<hbm>> -> memref<64xi32, #tpu.memory_space<hbm>>
        %dma_start3A_108 = arith.constant 0 : i32
        %dma_start3A_109 = tpu.memref_slice %arg4[%add3A_97, %dma_start3A_108] : memref<12544x64xi32, #tpu.memory_space<hbm>> -> memref<1x64xi32, #tpu.memory_space<hbm>>
        %dma_start3A_110 = tpu.memref_squeeze %dma_start3A_109 : memref<1x64xi32, #tpu.memory_space<hbm>> -> memref<64xi32, #tpu.memory_space<hbm>>
        tpu.enqueue_dma source(%dma_start3A_110 : memref<64xi32, #tpu.memory_space<hbm>>) target(%arg8 : memref<64xi32, #tpu.memory_space<vmem>>) target_semaphore(%run_scoped3A : memref<!tpu.dma_semaphore, #tpu.memory_space<semaphore_mem>>)
        %dma_wait3A = arith.constant 0 : i32
        %dma_wait3A_111 = tpu.memref_slice %arg4[%add3A_97, %dma_wait3A] : memref<12544x64xi32, #tpu.memory_space<hbm>> -> memref<1x64xi32, #tpu.memory_space<hbm>>
        %dma_wait3A_112 = tpu.memref_squeeze %dma_wait3A_111 : memref<1x64xi32, #tpu.memory_space<hbm>> -> memref<64xi32, #tpu.memory_space<hbm>>
        %dma_wait3A_113 = arith.constant 0 : i32
        %dma_wait3A_114 = tpu.memref_slice %arg4[%add3A_97, %dma_wait3A_113] : memref<12544x64xi32, #tpu.memory_space<hbm>> -> memref<1x64xi32, #tpu.memory_space<hbm>>
        %dma_wait3A_115 = tpu.memref_squeeze %dma_wait3A_114 : memref<1x64xi32, #tpu.memory_space<hbm>> -> memref<64xi32, #tpu.memory_space<hbm>>
        tpu.wait_dma2 semaphore(%run_scoped3A : memref<!tpu.dma_semaphore, #tpu.memory_space<semaphore_mem>>) src(%dma_wait3A_115 : memref<64xi32, #tpu.memory_space<hbm>>) dst(%arg8 : memref<64xi32, #tpu.memory_space<vmem>>)
        tpu.yield
      }) : () -> ()
      "tpu.region"() ({
        %run_scoped3A = tpu.sem_alloc : memref<!tpu.dma_semaphore, #tpu.memory_space<semaphore_mem>>
        %dma_start3A = arith.constant 0 : i32
        %dma_start3A_106 = tpu.memref_slice %arg5[%add3A_97, %dma_start3A] : memref<12544x64xi32, #tpu.memory_space<hbm>> -> memref<1x64xi32, #tpu.memory_space<hbm>>
        %dma_start3A_107 = tpu.memref_squeeze %dma_start3A_106 : memref<1x64xi32, #tpu.memory_space<hbm>> -> memref<64xi32, #tpu.memory_space<hbm>>
        %dma_start3A_108 = arith.constant 0 : i32
        %dma_start3A_109 = tpu.memref_slice %arg5[%add3A_97, %dma_start3A_108] : memref<12544x64xi32, #tpu.memory_space<hbm>> -> memref<1x64xi32, #tpu.memory_space<hbm>>
        %dma_start3A_110 = tpu.memref_squeeze %dma_start3A_109 : memref<1x64xi32, #tpu.memory_space<hbm>> -> memref<64xi32, #tpu.memory_space<hbm>>
        tpu.enqueue_dma source(%dma_start3A_110 : memref<64xi32, #tpu.memory_space<hbm>>) target(%arg9 : memref<64xi32, #tpu.memory_space<vmem>>) target_semaphore(%run_scoped3A : memref<!tpu.dma_semaphore, #tpu.memory_space<semaphore_mem>>)
        %dma_wait3A = arith.constant 0 : i32
        %dma_wait3A_111 = tpu.memref_slice %arg5[%add3A_97, %dma_wait3A] : memref<12544x64xi32, #tpu.memory_space<hbm>> -> memref<1x64xi32, #tpu.memory_space<hbm>>
        %dma_wait3A_112 = tpu.memref_squeeze %dma_wait3A_111 : memref<1x64xi32, #tpu.memory_space<hbm>> -> memref<64xi32, #tpu.memory_space<hbm>>
        %dma_wait3A_113 = arith.constant 0 : i32
        %dma_wait3A_114 = tpu.memref_slice %arg5[%add3A_97, %dma_wait3A_113] : memref<12544x64xi32, #tpu.memory_space<hbm>> -> memref<1x64xi32, #tpu.memory_space<hbm>>
        %dma_wait3A_115 = tpu.memref_squeeze %dma_wait3A_114 : memref<1x64xi32, #tpu.memory_space<hbm>> -> memref<64xi32, #tpu.memory_space<hbm>>
        tpu.wait_dma2 semaphore(%run_scoped3A : memref<!tpu.dma_semaphore, #tpu.memory_space<semaphore_mem>>) src(%dma_wait3A_115 : memref<64xi32, #tpu.memory_space<hbm>>) dst(%arg9 : memref<64xi32, #tpu.memory_space<vmem>>)
        tpu.yield
      }) : () -> ()
      %eq3A = arith.constant 0 : i32
      %eq3A_98 = arith.cmpi eq, %arg0, %eq3A : i32
      %convert_element_type3A = arith.extui %eq3A_98 : i1 to i32
      %cond3A = arith.constant 0 : i32
      %cond3A_99 = arith.cmpi ne, %convert_element_type3A, %cond3A : i32
      scf.if %cond3A_99 {
        "tpu.region"() ({
          %run_scoped3A = tpu.sem_alloc : memref<!tpu.dma_semaphore, #tpu.memory_space<semaphore_mem>>
          %dma_start3A = arith.constant 0 : i32
          %dma_start3A_106 = arith.constant 0 : i32
          %dma_start3A_107 = tpu.memref_slice %arg2[%dma_start3A, %dma_start3A_106] : memref<50176x40xf32, #tpu.memory_space<hbm>> -> memref<50176x40xf32, #tpu.memory_space<hbm>>
          tpu.enqueue_indirect_dma source(%dma_start3A_107 : memref<50176x40xf32, #tpu.memory_space<hbm>>) target(%arg10 : memref<64x40xf32, #tpu.memory_space<vmem>>) offsets(%arg8 : memref<64xi32, #tpu.memory_space<vmem>>) semaphore(%run_scoped3A : memref<!tpu.dma_semaphore, #tpu.memory_space<semaphore_mem>>)
          %dma_wait3A = arith.constant 0 : i32
          %dma_wait3A_108 = arith.constant 0 : i32
          %dma_wait3A_109 = tpu.memref_slice %arg2[%dma_wait3A, %dma_wait3A_108] : memref<50176x40xf32, #tpu.memory_space<hbm>> -> memref<50176x40xf32, #tpu.memory_space<hbm>>
          tpu.wait_indirect_dma semaphore(%run_scoped3A : memref<!tpu.dma_semaphore, #tpu.memory_space<semaphore_mem>>) src(%dma_wait3A_109 : memref<50176x40xf32, #tpu.memory_space<hbm>>) dst(%arg10 : memref<64x40xf32, #tpu.memory_space<vmem>>)
          tpu.yield
        }) : () -> ()
      } else {
      }
      %eq3A_100 = arith.constant 1 : i32
      %eq3A_101 = arith.cmpi eq, %arg0, %eq3A_100 : i32
      %convert_element_type3A_102 = arith.extui %eq3A_101 : i1 to i32
      %cond3A_103 = arith.constant 0 : i32
      %cond3A_104 = arith.cmpi ne, %convert_element_type3A_102, %cond3A_103 : i32
      scf.if %cond3A_104 {
        "tpu.region"() ({
          %run_scoped3A = tpu.sem_alloc : memref<!tpu.dma_semaphore, #tpu.memory_space<semaphore_mem>>
          %dma_start3A = arith.constant 0 : i32
          %dma_start3A_106 = arith.constant 0 : i32
          %dma_start3A_107 = tpu.memref_slice %arg3[%dma_start3A, %dma_start3A_106] : memref<50176x40xf32, #tpu.memory_space<hbm>> -> memref<50176x40xf32, #tpu.memory_space<hbm>>
          tpu.enqueue_indirect_dma source(%dma_start3A_107 : memref<50176x40xf32, #tpu.memory_space<hbm>>) target(%arg10 : memref<64x40xf32, #tpu.memory_space<vmem>>) offsets(%arg8 : memref<64xi32, #tpu.memory_space<vmem>>) semaphore(%run_scoped3A : memref<!tpu.dma_semaphore, #tpu.memory_space<semaphore_mem>>)
          %dma_wait3A = arith.constant 0 : i32
          %dma_wait3A_108 = arith.constant 0 : i32
          %dma_wait3A_109 = tpu.memref_slice %arg3[%dma_wait3A, %dma_wait3A_108] : memref<50176x40xf32, #tpu.memory_space<hbm>> -> memref<50176x40xf32, #tpu.memory_space<hbm>>
          tpu.wait_indirect_dma semaphore(%run_scoped3A : memref<!tpu.dma_semaphore, #tpu.memory_space<semaphore_mem>>) src(%dma_wait3A_109 : memref<50176x40xf32, #tpu.memory_space<hbm>>) dst(%arg10 : memref<64x40xf32, #tpu.memory_space<vmem>>)
          tpu.yield
        }) : () -> ()
      } else {
      }
      "tpu.region"() ({
        %run_scoped3A = tpu.sem_alloc : memref<!tpu.dma_semaphore, #tpu.memory_space<semaphore_mem>>
        %dma_start3A = arith.constant 0 : i32
        %dma_start3A_106 = arith.constant 0 : i32
        %dma_start3A_107 = tpu.memref_slice %arg13[%dma_start3A, %dma_start3A_106] : memref<50176x40xf32, #tpu.memory_space<vmem_shared>> -> memref<50176x40xf32, #tpu.memory_space<vmem_shared>>
        tpu.enqueue_indirect_dma source(%arg10 : memref<64x40xf32, #tpu.memory_space<vmem>>) target(%dma_start3A_107 : memref<50176x40xf32, #tpu.memory_space<vmem_shared>>) offsets(%arg9 : memref<64xi32, #tpu.memory_space<vmem>>) semaphore(%run_scoped3A : memref<!tpu.dma_semaphore, #tpu.memory_space<semaphore_mem>>) {add = true}
        %dma_wait3A = arith.constant 0 : i32
        %dma_wait3A_108 = arith.constant 0 : i32
        %dma_wait3A_109 = tpu.memref_slice %arg13[%dma_wait3A, %dma_wait3A_108] : memref<50176x40xf32, #tpu.memory_space<vmem_shared>> -> memref<50176x40xf32, #tpu.memory_space<vmem_shared>>
        tpu.wait_indirect_dma semaphore(%run_scoped3A : memref<!tpu.dma_semaphore, #tpu.memory_space<semaphore_mem>>) src(%arg10 : memref<64x40xf32, #tpu.memory_space<vmem>>) dst(%dma_wait3A_109 : memref<50176x40xf32, #tpu.memory_space<vmem_shared>>)
        tpu.yield
      }) : () -> ()
      %scan3A_105 = arith.constant 0 : i32
      scf.yield %scan3A_105 : i32
    }
    %scan3A_34 = arith.constant 98 : i32
    %scan3A_35 = arith.constant 0 : i32
    %scan3A_36 = arith.constant 0 : i32
    %scan3A_37 = arith.constant 98 : i32
    %scan3A_38 = arith.addi %scan3A_36, %scan3A_37 : i32
    %scan3A_39 = arith.constant 1 : i32
    %scan3A_40 = scf.for %scan3A_93 = %scan3A_36 to %scan3A_38 step %scan3A_39 iter_args(%scan3A_94 = %scan3A_35) -> (i32)  : i32 {
      %add3A_95 = arith.constant 392 : i32
      %add3A_96 = arith.addi %mul3A_6, %add3A_95 : i32
      %add3A_97 = arith.addi %add3A_96, %scan3A_93 : i32
      "tpu.region"() ({
        %run_scoped3A = tpu.sem_alloc : memref<!tpu.dma_semaphore, #tpu.memory_space<semaphore_mem>>
        %dma_start3A = arith.constant 0 : i32
        %dma_start3A_106 = tpu.memref_slice %arg4[%add3A_97, %dma_start3A] : memref<12544x64xi32, #tpu.memory_space<hbm>> -> memref<1x64xi32, #tpu.memory_space<hbm>>
        %dma_start3A_107 = tpu.memref_squeeze %dma_start3A_106 : memref<1x64xi32, #tpu.memory_space<hbm>> -> memref<64xi32, #tpu.memory_space<hbm>>
        %dma_start3A_108 = arith.constant 0 : i32
        %dma_start3A_109 = tpu.memref_slice %arg4[%add3A_97, %dma_start3A_108] : memref<12544x64xi32, #tpu.memory_space<hbm>> -> memref<1x64xi32, #tpu.memory_space<hbm>>
        %dma_start3A_110 = tpu.memref_squeeze %dma_start3A_109 : memref<1x64xi32, #tpu.memory_space<hbm>> -> memref<64xi32, #tpu.memory_space<hbm>>
        tpu.enqueue_dma source(%dma_start3A_110 : memref<64xi32, #tpu.memory_space<hbm>>) target(%arg8 : memref<64xi32, #tpu.memory_space<vmem>>) target_semaphore(%run_scoped3A : memref<!tpu.dma_semaphore, #tpu.memory_space<semaphore_mem>>)
        %dma_wait3A = arith.constant 0 : i32
        %dma_wait3A_111 = tpu.memref_slice %arg4[%add3A_97, %dma_wait3A] : memref<12544x64xi32, #tpu.memory_space<hbm>> -> memref<1x64xi32, #tpu.memory_space<hbm>>
        %dma_wait3A_112 = tpu.memref_squeeze %dma_wait3A_111 : memref<1x64xi32, #tpu.memory_space<hbm>> -> memref<64xi32, #tpu.memory_space<hbm>>
        %dma_wait3A_113 = arith.constant 0 : i32
        %dma_wait3A_114 = tpu.memref_slice %arg4[%add3A_97, %dma_wait3A_113] : memref<12544x64xi32, #tpu.memory_space<hbm>> -> memref<1x64xi32, #tpu.memory_space<hbm>>
        %dma_wait3A_115 = tpu.memref_squeeze %dma_wait3A_114 : memref<1x64xi32, #tpu.memory_space<hbm>> -> memref<64xi32, #tpu.memory_space<hbm>>
        tpu.wait_dma2 semaphore(%run_scoped3A : memref<!tpu.dma_semaphore, #tpu.memory_space<semaphore_mem>>) src(%dma_wait3A_115 : memref<64xi32, #tpu.memory_space<hbm>>) dst(%arg8 : memref<64xi32, #tpu.memory_space<vmem>>)
        tpu.yield
      }) : () -> ()
      "tpu.region"() ({
        %run_scoped3A = tpu.sem_alloc : memref<!tpu.dma_semaphore, #tpu.memory_space<semaphore_mem>>
        %dma_start3A = arith.constant 0 : i32
        %dma_start3A_106 = tpu.memref_slice %arg5[%add3A_97, %dma_start3A] : memref<12544x64xi32, #tpu.memory_space<hbm>> -> memref<1x64xi32, #tpu.memory_space<hbm>>
        %dma_start3A_107 = tpu.memref_squeeze %dma_start3A_106 : memref<1x64xi32, #tpu.memory_space<hbm>> -> memref<64xi32, #tpu.memory_space<hbm>>
        %dma_start3A_108 = arith.constant 0 : i32
        %dma_start3A_109 = tpu.memref_slice %arg5[%add3A_97, %dma_start3A_108] : memref<12544x64xi32, #tpu.memory_space<hbm>> -> memref<1x64xi32, #tpu.memory_space<hbm>>
        %dma_start3A_110 = tpu.memref_squeeze %dma_start3A_109 : memref<1x64xi32, #tpu.memory_space<hbm>> -> memref<64xi32, #tpu.memory_space<hbm>>
        tpu.enqueue_dma source(%dma_start3A_110 : memref<64xi32, #tpu.memory_space<hbm>>) target(%arg9 : memref<64xi32, #tpu.memory_space<vmem>>) target_semaphore(%run_scoped3A : memref<!tpu.dma_semaphore, #tpu.memory_space<semaphore_mem>>)
        %dma_wait3A = arith.constant 0 : i32
        %dma_wait3A_111 = tpu.memref_slice %arg5[%add3A_97, %dma_wait3A] : memref<12544x64xi32, #tpu.memory_space<hbm>> -> memref<1x64xi32, #tpu.memory_space<hbm>>
        %dma_wait3A_112 = tpu.memref_squeeze %dma_wait3A_111 : memref<1x64xi32, #tpu.memory_space<hbm>> -> memref<64xi32, #tpu.memory_space<hbm>>
        %dma_wait3A_113 = arith.constant 0 : i32
        %dma_wait3A_114 = tpu.memref_slice %arg5[%add3A_97, %dma_wait3A_113] : memref<12544x64xi32, #tpu.memory_space<hbm>> -> memref<1x64xi32, #tpu.memory_space<hbm>>
        %dma_wait3A_115 = tpu.memref_squeeze %dma_wait3A_114 : memref<1x64xi32, #tpu.memory_space<hbm>> -> memref<64xi32, #tpu.memory_space<hbm>>
        tpu.wait_dma2 semaphore(%run_scoped3A : memref<!tpu.dma_semaphore, #tpu.memory_space<semaphore_mem>>) src(%dma_wait3A_115 : memref<64xi32, #tpu.memory_space<hbm>>) dst(%arg9 : memref<64xi32, #tpu.memory_space<vmem>>)
        tpu.yield
      }) : () -> ()
      %eq3A = arith.constant 0 : i32
      %eq3A_98 = arith.cmpi eq, %arg0, %eq3A : i32
      %convert_element_type3A = arith.extui %eq3A_98 : i1 to i32
      %cond3A = arith.constant 0 : i32
      %cond3A_99 = arith.cmpi ne, %convert_element_type3A, %cond3A : i32
      scf.if %cond3A_99 {
        "tpu.region"() ({
          %run_scoped3A = tpu.sem_alloc : memref<!tpu.dma_semaphore, #tpu.memory_space<semaphore_mem>>
          %dma_start3A = arith.constant 0 : i32
          %dma_start3A_106 = arith.constant 0 : i32
          %dma_start3A_107 = tpu.memref_slice %arg2[%dma_start3A, %dma_start3A_106] : memref<50176x40xf32, #tpu.memory_space<hbm>> -> memref<50176x40xf32, #tpu.memory_space<hbm>>
          tpu.enqueue_indirect_dma source(%dma_start3A_107 : memref<50176x40xf32, #tpu.memory_space<hbm>>) target(%arg10 : memref<64x40xf32, #tpu.memory_space<vmem>>) offsets(%arg8 : memref<64xi32, #tpu.memory_space<vmem>>) semaphore(%run_scoped3A : memref<!tpu.dma_semaphore, #tpu.memory_space<semaphore_mem>>)
          %dma_wait3A = arith.constant 0 : i32
          %dma_wait3A_108 = arith.constant 0 : i32
          %dma_wait3A_109 = tpu.memref_slice %arg2[%dma_wait3A, %dma_wait3A_108] : memref<50176x40xf32, #tpu.memory_space<hbm>> -> memref<50176x40xf32, #tpu.memory_space<hbm>>
          tpu.wait_indirect_dma semaphore(%run_scoped3A : memref<!tpu.dma_semaphore, #tpu.memory_space<semaphore_mem>>) src(%dma_wait3A_109 : memref<50176x40xf32, #tpu.memory_space<hbm>>) dst(%arg10 : memref<64x40xf32, #tpu.memory_space<vmem>>)
          tpu.yield
        }) : () -> ()
      } else {
      }
      %eq3A_100 = arith.constant 1 : i32
      %eq3A_101 = arith.cmpi eq, %arg0, %eq3A_100 : i32
      %convert_element_type3A_102 = arith.extui %eq3A_101 : i1 to i32
      %cond3A_103 = arith.constant 0 : i32
      %cond3A_104 = arith.cmpi ne, %convert_element_type3A_102, %cond3A_103 : i32
      scf.if %cond3A_104 {
        "tpu.region"() ({
          %run_scoped3A = tpu.sem_alloc : memref<!tpu.dma_semaphore, #tpu.memory_space<semaphore_mem>>
          %dma_start3A = arith.constant 0 : i32
          %dma_start3A_106 = arith.constant 0 : i32
          %dma_start3A_107 = tpu.memref_slice %arg3[%dma_start3A, %dma_start3A_106] : memref<50176x40xf32, #tpu.memory_space<hbm>> -> memref<50176x40xf32, #tpu.memory_space<hbm>>
          tpu.enqueue_indirect_dma source(%dma_start3A_107 : memref<50176x40xf32, #tpu.memory_space<hbm>>) target(%arg10 : memref<64x40xf32, #tpu.memory_space<vmem>>) offsets(%arg8 : memref<64xi32, #tpu.memory_space<vmem>>) semaphore(%run_scoped3A : memref<!tpu.dma_semaphore, #tpu.memory_space<semaphore_mem>>)
          %dma_wait3A = arith.constant 0 : i32
          %dma_wait3A_108 = arith.constant 0 : i32
          %dma_wait3A_109 = tpu.memref_slice %arg3[%dma_wait3A, %dma_wait3A_108] : memref<50176x40xf32, #tpu.memory_space<hbm>> -> memref<50176x40xf32, #tpu.memory_space<hbm>>
          tpu.wait_indirect_dma semaphore(%run_scoped3A : memref<!tpu.dma_semaphore, #tpu.memory_space<semaphore_mem>>) src(%dma_wait3A_109 : memref<50176x40xf32, #tpu.memory_space<hbm>>) dst(%arg10 : memref<64x40xf32, #tpu.memory_space<vmem>>)
          tpu.yield
        }) : () -> ()
      } else {
      }
      "tpu.region"() ({
        %run_scoped3A = tpu.sem_alloc : memref<!tpu.dma_semaphore, #tpu.memory_space<semaphore_mem>>
        %dma_start3A = arith.constant 0 : i32
        %dma_start3A_106 = arith.constant 0 : i32
        %dma_start3A_107 = tpu.memref_slice %arg13[%dma_start3A, %dma_start3A_106] : memref<50176x40xf32, #tpu.memory_space<vmem_shared>> -> memref<50176x40xf32, #tpu.memory_space<vmem_shared>>
        tpu.enqueue_indirect_dma source(%arg10 : memref<64x40xf32, #tpu.memory_space<vmem>>) target(%dma_start3A_107 : memref<50176x40xf32, #tpu.memory_space<vmem_shared>>) offsets(%arg9 : memref<64xi32, #tpu.memory_space<vmem>>) semaphore(%run_scoped3A : memref<!tpu.dma_semaphore, #tpu.memory_space<semaphore_mem>>) {add = true}
        %dma_wait3A = arith.constant 0 : i32
        %dma_wait3A_108 = arith.constant 0 : i32
        %dma_wait3A_109 = tpu.memref_slice %arg13[%dma_wait3A, %dma_wait3A_108] : memref<50176x40xf32, #tpu.memory_space<vmem_shared>> -> memref<50176x40xf32, #tpu.memory_space<vmem_shared>>
        tpu.wait_indirect_dma semaphore(%run_scoped3A : memref<!tpu.dma_semaphore, #tpu.memory_space<semaphore_mem>>) src(%arg10 : memref<64x40xf32, #tpu.memory_space<vmem>>) dst(%dma_wait3A_109 : memref<50176x40xf32, #tpu.memory_space<vmem_shared>>)
        tpu.yield
      }) : () -> ()
      %scan3A_105 = arith.constant 0 : i32
      scf.yield %scan3A_105 : i32
    }
    %scan3A_41 = arith.constant 98 : i32
    %scan3A_42 = arith.constant 0 : i32
    %scan3A_43 = arith.constant 0 : i32
    %scan3A_44 = arith.constant 98 : i32
    %scan3A_45 = arith.addi %scan3A_43, %scan3A_44 : i32
    %scan3A_46 = arith.constant 1 : i32
    %scan3A_47 = scf.for %scan3A_93 = %scan3A_43 to %scan3A_45 step %scan3A_46 iter_args(%scan3A_94 = %scan3A_42) -> (i32)  : i32 {
      %add3A_95 = arith.constant 490 : i32
      %add3A_96 = arith.addi %mul3A_6, %add3A_95 : i32
      %add3A_97 = arith.addi %add3A_96, %scan3A_93 : i32
      "tpu.region"() ({
        %run_scoped3A = tpu.sem_alloc : memref<!tpu.dma_semaphore, #tpu.memory_space<semaphore_mem>>
        %dma_start3A = arith.constant 0 : i32
        %dma_start3A_106 = tpu.memref_slice %arg4[%add3A_97, %dma_start3A] : memref<12544x64xi32, #tpu.memory_space<hbm>> -> memref<1x64xi32, #tpu.memory_space<hbm>>
        %dma_start3A_107 = tpu.memref_squeeze %dma_start3A_106 : memref<1x64xi32, #tpu.memory_space<hbm>> -> memref<64xi32, #tpu.memory_space<hbm>>
        %dma_start3A_108 = arith.constant 0 : i32
        %dma_start3A_109 = tpu.memref_slice %arg4[%add3A_97, %dma_start3A_108] : memref<12544x64xi32, #tpu.memory_space<hbm>> -> memref<1x64xi32, #tpu.memory_space<hbm>>
        %dma_start3A_110 = tpu.memref_squeeze %dma_start3A_109 : memref<1x64xi32, #tpu.memory_space<hbm>> -> memref<64xi32, #tpu.memory_space<hbm>>
        tpu.enqueue_dma source(%dma_start3A_110 : memref<64xi32, #tpu.memory_space<hbm>>) target(%arg8 : memref<64xi32, #tpu.memory_space<vmem>>) target_semaphore(%run_scoped3A : memref<!tpu.dma_semaphore, #tpu.memory_space<semaphore_mem>>)
        %dma_wait3A = arith.constant 0 : i32
        %dma_wait3A_111 = tpu.memref_slice %arg4[%add3A_97, %dma_wait3A] : memref<12544x64xi32, #tpu.memory_space<hbm>> -> memref<1x64xi32, #tpu.memory_space<hbm>>
        %dma_wait3A_112 = tpu.memref_squeeze %dma_wait3A_111 : memref<1x64xi32, #tpu.memory_space<hbm>> -> memref<64xi32, #tpu.memory_space<hbm>>
        %dma_wait3A_113 = arith.constant 0 : i32
        %dma_wait3A_114 = tpu.memref_slice %arg4[%add3A_97, %dma_wait3A_113] : memref<12544x64xi32, #tpu.memory_space<hbm>> -> memref<1x64xi32, #tpu.memory_space<hbm>>
        %dma_wait3A_115 = tpu.memref_squeeze %dma_wait3A_114 : memref<1x64xi32, #tpu.memory_space<hbm>> -> memref<64xi32, #tpu.memory_space<hbm>>
        tpu.wait_dma2 semaphore(%run_scoped3A : memref<!tpu.dma_semaphore, #tpu.memory_space<semaphore_mem>>) src(%dma_wait3A_115 : memref<64xi32, #tpu.memory_space<hbm>>) dst(%arg8 : memref<64xi32, #tpu.memory_space<vmem>>)
        tpu.yield
      }) : () -> ()
      "tpu.region"() ({
        %run_scoped3A = tpu.sem_alloc : memref<!tpu.dma_semaphore, #tpu.memory_space<semaphore_mem>>
        %dma_start3A = arith.constant 0 : i32
        %dma_start3A_106 = tpu.memref_slice %arg5[%add3A_97, %dma_start3A] : memref<12544x64xi32, #tpu.memory_space<hbm>> -> memref<1x64xi32, #tpu.memory_space<hbm>>
        %dma_start3A_107 = tpu.memref_squeeze %dma_start3A_106 : memref<1x64xi32, #tpu.memory_space<hbm>> -> memref<64xi32, #tpu.memory_space<hbm>>
        %dma_start3A_108 = arith.constant 0 : i32
        %dma_start3A_109 = tpu.memref_slice %arg5[%add3A_97, %dma_start3A_108] : memref<12544x64xi32, #tpu.memory_space<hbm>> -> memref<1x64xi32, #tpu.memory_space<hbm>>
        %dma_start3A_110 = tpu.memref_squeeze %dma_start3A_109 : memref<1x64xi32, #tpu.memory_space<hbm>> -> memref<64xi32, #tpu.memory_space<hbm>>
        tpu.enqueue_dma source(%dma_start3A_110 : memref<64xi32, #tpu.memory_space<hbm>>) target(%arg9 : memref<64xi32, #tpu.memory_space<vmem>>) target_semaphore(%run_scoped3A : memref<!tpu.dma_semaphore, #tpu.memory_space<semaphore_mem>>)
        %dma_wait3A = arith.constant 0 : i32
        %dma_wait3A_111 = tpu.memref_slice %arg5[%add3A_97, %dma_wait3A] : memref<12544x64xi32, #tpu.memory_space<hbm>> -> memref<1x64xi32, #tpu.memory_space<hbm>>
        %dma_wait3A_112 = tpu.memref_squeeze %dma_wait3A_111 : memref<1x64xi32, #tpu.memory_space<hbm>> -> memref<64xi32, #tpu.memory_space<hbm>>
        %dma_wait3A_113 = arith.constant 0 : i32
        %dma_wait3A_114 = tpu.memref_slice %arg5[%add3A_97, %dma_wait3A_113] : memref<12544x64xi32, #tpu.memory_space<hbm>> -> memref<1x64xi32, #tpu.memory_space<hbm>>
        %dma_wait3A_115 = tpu.memref_squeeze %dma_wait3A_114 : memref<1x64xi32, #tpu.memory_space<hbm>> -> memref<64xi32, #tpu.memory_space<hbm>>
        tpu.wait_dma2 semaphore(%run_scoped3A : memref<!tpu.dma_semaphore, #tpu.memory_space<semaphore_mem>>) src(%dma_wait3A_115 : memref<64xi32, #tpu.memory_space<hbm>>) dst(%arg9 : memref<64xi32, #tpu.memory_space<vmem>>)
        tpu.yield
      }) : () -> ()
      %eq3A = arith.constant 0 : i32
      %eq3A_98 = arith.cmpi eq, %arg0, %eq3A : i32
      %convert_element_type3A = arith.extui %eq3A_98 : i1 to i32
      %cond3A = arith.constant 0 : i32
      %cond3A_99 = arith.cmpi ne, %convert_element_type3A, %cond3A : i32
      scf.if %cond3A_99 {
        "tpu.region"() ({
          %run_scoped3A = tpu.sem_alloc : memref<!tpu.dma_semaphore, #tpu.memory_space<semaphore_mem>>
          %dma_start3A = arith.constant 0 : i32
          %dma_start3A_106 = arith.constant 0 : i32
          %dma_start3A_107 = tpu.memref_slice %arg2[%dma_start3A, %dma_start3A_106] : memref<50176x40xf32, #tpu.memory_space<hbm>> -> memref<50176x40xf32, #tpu.memory_space<hbm>>
          tpu.enqueue_indirect_dma source(%dma_start3A_107 : memref<50176x40xf32, #tpu.memory_space<hbm>>) target(%arg10 : memref<64x40xf32, #tpu.memory_space<vmem>>) offsets(%arg8 : memref<64xi32, #tpu.memory_space<vmem>>) semaphore(%run_scoped3A : memref<!tpu.dma_semaphore, #tpu.memory_space<semaphore_mem>>)
          %dma_wait3A = arith.constant 0 : i32
          %dma_wait3A_108 = arith.constant 0 : i32
          %dma_wait3A_109 = tpu.memref_slice %arg2[%dma_wait3A, %dma_wait3A_108] : memref<50176x40xf32, #tpu.memory_space<hbm>> -> memref<50176x40xf32, #tpu.memory_space<hbm>>
          tpu.wait_indirect_dma semaphore(%run_scoped3A : memref<!tpu.dma_semaphore, #tpu.memory_space<semaphore_mem>>) src(%dma_wait3A_109 : memref<50176x40xf32, #tpu.memory_space<hbm>>) dst(%arg10 : memref<64x40xf32, #tpu.memory_space<vmem>>)
          tpu.yield
        }) : () -> ()
      } else {
      }
      %eq3A_100 = arith.constant 1 : i32
      %eq3A_101 = arith.cmpi eq, %arg0, %eq3A_100 : i32
      %convert_element_type3A_102 = arith.extui %eq3A_101 : i1 to i32
      %cond3A_103 = arith.constant 0 : i32
      %cond3A_104 = arith.cmpi ne, %convert_element_type3A_102, %cond3A_103 : i32
      scf.if %cond3A_104 {
        "tpu.region"() ({
          %run_scoped3A = tpu.sem_alloc : memref<!tpu.dma_semaphore, #tpu.memory_space<semaphore_mem>>
          %dma_start3A = arith.constant 0 : i32
          %dma_start3A_106 = arith.constant 0 : i32
          %dma_start3A_107 = tpu.memref_slice %arg3[%dma_start3A, %dma_start3A_106] : memref<50176x40xf32, #tpu.memory_space<hbm>> -> memref<50176x40xf32, #tpu.memory_space<hbm>>
          tpu.enqueue_indirect_dma source(%dma_start3A_107 : memref<50176x40xf32, #tpu.memory_space<hbm>>) target(%arg10 : memref<64x40xf32, #tpu.memory_space<vmem>>) offsets(%arg8 : memref<64xi32, #tpu.memory_space<vmem>>) semaphore(%run_scoped3A : memref<!tpu.dma_semaphore, #tpu.memory_space<semaphore_mem>>)
          %dma_wait3A = arith.constant 0 : i32
          %dma_wait3A_108 = arith.constant 0 : i32
          %dma_wait3A_109 = tpu.memref_slice %arg3[%dma_wait3A, %dma_wait3A_108] : memref<50176x40xf32, #tpu.memory_space<hbm>> -> memref<50176x40xf32, #tpu.memory_space<hbm>>
          tpu.wait_indirect_dma semaphore(%run_scoped3A : memref<!tpu.dma_semaphore, #tpu.memory_space<semaphore_mem>>) src(%dma_wait3A_109 : memref<50176x40xf32, #tpu.memory_space<hbm>>) dst(%arg10 : memref<64x40xf32, #tpu.memory_space<vmem>>)
          tpu.yield
        }) : () -> ()
      } else {
      }
      "tpu.region"() ({
        %run_scoped3A = tpu.sem_alloc : memref<!tpu.dma_semaphore, #tpu.memory_space<semaphore_mem>>
        %dma_start3A = arith.constant 0 : i32
        %dma_start3A_106 = arith.constant 0 : i32
        %dma_start3A_107 = tpu.memref_slice %arg13[%dma_start3A, %dma_start3A_106] : memref<50176x40xf32, #tpu.memory_space<vmem_shared>> -> memref<50176x40xf32, #tpu.memory_space<vmem_shared>>
        tpu.enqueue_indirect_dma source(%arg10 : memref<64x40xf32, #tpu.memory_space<vmem>>) target(%dma_start3A_107 : memref<50176x40xf32, #tpu.memory_space<vmem_shared>>) offsets(%arg9 : memref<64xi32, #tpu.memory_space<vmem>>) semaphore(%run_scoped3A : memref<!tpu.dma_semaphore, #tpu.memory_space<semaphore_mem>>) {add = true}
        %dma_wait3A = arith.constant 0 : i32
        %dma_wait3A_108 = arith.constant 0 : i32
        %dma_wait3A_109 = tpu.memref_slice %arg13[%dma_wait3A, %dma_wait3A_108] : memref<50176x40xf32, #tpu.memory_space<vmem_shared>> -> memref<50176x40xf32, #tpu.memory_space<vmem_shared>>
        tpu.wait_indirect_dma semaphore(%run_scoped3A : memref<!tpu.dma_semaphore, #tpu.memory_space<semaphore_mem>>) src(%arg10 : memref<64x40xf32, #tpu.memory_space<vmem>>) dst(%dma_wait3A_109 : memref<50176x40xf32, #tpu.memory_space<vmem_shared>>)
        tpu.yield
      }) : () -> ()
      %scan3A_105 = arith.constant 0 : i32
      scf.yield %scan3A_105 : i32
    }
    %scan3A_48 = arith.constant 98 : i32
    %scan3A_49 = arith.constant 0 : i32
    %scan3A_50 = arith.constant 0 : i32
    %scan3A_51 = arith.constant 98 : i32
    %scan3A_52 = arith.addi %scan3A_50, %scan3A_51 : i32
    %scan3A_53 = arith.constant 1 : i32
    %scan3A_54 = scf.for %scan3A_93 = %scan3A_50 to %scan3A_52 step %scan3A_53 iter_args(%scan3A_94 = %scan3A_49) -> (i32)  : i32 {
      %add3A_95 = arith.constant 588 : i32
      %add3A_96 = arith.addi %mul3A_6, %add3A_95 : i32
      %add3A_97 = arith.addi %add3A_96, %scan3A_93 : i32
      "tpu.region"() ({
        %run_scoped3A = tpu.sem_alloc : memref<!tpu.dma_semaphore, #tpu.memory_space<semaphore_mem>>
        %dma_start3A = arith.constant 0 : i32
        %dma_start3A_106 = tpu.memref_slice %arg4[%add3A_97, %dma_start3A] : memref<12544x64xi32, #tpu.memory_space<hbm>> -> memref<1x64xi32, #tpu.memory_space<hbm>>
        %dma_start3A_107 = tpu.memref_squeeze %dma_start3A_106 : memref<1x64xi32, #tpu.memory_space<hbm>> -> memref<64xi32, #tpu.memory_space<hbm>>
        %dma_start3A_108 = arith.constant 0 : i32
        %dma_start3A_109 = tpu.memref_slice %arg4[%add3A_97, %dma_start3A_108] : memref<12544x64xi32, #tpu.memory_space<hbm>> -> memref<1x64xi32, #tpu.memory_space<hbm>>
        %dma_start3A_110 = tpu.memref_squeeze %dma_start3A_109 : memref<1x64xi32, #tpu.memory_space<hbm>> -> memref<64xi32, #tpu.memory_space<hbm>>
        tpu.enqueue_dma source(%dma_start3A_110 : memref<64xi32, #tpu.memory_space<hbm>>) target(%arg8 : memref<64xi32, #tpu.memory_space<vmem>>) target_semaphore(%run_scoped3A : memref<!tpu.dma_semaphore, #tpu.memory_space<semaphore_mem>>)
        %dma_wait3A = arith.constant 0 : i32
        %dma_wait3A_111 = tpu.memref_slice %arg4[%add3A_97, %dma_wait3A] : memref<12544x64xi32, #tpu.memory_space<hbm>> -> memref<1x64xi32, #tpu.memory_space<hbm>>
        %dma_wait3A_112 = tpu.memref_squeeze %dma_wait3A_111 : memref<1x64xi32, #tpu.memory_space<hbm>> -> memref<64xi32, #tpu.memory_space<hbm>>
        %dma_wait3A_113 = arith.constant 0 : i32
        %dma_wait3A_114 = tpu.memref_slice %arg4[%add3A_97, %dma_wait3A_113] : memref<12544x64xi32, #tpu.memory_space<hbm>> -> memref<1x64xi32, #tpu.memory_space<hbm>>
        %dma_wait3A_115 = tpu.memref_squeeze %dma_wait3A_114 : memref<1x64xi32, #tpu.memory_space<hbm>> -> memref<64xi32, #tpu.memory_space<hbm>>
        tpu.wait_dma2 semaphore(%run_scoped3A : memref<!tpu.dma_semaphore, #tpu.memory_space<semaphore_mem>>) src(%dma_wait3A_115 : memref<64xi32, #tpu.memory_space<hbm>>) dst(%arg8 : memref<64xi32, #tpu.memory_space<vmem>>)
        tpu.yield
      }) : () -> ()
      "tpu.region"() ({
        %run_scoped3A = tpu.sem_alloc : memref<!tpu.dma_semaphore, #tpu.memory_space<semaphore_mem>>
        %dma_start3A = arith.constant 0 : i32
        %dma_start3A_106 = tpu.memref_slice %arg5[%add3A_97, %dma_start3A] : memref<12544x64xi32, #tpu.memory_space<hbm>> -> memref<1x64xi32, #tpu.memory_space<hbm>>
        %dma_start3A_107 = tpu.memref_squeeze %dma_start3A_106 : memref<1x64xi32, #tpu.memory_space<hbm>> -> memref<64xi32, #tpu.memory_space<hbm>>
        %dma_start3A_108 = arith.constant 0 : i32
        %dma_start3A_109 = tpu.memref_slice %arg5[%add3A_97, %dma_start3A_108] : memref<12544x64xi32, #tpu.memory_space<hbm>> -> memref<1x64xi32, #tpu.memory_space<hbm>>
        %dma_start3A_110 = tpu.memref_squeeze %dma_start3A_109 : memref<1x64xi32, #tpu.memory_space<hbm>> -> memref<64xi32, #tpu.memory_space<hbm>>
        tpu.enqueue_dma source(%dma_start3A_110 : memref<64xi32, #tpu.memory_space<hbm>>) target(%arg9 : memref<64xi32, #tpu.memory_space<vmem>>) target_semaphore(%run_scoped3A : memref<!tpu.dma_semaphore, #tpu.memory_space<semaphore_mem>>)
        %dma_wait3A = arith.constant 0 : i32
        %dma_wait3A_111 = tpu.memref_slice %arg5[%add3A_97, %dma_wait3A] : memref<12544x64xi32, #tpu.memory_space<hbm>> -> memref<1x64xi32, #tpu.memory_space<hbm>>
        %dma_wait3A_112 = tpu.memref_squeeze %dma_wait3A_111 : memref<1x64xi32, #tpu.memory_space<hbm>> -> memref<64xi32, #tpu.memory_space<hbm>>
        %dma_wait3A_113 = arith.constant 0 : i32
        %dma_wait3A_114 = tpu.memref_slice %arg5[%add3A_97, %dma_wait3A_113] : memref<12544x64xi32, #tpu.memory_space<hbm>> -> memref<1x64xi32, #tpu.memory_space<hbm>>
        %dma_wait3A_115 = tpu.memref_squeeze %dma_wait3A_114 : memref<1x64xi32, #tpu.memory_space<hbm>> -> memref<64xi32, #tpu.memory_space<hbm>>
        tpu.wait_dma2 semaphore(%run_scoped3A : memref<!tpu.dma_semaphore, #tpu.memory_space<semaphore_mem>>) src(%dma_wait3A_115 : memref<64xi32, #tpu.memory_space<hbm>>) dst(%arg9 : memref<64xi32, #tpu.memory_space<vmem>>)
        tpu.yield
      }) : () -> ()
      %eq3A = arith.constant 0 : i32
      %eq3A_98 = arith.cmpi eq, %arg0, %eq3A : i32
      %convert_element_type3A = arith.extui %eq3A_98 : i1 to i32
      %cond3A = arith.constant 0 : i32
      %cond3A_99 = arith.cmpi ne, %convert_element_type3A, %cond3A : i32
      scf.if %cond3A_99 {
        "tpu.region"() ({
          %run_scoped3A = tpu.sem_alloc : memref<!tpu.dma_semaphore, #tpu.memory_space<semaphore_mem>>
          %dma_start3A = arith.constant 0 : i32
          %dma_start3A_106 = arith.constant 0 : i32
          %dma_start3A_107 = tpu.memref_slice %arg2[%dma_start3A, %dma_start3A_106] : memref<50176x40xf32, #tpu.memory_space<hbm>> -> memref<50176x40xf32, #tpu.memory_space<hbm>>
          tpu.enqueue_indirect_dma source(%dma_start3A_107 : memref<50176x40xf32, #tpu.memory_space<hbm>>) target(%arg10 : memref<64x40xf32, #tpu.memory_space<vmem>>) offsets(%arg8 : memref<64xi32, #tpu.memory_space<vmem>>) semaphore(%run_scoped3A : memref<!tpu.dma_semaphore, #tpu.memory_space<semaphore_mem>>)
          %dma_wait3A = arith.constant 0 : i32
          %dma_wait3A_108 = arith.constant 0 : i32
          %dma_wait3A_109 = tpu.memref_slice %arg2[%dma_wait3A, %dma_wait3A_108] : memref<50176x40xf32, #tpu.memory_space<hbm>> -> memref<50176x40xf32, #tpu.memory_space<hbm>>
          tpu.wait_indirect_dma semaphore(%run_scoped3A : memref<!tpu.dma_semaphore, #tpu.memory_space<semaphore_mem>>) src(%dma_wait3A_109 : memref<50176x40xf32, #tpu.memory_space<hbm>>) dst(%arg10 : memref<64x40xf32, #tpu.memory_space<vmem>>)
          tpu.yield
        }) : () -> ()
      } else {
      }
      %eq3A_100 = arith.constant 1 : i32
      %eq3A_101 = arith.cmpi eq, %arg0, %eq3A_100 : i32
      %convert_element_type3A_102 = arith.extui %eq3A_101 : i1 to i32
      %cond3A_103 = arith.constant 0 : i32
      %cond3A_104 = arith.cmpi ne, %convert_element_type3A_102, %cond3A_103 : i32
      scf.if %cond3A_104 {
        "tpu.region"() ({
          %run_scoped3A = tpu.sem_alloc : memref<!tpu.dma_semaphore, #tpu.memory_space<semaphore_mem>>
          %dma_start3A = arith.constant 0 : i32
          %dma_start3A_106 = arith.constant 0 : i32
          %dma_start3A_107 = tpu.memref_slice %arg3[%dma_start3A, %dma_start3A_106] : memref<50176x40xf32, #tpu.memory_space<hbm>> -> memref<50176x40xf32, #tpu.memory_space<hbm>>
          tpu.enqueue_indirect_dma source(%dma_start3A_107 : memref<50176x40xf32, #tpu.memory_space<hbm>>) target(%arg10 : memref<64x40xf32, #tpu.memory_space<vmem>>) offsets(%arg8 : memref<64xi32, #tpu.memory_space<vmem>>) semaphore(%run_scoped3A : memref<!tpu.dma_semaphore, #tpu.memory_space<semaphore_mem>>)
          %dma_wait3A = arith.constant 0 : i32
          %dma_wait3A_108 = arith.constant 0 : i32
          %dma_wait3A_109 = tpu.memref_slice %arg3[%dma_wait3A, %dma_wait3A_108] : memref<50176x40xf32, #tpu.memory_space<hbm>> -> memref<50176x40xf32, #tpu.memory_space<hbm>>
          tpu.wait_indirect_dma semaphore(%run_scoped3A : memref<!tpu.dma_semaphore, #tpu.memory_space<semaphore_mem>>) src(%dma_wait3A_109 : memref<50176x40xf32, #tpu.memory_space<hbm>>) dst(%arg10 : memref<64x40xf32, #tpu.memory_space<vmem>>)
          tpu.yield
        }) : () -> ()
      } else {
      }
      "tpu.region"() ({
        %run_scoped3A = tpu.sem_alloc : memref<!tpu.dma_semaphore, #tpu.memory_space<semaphore_mem>>
        %dma_start3A = arith.constant 0 : i32
        %dma_start3A_106 = arith.constant 0 : i32
        %dma_start3A_107 = tpu.memref_slice %arg13[%dma_start3A, %dma_start3A_106] : memref<50176x40xf32, #tpu.memory_space<vmem_shared>> -> memref<50176x40xf32, #tpu.memory_space<vmem_shared>>
        tpu.enqueue_indirect_dma source(%arg10 : memref<64x40xf32, #tpu.memory_space<vmem>>) target(%dma_start3A_107 : memref<50176x40xf32, #tpu.memory_space<vmem_shared>>) offsets(%arg9 : memref<64xi32, #tpu.memory_space<vmem>>) semaphore(%run_scoped3A : memref<!tpu.dma_semaphore, #tpu.memory_space<semaphore_mem>>) {add = true}
        %dma_wait3A = arith.constant 0 : i32
        %dma_wait3A_108 = arith.constant 0 : i32
        %dma_wait3A_109 = tpu.memref_slice %arg13[%dma_wait3A, %dma_wait3A_108] : memref<50176x40xf32, #tpu.memory_space<vmem_shared>> -> memref<50176x40xf32, #tpu.memory_space<vmem_shared>>
        tpu.wait_indirect_dma semaphore(%run_scoped3A : memref<!tpu.dma_semaphore, #tpu.memory_space<semaphore_mem>>) src(%arg10 : memref<64x40xf32, #tpu.memory_space<vmem>>) dst(%dma_wait3A_109 : memref<50176x40xf32, #tpu.memory_space<vmem_shared>>)
        tpu.yield
      }) : () -> ()
      %scan3A_105 = arith.constant 0 : i32
      scf.yield %scan3A_105 : i32
    }
    %scan3A_55 = arith.constant 98 : i32
    %scan3A_56 = arith.constant 0 : i32
    %scan3A_57 = arith.constant 0 : i32
    %scan3A_58 = arith.constant 98 : i32
    %scan3A_59 = arith.addi %scan3A_57, %scan3A_58 : i32
    %scan3A_60 = arith.constant 1 : i32
    %scan3A_61 = scf.for %scan3A_93 = %scan3A_57 to %scan3A_59 step %scan3A_60 iter_args(%scan3A_94 = %scan3A_56) -> (i32)  : i32 {
      %add3A_95 = arith.constant 686 : i32
      %add3A_96 = arith.addi %mul3A_6, %add3A_95 : i32
      %add3A_97 = arith.addi %add3A_96, %scan3A_93 : i32
      "tpu.region"() ({
        %run_scoped3A = tpu.sem_alloc : memref<!tpu.dma_semaphore, #tpu.memory_space<semaphore_mem>>
        %dma_start3A = arith.constant 0 : i32
        %dma_start3A_106 = tpu.memref_slice %arg4[%add3A_97, %dma_start3A] : memref<12544x64xi32, #tpu.memory_space<hbm>> -> memref<1x64xi32, #tpu.memory_space<hbm>>
        %dma_start3A_107 = tpu.memref_squeeze %dma_start3A_106 : memref<1x64xi32, #tpu.memory_space<hbm>> -> memref<64xi32, #tpu.memory_space<hbm>>
        %dma_start3A_108 = arith.constant 0 : i32
        %dma_start3A_109 = tpu.memref_slice %arg4[%add3A_97, %dma_start3A_108] : memref<12544x64xi32, #tpu.memory_space<hbm>> -> memref<1x64xi32, #tpu.memory_space<hbm>>
        %dma_start3A_110 = tpu.memref_squeeze %dma_start3A_109 : memref<1x64xi32, #tpu.memory_space<hbm>> -> memref<64xi32, #tpu.memory_space<hbm>>
        tpu.enqueue_dma source(%dma_start3A_110 : memref<64xi32, #tpu.memory_space<hbm>>) target(%arg8 : memref<64xi32, #tpu.memory_space<vmem>>) target_semaphore(%run_scoped3A : memref<!tpu.dma_semaphore, #tpu.memory_space<semaphore_mem>>)
        %dma_wait3A = arith.constant 0 : i32
        %dma_wait3A_111 = tpu.memref_slice %arg4[%add3A_97, %dma_wait3A] : memref<12544x64xi32, #tpu.memory_space<hbm>> -> memref<1x64xi32, #tpu.memory_space<hbm>>
        %dma_wait3A_112 = tpu.memref_squeeze %dma_wait3A_111 : memref<1x64xi32, #tpu.memory_space<hbm>> -> memref<64xi32, #tpu.memory_space<hbm>>
        %dma_wait3A_113 = arith.constant 0 : i32
        %dma_wait3A_114 = tpu.memref_slice %arg4[%add3A_97, %dma_wait3A_113] : memref<12544x64xi32, #tpu.memory_space<hbm>> -> memref<1x64xi32, #tpu.memory_space<hbm>>
        %dma_wait3A_115 = tpu.memref_squeeze %dma_wait3A_114 : memref<1x64xi32, #tpu.memory_space<hbm>> -> memref<64xi32, #tpu.memory_space<hbm>>
        tpu.wait_dma2 semaphore(%run_scoped3A : memref<!tpu.dma_semaphore, #tpu.memory_space<semaphore_mem>>) src(%dma_wait3A_115 : memref<64xi32, #tpu.memory_space<hbm>>) dst(%arg8 : memref<64xi32, #tpu.memory_space<vmem>>)
        tpu.yield
      }) : () -> ()
      "tpu.region"() ({
        %run_scoped3A = tpu.sem_alloc : memref<!tpu.dma_semaphore, #tpu.memory_space<semaphore_mem>>
        %dma_start3A = arith.constant 0 : i32
        %dma_start3A_106 = tpu.memref_slice %arg5[%add3A_97, %dma_start3A] : memref<12544x64xi32, #tpu.memory_space<hbm>> -> memref<1x64xi32, #tpu.memory_space<hbm>>
        %dma_start3A_107 = tpu.memref_squeeze %dma_start3A_106 : memref<1x64xi32, #tpu.memory_space<hbm>> -> memref<64xi32, #tpu.memory_space<hbm>>
        %dma_start3A_108 = arith.constant 0 : i32
        %dma_start3A_109 = tpu.memref_slice %arg5[%add3A_97, %dma_start3A_108] : memref<12544x64xi32, #tpu.memory_space<hbm>> -> memref<1x64xi32, #tpu.memory_space<hbm>>
        %dma_start3A_110 = tpu.memref_squeeze %dma_start3A_109 : memref<1x64xi32, #tpu.memory_space<hbm>> -> memref<64xi32, #tpu.memory_space<hbm>>
        tpu.enqueue_dma source(%dma_start3A_110 : memref<64xi32, #tpu.memory_space<hbm>>) target(%arg9 : memref<64xi32, #tpu.memory_space<vmem>>) target_semaphore(%run_scoped3A : memref<!tpu.dma_semaphore, #tpu.memory_space<semaphore_mem>>)
        %dma_wait3A = arith.constant 0 : i32
        %dma_wait3A_111 = tpu.memref_slice %arg5[%add3A_97, %dma_wait3A] : memref<12544x64xi32, #tpu.memory_space<hbm>> -> memref<1x64xi32, #tpu.memory_space<hbm>>
        %dma_wait3A_112 = tpu.memref_squeeze %dma_wait3A_111 : memref<1x64xi32, #tpu.memory_space<hbm>> -> memref<64xi32, #tpu.memory_space<hbm>>
        %dma_wait3A_113 = arith.constant 0 : i32
        %dma_wait3A_114 = tpu.memref_slice %arg5[%add3A_97, %dma_wait3A_113] : memref<12544x64xi32, #tpu.memory_space<hbm>> -> memref<1x64xi32, #tpu.memory_space<hbm>>
        %dma_wait3A_115 = tpu.memref_squeeze %dma_wait3A_114 : memref<1x64xi32, #tpu.memory_space<hbm>> -> memref<64xi32, #tpu.memory_space<hbm>>
        tpu.wait_dma2 semaphore(%run_scoped3A : memref<!tpu.dma_semaphore, #tpu.memory_space<semaphore_mem>>) src(%dma_wait3A_115 : memref<64xi32, #tpu.memory_space<hbm>>) dst(%arg9 : memref<64xi32, #tpu.memory_space<vmem>>)
        tpu.yield
      }) : () -> ()
      %eq3A = arith.constant 0 : i32
      %eq3A_98 = arith.cmpi eq, %arg0, %eq3A : i32
      %convert_element_type3A = arith.extui %eq3A_98 : i1 to i32
      %cond3A = arith.constant 0 : i32
      %cond3A_99 = arith.cmpi ne, %convert_element_type3A, %cond3A : i32
      scf.if %cond3A_99 {
        "tpu.region"() ({
          %run_scoped3A = tpu.sem_alloc : memref<!tpu.dma_semaphore, #tpu.memory_space<semaphore_mem>>
          %dma_start3A = arith.constant 0 : i32
          %dma_start3A_106 = arith.constant 0 : i32
          %dma_start3A_107 = tpu.memref_slice %arg2[%dma_start3A, %dma_start3A_106] : memref<50176x40xf32, #tpu.memory_space<hbm>> -> memref<50176x40xf32, #tpu.memory_space<hbm>>
          tpu.enqueue_indirect_dma source(%dma_start3A_107 : memref<50176x40xf32, #tpu.memory_space<hbm>>) target(%arg10 : memref<64x40xf32, #tpu.memory_space<vmem>>) offsets(%arg8 : memref<64xi32, #tpu.memory_space<vmem>>) semaphore(%run_scoped3A : memref<!tpu.dma_semaphore, #tpu.memory_space<semaphore_mem>>)
          %dma_wait3A = arith.constant 0 : i32
          %dma_wait3A_108 = arith.constant 0 : i32
          %dma_wait3A_109 = tpu.memref_slice %arg2[%dma_wait3A, %dma_wait3A_108] : memref<50176x40xf32, #tpu.memory_space<hbm>> -> memref<50176x40xf32, #tpu.memory_space<hbm>>
          tpu.wait_indirect_dma semaphore(%run_scoped3A : memref<!tpu.dma_semaphore, #tpu.memory_space<semaphore_mem>>) src(%dma_wait3A_109 : memref<50176x40xf32, #tpu.memory_space<hbm>>) dst(%arg10 : memref<64x40xf32, #tpu.memory_space<vmem>>)
          tpu.yield
        }) : () -> ()
      } else {
      }
      %eq3A_100 = arith.constant 1 : i32
      %eq3A_101 = arith.cmpi eq, %arg0, %eq3A_100 : i32
      %convert_element_type3A_102 = arith.extui %eq3A_101 : i1 to i32
      %cond3A_103 = arith.constant 0 : i32
      %cond3A_104 = arith.cmpi ne, %convert_element_type3A_102, %cond3A_103 : i32
      scf.if %cond3A_104 {
        "tpu.region"() ({
          %run_scoped3A = tpu.sem_alloc : memref<!tpu.dma_semaphore, #tpu.memory_space<semaphore_mem>>
          %dma_start3A = arith.constant 0 : i32
          %dma_start3A_106 = arith.constant 0 : i32
          %dma_start3A_107 = tpu.memref_slice %arg3[%dma_start3A, %dma_start3A_106] : memref<50176x40xf32, #tpu.memory_space<hbm>> -> memref<50176x40xf32, #tpu.memory_space<hbm>>
          tpu.enqueue_indirect_dma source(%dma_start3A_107 : memref<50176x40xf32, #tpu.memory_space<hbm>>) target(%arg10 : memref<64x40xf32, #tpu.memory_space<vmem>>) offsets(%arg8 : memref<64xi32, #tpu.memory_space<vmem>>) semaphore(%run_scoped3A : memref<!tpu.dma_semaphore, #tpu.memory_space<semaphore_mem>>)
          %dma_wait3A = arith.constant 0 : i32
          %dma_wait3A_108 = arith.constant 0 : i32
          %dma_wait3A_109 = tpu.memref_slice %arg3[%dma_wait3A, %dma_wait3A_108] : memref<50176x40xf32, #tpu.memory_space<hbm>> -> memref<50176x40xf32, #tpu.memory_space<hbm>>
          tpu.wait_indirect_dma semaphore(%run_scoped3A : memref<!tpu.dma_semaphore, #tpu.memory_space<semaphore_mem>>) src(%dma_wait3A_109 : memref<50176x40xf32, #tpu.memory_space<hbm>>) dst(%arg10 : memref<64x40xf32, #tpu.memory_space<vmem>>)
          tpu.yield
        }) : () -> ()
      } else {
      }
      "tpu.region"() ({
        %run_scoped3A = tpu.sem_alloc : memref<!tpu.dma_semaphore, #tpu.memory_space<semaphore_mem>>
        %dma_start3A = arith.constant 0 : i32
        %dma_start3A_106 = arith.constant 0 : i32
        %dma_start3A_107 = tpu.memref_slice %arg13[%dma_start3A, %dma_start3A_106] : memref<50176x40xf32, #tpu.memory_space<vmem_shared>> -> memref<50176x40xf32, #tpu.memory_space<vmem_shared>>
        tpu.enqueue_indirect_dma source(%arg10 : memref<64x40xf32, #tpu.memory_space<vmem>>) target(%dma_start3A_107 : memref<50176x40xf32, #tpu.memory_space<vmem_shared>>) offsets(%arg9 : memref<64xi32, #tpu.memory_space<vmem>>) semaphore(%run_scoped3A : memref<!tpu.dma_semaphore, #tpu.memory_space<semaphore_mem>>) {add = true}
        %dma_wait3A = arith.constant 0 : i32
        %dma_wait3A_108 = arith.constant 0 : i32
        %dma_wait3A_109 = tpu.memref_slice %arg13[%dma_wait3A, %dma_wait3A_108] : memref<50176x40xf32, #tpu.memory_space<vmem_shared>> -> memref<50176x40xf32, #tpu.memory_space<vmem_shared>>
        tpu.wait_indirect_dma semaphore(%run_scoped3A : memref<!tpu.dma_semaphore, #tpu.memory_space<semaphore_mem>>) src(%arg10 : memref<64x40xf32, #tpu.memory_space<vmem>>) dst(%dma_wait3A_109 : memref<50176x40xf32, #tpu.memory_space<vmem_shared>>)
        tpu.yield
      }) : () -> ()
      %scan3A_105 = arith.constant 0 : i32
      scf.yield %scan3A_105 : i32
    }
    %scan3A_62 = arith.constant 98 : i32
    %add3A = arith.constant 50112 : i32
    %add3A_63 = arith.addi %add3A, %arg1 : i32
    %scan3A_64 = arith.constant 0 : i32
    %scan3A_65 = arith.constant 0 : i32
    %scan3A_66 = arith.constant 64 : i32
    %scan3A_67 = arith.addi %scan3A_65, %scan3A_66 : i32
    %scan3A_68 = arith.constant 1 : i32
    %scan3A_69 = scf.for %scan3A_93 = %scan3A_65 to %scan3A_67 step %scan3A_68 iter_args(%scan3A_94 = %scan3A_64) -> (i32)  : i32 {
      %broadcast_in_dim3A = arith.constant 1.000000e+00 : f32
      %broadcast_in_dim3A_95 = vector.broadcast %broadcast_in_dim3A : f32 to vector<16xf32>
      %swap3A = arith.index_cast %scan3A_93 : i32 to index
      %swap3A_96 = arith.constant 0 : index
      %swap3A_97 = tpu.vector_load %arg10[%swap3A, %swap3A_96] {strides = array<i32>} : memref<64x40xf32, #tpu.memory_space<vmem>>, vector<16xf32>,
      tpu.vector_store %arg10[%swap3A, %swap3A_96], %broadcast_in_dim3A_95 {strides = array<i32>} : memref<64x40xf32, #tpu.memory_space<vmem>>, vector<16xf32>,
      %broadcast_in_dim3A_98 = arith.constant 1.000000e+00 : f32
      %broadcast_in_dim3A_99 = vector.broadcast %broadcast_in_dim3A_98 : f32 to vector<16xf32>
      %swap3A_100 = arith.index_cast %scan3A_93 : i32 to index
      %swap3A_101 = arith.constant 16 : index
      %swap3A_102 = tpu.vector_load %arg10[%swap3A_100, %swap3A_101] {strides = array<i32>} : memref<64x40xf32, #tpu.memory_space<vmem>>, vector<16xf32>,
      tpu.vector_store %arg10[%swap3A_100, %swap3A_101], %broadcast_in_dim3A_99 {strides = array<i32>} : memref<64x40xf32, #tpu.memory_space<vmem>>, vector<16xf32>,
      %broadcast_in_dim3A_103 = arith.constant 1.000000e+00 : f32
      %broadcast_in_dim3A_104 = vector.broadcast %broadcast_in_dim3A_103 : f32 to vector<16xf32>
      %swap3A_105 = arith.index_cast %scan3A_93 : i32 to index
      %swap3A_106 = arith.constant 24 : index
      %swap3A_107 = tpu.vector_load %arg10[%swap3A_105, %swap3A_106] {strides = array<i32>} : memref<64x40xf32, #tpu.memory_space<vmem>>, vector<16xf32>,
      tpu.vector_store %arg10[%swap3A_105, %swap3A_106], %broadcast_in_dim3A_104 {strides = array<i32>} : memref<64x40xf32, #tpu.memory_space<vmem>>, vector<16xf32>,
      %scan3A_108 = arith.constant 0 : i32
      scf.yield %scan3A_108 : i32
    }
    %scan3A_70 = arith.constant 64 : i32
    %scan3A_71 = arith.constant 0 : i32
    %scan3A_72 = arith.constant 0 : i32
    %scan3A_73 = arith.constant 4 : i32
    %scan3A_74 = arith.addi %scan3A_72, %scan3A_73 : i32
    %scan3A_75 = arith.constant 1 : i32
    %scan3A_76 = scf.for %scan3A_93 = %scan3A_72 to %scan3A_74 step %scan3A_75 iter_args(%scan3A_94 = %scan3A_71) -> (i32)  : i32 {
      %broadcast_in_dim3A = arith.constant 1 : i32
      %broadcast_in_dim3A_95 = vector.broadcast %broadcast_in_dim3A : i32 to vector<16xi32>
      %mul3A_96 = vector.broadcast %add3A_63 : i32 to vector<16xi32>
      %mul3A_97 = arith.muli %broadcast_in_dim3A_95, %mul3A_96 : vector<16xi32>
      %mul3A_98 = arith.constant 16 : i32
      %mul3A_99 = arith.muli %scan3A_93, %mul3A_98 : i32
      %swap3A = arith.index_cast %mul3A_99 : i32 to index
      %swap3A_100 = tpu.vector_load %arg9[%swap3A] {strides = array<i32>} : memref<64xi32, #tpu.memory_space<vmem>>, vector<16xi32>,
      tpu.vector_store %arg9[%swap3A], %mul3A_97 {strides = array<i32>} : memref<64xi32, #tpu.memory_space<vmem>>, vector<16xi32>,
      %scan3A_101 = arith.constant 0 : i32
      scf.yield %scan3A_101 : i32
    }
    %scan3A_77 = arith.constant 4 : i32
    "tpu.region"() ({
      %run_scoped3A = tpu.sem_alloc : memref<!tpu.dma_semaphore, #tpu.memory_space<semaphore_mem>>
      %dma_start3A = arith.constant 0 : i32
      %dma_start3A_93 = arith.constant 0 : i32
      %dma_start3A_94 = tpu.memref_slice %arg13[%dma_start3A, %dma_start3A_93] : memref<50176x40xf32, #tpu.memory_space<vmem_shared>> -> memref<50176x40xf32, #tpu.memory_space<vmem_shared>>
      tpu.enqueue_indirect_dma source(%arg10 : memref<64x40xf32, #tpu.memory_space<vmem>>) target(%dma_start3A_94 : memref<50176x40xf32, #tpu.memory_space<vmem_shared>>) offsets(%arg9 : memref<64xi32, #tpu.memory_space<vmem>>) semaphore(%run_scoped3A : memref<!tpu.dma_semaphore, #tpu.memory_space<semaphore_mem>>) {add = true}
      %dma_wait3A = arith.constant 0 : i32
      %dma_wait3A_95 = arith.constant 0 : i32
      %dma_wait3A_96 = tpu.memref_slice %arg13[%dma_wait3A, %dma_wait3A_95] : memref<50176x40xf32, #tpu.memory_space<vmem_shared>> -> memref<50176x40xf32, #tpu.memory_space<vmem_shared>>
      tpu.wait_indirect_dma semaphore(%run_scoped3A : memref<!tpu.dma_semaphore, #tpu.memory_space<semaphore_mem>>) src(%arg10 : memref<64x40xf32, #tpu.memory_space<vmem>>) dst(%dma_wait3A_96 : memref<50176x40xf32, #tpu.memory_space<vmem_shared>>)
      tpu.yield
    }) : () -> ()
    %scan3A_78 = arith.constant 0 : i32
    %scan3A_79 = arith.constant 0 : i32
    %scan3A_80 = arith.constant 256 : i32
    %scan3A_81 = arith.addi %scan3A_79, %scan3A_80 : i32
    %scan3A_82 = arith.constant 1 : i32
    %scan3A_83 = scf.for %scan3A_93 = %scan3A_79 to %scan3A_81 step %scan3A_82 iter_args(%scan3A_94 = %scan3A_78) -> (i32)  : i32 {
      %eq3A = arith.constant 0 : i32
      %eq3A_95 = arith.cmpi eq, %scan3A_94, %eq3A : i32
      %convert_element_type3A = arith.extui %eq3A_95 : i1 to i32
      %cond3A = arith.constant 0 : i32
      %cond3A_96 = arith.cmpi ne, %convert_element_type3A, %cond3A : i32
      scf.if %cond3A_96 {
        "tpu.region"() ({
          %run_scoped3A = tpu.sem_alloc : memref<!tpu.dma_semaphore, #tpu.memory_space<semaphore_mem>>
          %dma_start3A = arith.constant 0 : i32
          %dma_start3A_104 = tpu.memref_slice %arg13[%add3A_63, %dma_start3A] : memref<50176x40xf32, #tpu.memory_space<vmem_shared>> -> memref<1x40xf32, #tpu.memory_space<vmem_shared>>
          %dma_start3A_105 = arith.constant 0 : i32
          %dma_start3A_106 = tpu.memref_slice %arg13[%add3A_63, %dma_start3A_105] : memref<50176x40xf32, #tpu.memory_space<vmem_shared>> -> memref<1x40xf32, #tpu.memory_space<vmem_shared>>
          tpu.enqueue_dma source(%dma_start3A_106 : memref<1x40xf32, #tpu.memory_space<vmem_shared>>) target(%arg12 : memref<1x40xf32, #tpu.memory_space<vmem>>) target_semaphore(%run_scoped3A : memref<!tpu.dma_semaphore, #tpu.memory_space<semaphore_mem>>)
          %dma_wait3A = arith.constant 0 : i32
          %dma_wait3A_107 = tpu.memref_slice %arg13[%add3A_63, %dma_wait3A] : memref<50176x40xf32, #tpu.memory_space<vmem_shared>> -> memref<1x40xf32, #tpu.memory_space<vmem_shared>>
          %dma_wait3A_108 = arith.constant 0 : i32
          %dma_wait3A_109 = tpu.memref_slice %arg13[%add3A_63, %dma_wait3A_108] : memref<50176x40xf32, #tpu.memory_space<vmem_shared>> -> memref<1x40xf32, #tpu.memory_space<vmem_shared>>
          tpu.wait_dma2 semaphore(%run_scoped3A : memref<!tpu.dma_semaphore, #tpu.memory_space<semaphore_mem>>) src(%dma_wait3A_109 : memref<1x40xf32, #tpu.memory_space<vmem_shared>>) dst(%arg12 : memref<1x40xf32, #tpu.memory_space<vmem>>)
          tpu.yield
        }) : () -> ()
      } else {
      }
      %get3A = arith.constant 0 : i32
      %get3A_97 = arith.index_cast %get3A : i32 to index
      %get3A_98 = arith.constant 0 : index
      %get3A_99 = tpu.vector_load %arg12[%get3A_97, %get3A_98] {strides = array<i32>} : memref<1x40xf32, #tpu.memory_space<vmem>>, vector<16xf32>,
      %reduce_max3A = arith.constant true
      %reduce_max3A_100 = vector.broadcast %reduce_max3A : i1 to vector<16xi1>
      %reduce_max3A_101 = tpu.scan <max>, %get3A_99 masked %reduce_max3A_100 : vector<16xf32>, vector<16xi1> -> vector<16xf32>
      %reduce_max3A_102 = vector.extract %reduce_max3A_101[15] : f32 from vector<16xf32>
      %ge3A = arith.constant 6.350000e+01 : f32
      %ge3A_103 = arith.cmpf oge, %reduce_max3A_102, %ge3A : f32
      %jit3A = arith.constant 1 : i32
      %select_n3A = arith.select %ge3A_103, %jit3A, %scan3A_94 : i32
      scf.yield %select_n3A : i32
    }
    %scan3A_84 = arith.constant 256 : i32
    %barrier3A_85 = arith.constant 0 : index
    tpu.barrier barrier_id(%barrier3A_85)
    %scan3A_86 = arith.constant 0 : i32
    %scan3A_87 = arith.constant 0 : i32
    %scan3A_88 = arith.constant 64 : i32
    %scan3A_89 = arith.addi %scan3A_87, %scan3A_88 : i32
    %scan3A_90 = arith.constant 1 : i32
    %scan3A_91 = scf.for %scan3A_93 = %scan3A_87 to %scan3A_89 step %scan3A_90 iter_args(%scan3A_94 = %scan3A_86) -> (i32)  : i32 {
      %mul3A_95 = arith.constant 3136 : i32
      %mul3A_96 = arith.muli %arg1, %mul3A_95 : i32
      %mul3A_97 = arith.constant 49 : i32
      %mul3A_98 = arith.muli %scan3A_93, %mul3A_97 : i32
      %add3A_99 = arith.addi %mul3A_96, %mul3A_98 : i32
      "tpu.region"() ({
        %run_scoped3A = tpu.sem_alloc : memref<!tpu.dma_semaphore, #tpu.memory_space<semaphore_mem>>
        %dma_start3A = arith.constant 0 : i32
        %dma_start3A_106 = tpu.memref_slice %arg13[%add3A_99, %dma_start3A] : memref<50176x40xf32, #tpu.memory_space<vmem_shared>> -> memref<49x40xf32, #tpu.memory_space<vmem_shared>>
        %dma_start3A_107 = arith.constant 0 : i32
        %dma_start3A_108 = tpu.memref_slice %arg13[%add3A_99, %dma_start3A_107] : memref<50176x40xf32, #tpu.memory_space<vmem_shared>> -> memref<49x40xf32, #tpu.memory_space<vmem_shared>>
        tpu.enqueue_dma source(%dma_start3A_108 : memref<49x40xf32, #tpu.memory_space<vmem_shared>>) target(%arg11 : memref<49x40xf32, #tpu.memory_space<vmem>>) target_semaphore(%run_scoped3A : memref<!tpu.dma_semaphore, #tpu.memory_space<semaphore_mem>>)
        %dma_wait3A = arith.constant 0 : i32
        %dma_wait3A_109 = tpu.memref_slice %arg13[%add3A_99, %dma_wait3A] : memref<50176x40xf32, #tpu.memory_space<vmem_shared>> -> memref<49x40xf32, #tpu.memory_space<vmem_shared>>
        %dma_wait3A_110 = arith.constant 0 : i32
        %dma_wait3A_111 = tpu.memref_slice %arg13[%add3A_99, %dma_wait3A_110] : memref<50176x40xf32, #tpu.memory_space<vmem_shared>> -> memref<49x40xf32, #tpu.memory_space<vmem_shared>>
        tpu.wait_dma2 semaphore(%run_scoped3A : memref<!tpu.dma_semaphore, #tpu.memory_space<semaphore_mem>>) src(%dma_wait3A_111 : memref<49x40xf32, #tpu.memory_space<vmem_shared>>) dst(%arg11 : memref<49x40xf32, #tpu.memory_space<vmem>>)
        tpu.yield
      }) : () -> ()
      %mul3A_100 = arith.constant 3136 : i32
      %mul3A_101 = arith.muli %arg1, %mul3A_100 : i32
      %mul3A_102 = arith.constant 49 : i32
      %mul3A_103 = arith.muli %scan3A_93, %mul3A_102 : i32
      %add3A_104 = arith.addi %mul3A_101, %mul3A_103 : i32
      "tpu.region"() ({
        %run_scoped3A = tpu.sem_alloc : memref<!tpu.dma_semaphore, #tpu.memory_space<semaphore_mem>>
        %dma_start3A = arith.constant 0 : i32
        %dma_start3A_106 = tpu.memref_slice %arg7[%arg0, %add3A_104, %dma_start3A] : memref<2x50176x40xf32, #tpu.memory_space<hbm>> -> memref<1x49x40xf32, #tpu.memory_space<hbm>>
        %dma_start3A_107 = tpu.memref_squeeze %dma_start3A_106 : memref<1x49x40xf32, #tpu.memory_space<hbm>> -> memref<49x40xf32, #tpu.memory_space<hbm>>
        %dma_start3A_108 = arith.constant 0 : i32
        %dma_start3A_109 = tpu.memref_slice %arg7[%arg0, %add3A_104, %dma_start3A_108] : memref<2x50176x40xf32, #tpu.memory_space<hbm>> -> memref<1x49x40xf32, #tpu.memory_space<hbm>>
        %dma_start3A_110 = tpu.memref_squeeze %dma_start3A_109 : memref<1x49x40xf32, #tpu.memory_space<hbm>> -> memref<49x40xf32, #tpu.memory_space<hbm>>
        tpu.enqueue_dma source(%arg11 : memref<49x40xf32, #tpu.memory_space<vmem>>) target(%dma_start3A_110 : memref<49x40xf32, #tpu.memory_space<hbm>>) target_semaphore(%run_scoped3A : memref<!tpu.dma_semaphore, #tpu.memory_space<semaphore_mem>>)
        %dma_wait3A = arith.constant 0 : i32
        %dma_wait3A_111 = tpu.memref_slice %arg7[%arg0, %add3A_104, %dma_wait3A] : memref<2x50176x40xf32, #tpu.memory_space<hbm>> -> memref<1x49x40xf32, #tpu.memory_space<hbm>>
        %dma_wait3A_112 = tpu.memref_squeeze %dma_wait3A_111 : memref<1x49x40xf32, #tpu.memory_space<hbm>> -> memref<49x40xf32, #tpu.memory_space<hbm>>
        %dma_wait3A_113 = arith.constant 0 : i32
        %dma_wait3A_114 = tpu.memref_slice %arg7[%arg0, %add3A_104, %dma_wait3A_113] : memref<2x50176x40xf32, #tpu.memory_space<hbm>> -> memref<1x49x40xf32, #tpu.memory_space<hbm>>
        %dma_wait3A_115 = tpu.memref_squeeze %dma_wait3A_114 : memref<1x49x40xf32, #tpu.memory_space<hbm>> -> memref<49x40xf32, #tpu.memory_space<hbm>>
        tpu.wait_dma2 semaphore(%run_scoped3A : memref<!tpu.dma_semaphore, #tpu.memory_space<semaphore_mem>>) src(%arg11 : memref<49x40xf32, #tpu.memory_space<vmem>>) dst(%dma_wait3A_115 : memref<49x40xf32, #tpu.memory_space<hbm>>)
        tpu.yield
      }) : () -> ()
      %scan3A_105 = arith.constant 0 : i32
      scf.yield %scan3A_105 : i32
    }
    %scan3A_92 = arith.constant 64 : i32
    return
  }
}

module attributes {stable_mosaic.version = 14 : i64} {
  func.func @_mm1_body(%arg0: i32, %arg1: memref<512x128xf32, #tpu.memory_space<vmem>>, %arg2: memref<128x224xf32, #tpu.memory_space<vmem>>, %arg3: memref<1x224xf32, #tpu.memory_space<vmem>>, %arg4: memref<512x40xf32, #tpu.memory_space<vmem>>, %arg5: memref<512x40xf32, #tpu.memory_space<vmem>>, %arg6: memref<512x72xf32, #tpu.memory_space<vmem>>, %arg7: memref<512x72xf32, #tpu.memory_space<vmem>>) attributes {dimension_semantics = [#tpu.dimension_semantics<arbitrary>], iteration_bounds = array<i64: 98>, scalar_prefetch = 0 : i64, scratch_operands = 0 : i64, tpu.core_type = #tpu.core_type<tc>, window_params = [{transform_indices = @transform_0, window_bounds = array<i64: 512, 128>}, {pipeline_mode = #tpu.pipeline_mode<synchronous>, transform_indices = @transform_1, window_bounds = array<i64: 128, 224>}, {pipeline_mode = #tpu.pipeline_mode<synchronous>, transform_indices = @transform_2, window_bounds = array<i64: 1, 224>}, {transform_indices = @transform_3, window_bounds = array<i64: 512, 40>}, {transform_indices = @transform_4, window_bounds = array<i64: 512, 40>}, {transform_indices = @transform_5, window_bounds = array<i64: 512, 72>}, {transform_indices = @transform_6, window_bounds = array<i64: 512, 72>}]} {
    %get3A = arith.constant 0 : index
    %get3A_0 = arith.constant 0 : index
    %get3A_1 = vector.load %arg1[%get3A, %get3A_0] : memref<512x128xf32, #tpu.memory_space<vmem>>, vector<512x128xf32>
    %get3A_2 = arith.constant 0 : index
    %get3A_3 = arith.constant 0 : index
    %get3A_4 = vector.load %arg2[%get3A_2, %get3A_3] : memref<128x224xf32, #tpu.memory_space<vmem>>, vector<128x224xf32>
    %dot_general3A = arith.constant dense<0.000000e+00> : vector<512x224xf32>
    %dot_general3A_5 = tpu.matmul %get3A_1, %get3A_4, %dot_general3A {dimension_numbers = #tpu.dot_dimension_numbers<[1], [0], [0], [1], [0, 0, 1, 1], [], []>, transpose_lhs_hint = false} : vector<512x128xf32>, vector<128x224xf32>, vector<512x224xf32> -> vector<512x224xf32>
    %get3A_6 = arith.constant 0 : index
    %get3A_7 = arith.constant 0 : index
    %get3A_8 = vector.load %arg3[%get3A_6, %get3A_7] : memref<1x224xf32, #tpu.memory_space<vmem>>, vector<1x224xf32>
    %add3A = vector.broadcast %get3A_8 : vector<1x224xf32> to vector<512x224xf32>
    %add3A_9 = arith.addf %dot_general3A_5, %add3A : vector<512x224xf32>
    %mul3A = arith.constant 512 : i32
    %mul3A_10 = arith.muli %arg0, %mul3A : i32
    %iota3A = tpu.iota {dimensions = array<i32: 0>} : vector<512x1xi32>
    %add3A_11 = vector.broadcast %mul3A_10 : i32 to vector<512x1xi32>
    %add3A_12 = arith.addi %add3A_11, %iota3A : vector<512x1xi32>
    %lt3A = arith.constant 50000 : i32
    %lt3A_13 = vector.broadcast %lt3A : i32 to vector<512x1xi32>
    %lt3A_14 = arith.cmpi slt, %add3A_12, %lt3A_13 : vector<512x1xi32>
    %slice3A = vector.extract_strided_slice %add3A_9 {offsets = [0, 0], sizes = [512, 40], strides = [1, 1]} : vector<512x224xf32> to vector<512x40xf32>
    %jit3A = arith.constant 0.000000e+00 : f32
    %broadcast_in_dim3A = vector.shape_cast %lt3A_14 : vector<512x1xi1> to vector<512x1xi1>
    %broadcast_in_dim3A_15 = vector.broadcast %broadcast_in_dim3A : vector<512x1xi1> to vector<512x40xi1>
    %broadcast_in_dim3A_16 = vector.broadcast %jit3A : f32 to vector<512x40xf32>
    %select_n3A = arith.select %broadcast_in_dim3A_15, %slice3A, %broadcast_in_dim3A_16 : vector<512x40xi1>, vector<512x40xf32>
    %swap3A = arith.constant 0 : index
    %swap3A_17 = arith.constant 0 : index
    %swap3A_18 = vector.load %arg4[%swap3A, %swap3A_17] : memref<512x40xf32, #tpu.memory_space<vmem>>, vector<512x40xf32>
    tpu.vector_store %arg4[%swap3A, %swap3A_17], %select_n3A {strides = array<i32>} : memref<512x40xf32, #tpu.memory_space<vmem>>, vector<512x40xf32>,
    %slice3A_19 = vector.extract_strided_slice %add3A_9 {offsets = [0, 40], sizes = [512, 40], strides = [1, 1]} : vector<512x224xf32> to vector<512x40xf32>
    %jit3A_20 = arith.constant 0.000000e+00 : f32
    %broadcast_in_dim3A_21 = vector.shape_cast %lt3A_14 : vector<512x1xi1> to vector<512x1xi1>
    %broadcast_in_dim3A_22 = vector.broadcast %broadcast_in_dim3A_21 : vector<512x1xi1> to vector<512x40xi1>
    %broadcast_in_dim3A_23 = vector.broadcast %jit3A_20 : f32 to vector<512x40xf32>
    %select_n3A_24 = arith.select %broadcast_in_dim3A_22, %slice3A_19, %broadcast_in_dim3A_23 : vector<512x40xi1>, vector<512x40xf32>
    %swap3A_25 = arith.constant 0 : index
    %swap3A_26 = arith.constant 0 : index
    %swap3A_27 = vector.load %arg5[%swap3A_25, %swap3A_26] : memref<512x40xf32, #tpu.memory_space<vmem>>, vector<512x40xf32>
    tpu.vector_store %arg5[%swap3A_25, %swap3A_26], %select_n3A_24 {strides = array<i32>} : memref<512x40xf32, #tpu.memory_space<vmem>>, vector<512x40xf32>,
    %slice3A_28 = vector.extract_strided_slice %add3A_9 {offsets = [0, 80], sizes = [512, 72], strides = [1, 1]} : vector<512x224xf32> to vector<512x72xf32>
    %swap3A_29 = arith.constant 0 : index
    %swap3A_30 = arith.constant 0 : index
    %swap3A_31 = vector.load %arg6[%swap3A_29, %swap3A_30] : memref<512x72xf32, #tpu.memory_space<vmem>>, vector<512x72xf32>
    tpu.vector_store %arg6[%swap3A_29, %swap3A_30], %slice3A_28 {strides = array<i32>} : memref<512x72xf32, #tpu.memory_space<vmem>>, vector<512x72xf32>,
    %slice3A_32 = vector.extract_strided_slice %add3A_9 {offsets = [0, 152], sizes = [512, 72], strides = [1, 1]} : vector<512x224xf32> to vector<512x72xf32>
    %swap3A_33 = arith.constant 0 : index
    %swap3A_34 = arith.constant 0 : index
    %swap3A_35 = vector.load %arg7[%swap3A_33, %swap3A_34] : memref<512x72xf32, #tpu.memory_space<vmem>>, vector<512x72xf32>
    tpu.vector_store %arg7[%swap3A_33, %swap3A_34], %slice3A_32 {strides = array<i32>} : memref<512x72xf32, #tpu.memory_space<vmem>>, vector<512x72xf32>,
    return
  }
  func.func @transform_0(%arg0: i32) -> (i32, i32) {
    %c0_i32 = arith.constant 0 : i32
    %c0_i32_0 = arith.constant 0 : i32
    return %arg0, %c0_i32 : i32, i32
  }
  func.func @transform_1(%arg0: i32) -> (i32, i32) {
    %c0_i32 = arith.constant 0 : i32
    %c0_i32_0 = arith.constant 0 : i32
    %c0_i32_1 = arith.constant 0 : i32
    return %c0_i32, %c0_i32_0 : i32, i32
  }
  func.func @transform_2(%arg0: i32) -> (i32, i32) {
    %c0_i32 = arith.constant 0 : i32
    %c0_i32_0 = arith.constant 0 : i32
    %c0_i32_1 = arith.constant 0 : i32
    return %c0_i32, %c0_i32_0 : i32, i32
  }
  func.func @transform_3(%arg0: i32) -> (i32, i32) {
    %c0_i32 = arith.constant 0 : i32
    %c0_i32_0 = arith.constant 0 : i32
    return %arg0, %c0_i32 : i32, i32
  }
  func.func @transform_4(%arg0: i32) -> (i32, i32) {
    %c0_i32 = arith.constant 0 : i32
    %c0_i32_0 = arith.constant 0 : i32
    return %arg0, %c0_i32 : i32, i32
  }
  func.func @transform_5(%arg0: i32) -> (i32, i32) {
    %c0_i32 = arith.constant 0 : i32
    %c0_i32_0 = arith.constant 0 : i32
    return %arg0, %c0_i32 : i32, i32
  }
  func.func @transform_6(%arg0: i32) -> (i32, i32) {
    %c0_i32 = arith.constant 0 : i32
    %c0_i32_0 = arith.constant 0 : i32
    return %arg0, %c0_i32 : i32, i32
  }
}

module attributes {stable_mosaic.version = 14 : i64} {
  func.func @_mm2_body(%arg0: i32, %arg1: memref<2x512x40xf32, #tpu.memory_space<vmem>>, %arg2: memref<512x72xf32, #tpu.memory_space<vmem>>, %arg3: memref<512x72xf32, #tpu.memory_space<vmem>>, %arg4: memref<72x72xf32, #tpu.memory_space<vmem>>, %arg5: memref<1x72xf32, #tpu.memory_space<vmem>>, %arg6: memref<512x24xf32, #tpu.memory_space<vmem>>, %arg7: memref<512x24xf32, #tpu.memory_space<vmem>>) attributes {dimension_semantics = [#tpu.dimension_semantics<arbitrary>], iteration_bounds = array<i64: 98>, scalar_prefetch = 0 : i64, scratch_operands = 0 : i64, tpu.core_type = #tpu.core_type<tc>, window_params = [{transform_indices = @transform_0, window_bounds = array<i64: 2, 512, 40>}, {transform_indices = @transform_1, window_bounds = array<i64: 512, 72>}, {transform_indices = @transform_2, window_bounds = array<i64: 512, 72>}, {pipeline_mode = #tpu.pipeline_mode<synchronous>, transform_indices = @transform_3, window_bounds = array<i64: 72, 72>}, {pipeline_mode = #tpu.pipeline_mode<synchronous>, transform_indices = @transform_4, window_bounds = array<i64: 1, 72>}, {transform_indices = @transform_5, window_bounds = array<i64: 512, 24>}, {transform_indices = @transform_6, window_bounds = array<i64: 512, 24>}]} {
    %get3A = arith.constant 0 : index
    %get3A_0 = arith.constant 0 : index
    %get3A_1 = arith.constant 0 : index
    %get3A_2 = vector.load %arg1[%get3A, %get3A_0, %get3A_1] : memref<2x512x40xf32, #tpu.memory_space<vmem>>, vector<1x512x40xf32>
    %get3A_3 = vector.shape_cast %get3A_2 : vector<1x512x40xf32> to vector<512x40xf32>
    %get3A_4 = arith.constant 1 : index
    %get3A_5 = arith.constant 0 : index
    %get3A_6 = arith.constant 0 : index
    %get3A_7 = vector.load %arg1[%get3A_4, %get3A_5, %get3A_6] : memref<2x512x40xf32, #tpu.memory_space<vmem>>, vector<1x512x40xf32>
    %get3A_8 = vector.shape_cast %get3A_7 : vector<1x512x40xf32> to vector<512x40xf32>
    %slice3A = vector.extract_strided_slice %get3A_3 {offsets = [0, 0], sizes = [512, 36], strides = [1, 1]} : vector<512x40xf32> to vector<512x36xf32>
    %slice3A_9 = vector.extract_strided_slice %get3A_8 {offsets = [0, 0], sizes = [512, 36], strides = [1, 1]} : vector<512x40xf32> to vector<512x36xf32>
    %concatenate3A = tpu.concatenate %slice3A, %slice3A_9 in 1 : vector<512x36xf32>, vector<512x36xf32> -> vector<512x72xf32>
    %slice3A_10 = vector.extract_strided_slice %get3A_8 {offsets = [0, 36], sizes = [512, 1], strides = [1, 1]} : vector<512x40xf32> to vector<512x1xf32>
    %get3A_11 = arith.constant 0 : index
    %get3A_12 = arith.constant 0 : index
    %get3A_13 = vector.load %arg3[%get3A_11, %get3A_12] : memref<512x72xf32, #tpu.memory_space<vmem>>, vector<512x72xf32>
    %add3A = arith.addf %concatenate3A, %get3A_13 : vector<512x72xf32>
    %get3A_14 = arith.constant 0 : index
    %get3A_15 = arith.constant 0 : index
    %get3A_16 = vector.load %arg2[%get3A_14, %get3A_15] : memref<512x72xf32, #tpu.memory_space<vmem>>, vector<512x72xf32>
    %mul3A = vector.broadcast %slice3A_10 : vector<512x1xf32> to vector<512x72xf32>
    %mul3A_17 = arith.mulf %mul3A, %get3A_16 : vector<512x72xf32>
    %sub3A = arith.subf %add3A, %mul3A_17 : vector<512x72xf32>
    %gt3A = arith.constant 0.000000e+00 : f32
    %gt3A_18 = vector.broadcast %gt3A : f32 to vector<512x72xf32>
    %gt3A_19 = arith.cmpf ogt, %sub3A, %gt3A_18 : vector<512x72xf32>
    %min3A = arith.constant 0.000000e+00 : f32
    %min3A_20 = vector.broadcast %min3A : f32 to vector<512x72xf32>
    %min3A_21 = arith.minimumf %sub3A, %min3A_20 : vector<512x72xf32>
    %exp3A = math.exp %min3A_21 : vector<512x72xf32>
    %sub3A_22 = arith.constant 1.000000e+00 : f32
    %sub3A_23 = vector.broadcast %sub3A_22 : f32 to vector<512x72xf32>
    %sub3A_24 = arith.subf %exp3A, %sub3A_23 : vector<512x72xf32>
    %select_n3A = arith.select %gt3A_19, %sub3A, %sub3A_24 : vector<512x72xi1>, vector<512x72xf32>
    %get3A_25 = arith.constant 0 : index
    %get3A_26 = arith.constant 0 : index
    %get3A_27 = vector.load %arg4[%get3A_25, %get3A_26] : memref<72x72xf32, #tpu.memory_space<vmem>>, vector<72x72xf32>
    %dot_general3A = arith.constant dense<0.000000e+00> : vector<512x72xf32>
    %dot_general3A_28 = tpu.matmul %select_n3A, %get3A_27, %dot_general3A {dimension_numbers = #tpu.dot_dimension_numbers<[1], [0], [0], [1], [0, 0, 1, 1], [], []>, transpose_lhs_hint = false} : vector<512x72xf32>, vector<72x72xf32>, vector<512x72xf32> -> vector<512x72xf32>
    %get3A_29 = arith.constant 0 : index
    %get3A_30 = arith.constant 0 : index
    %get3A_31 = vector.load %arg5[%get3A_29, %get3A_30] : memref<1x72xf32, #tpu.memory_space<vmem>>, vector<1x72xf32>
    %add3A_32 = vector.broadcast %get3A_31 : vector<1x72xf32> to vector<512x72xf32>
    %add3A_33 = arith.addf %dot_general3A_28, %add3A_32 : vector<512x72xf32>
    %mul3A_34 = arith.constant 512 : i32
    %mul3A_35 = arith.muli %arg0, %mul3A_34 : i32
    %iota3A = tpu.iota {dimensions = array<i32: 0>} : vector<512x1xi32>
    %add3A_36 = vector.broadcast %mul3A_35 : i32 to vector<512x1xi32>
    %add3A_37 = arith.addi %add3A_36, %iota3A : vector<512x1xi32>
    %lt3A = arith.constant 50000 : i32
    %lt3A_38 = vector.broadcast %lt3A : i32 to vector<512x1xi32>
    %lt3A_39 = arith.cmpi slt, %add3A_37, %lt3A_38 : vector<512x1xi32>
    %slice3A_40 = vector.extract_strided_slice %add3A_33 {offsets = [0, 0], sizes = [512, 24], strides = [1, 1]} : vector<512x72xf32> to vector<512x24xf32>
    %jit3A = arith.constant 0.000000e+00 : f32
    %broadcast_in_dim3A = vector.shape_cast %lt3A_39 : vector<512x1xi1> to vector<512x1xi1>
    %broadcast_in_dim3A_41 = vector.broadcast %broadcast_in_dim3A : vector<512x1xi1> to vector<512x24xi1>
    %broadcast_in_dim3A_42 = vector.broadcast %jit3A : f32 to vector<512x24xf32>
    %select_n3A_43 = arith.select %broadcast_in_dim3A_41, %slice3A_40, %broadcast_in_dim3A_42 : vector<512x24xi1>, vector<512x24xf32>
    %swap3A = arith.constant 0 : index
    %swap3A_44 = arith.constant 0 : index
    %swap3A_45 = vector.load %arg6[%swap3A, %swap3A_44] : memref<512x24xf32, #tpu.memory_space<vmem>>, vector<512x24xf32>
    tpu.vector_store %arg6[%swap3A, %swap3A_44], %select_n3A_43 {strides = array<i32>} : memref<512x24xf32, #tpu.memory_space<vmem>>, vector<512x24xf32>,
    %slice3A_46 = vector.extract_strided_slice %add3A_33 {offsets = [0, 48], sizes = [512, 24], strides = [1, 1]} : vector<512x72xf32> to vector<512x24xf32>
    %slice3A_47 = vector.extract_strided_slice %add3A_33 {offsets = [0, 24], sizes = [512, 24], strides = [1, 1]} : vector<512x72xf32> to vector<512x24xf32>
    %mul3A_48 = vector.broadcast %slice3A_10 : vector<512x1xf32> to vector<512x24xf32>
    %mul3A_49 = arith.mulf %mul3A_48, %slice3A_47 : vector<512x24xf32>
    %sub3A_50 = arith.subf %slice3A_46, %mul3A_49 : vector<512x24xf32>
    %swap3A_51 = arith.constant 0 : index
    %swap3A_52 = arith.constant 0 : index
    %swap3A_53 = vector.load %arg7[%swap3A_51, %swap3A_52] : memref<512x24xf32, #tpu.memory_space<vmem>>, vector<512x24xf32>
    tpu.vector_store %arg7[%swap3A_51, %swap3A_52], %sub3A_50 {strides = array<i32>} : memref<512x24xf32, #tpu.memory_space<vmem>>, vector<512x24xf32>,
    return
  }
  func.func @transform_0(%arg0: i32) -> (i32, i32, i32) {
    %c0_i32 = arith.constant 0 : i32
    %c0_i32_0 = arith.constant 0 : i32
    %c0_i32_1 = arith.constant 0 : i32
    return %c0_i32, %arg0, %c0_i32_0 : i32, i32, i32
  }
  func.func @transform_1(%arg0: i32) -> (i32, i32) {
    %c0_i32 = arith.constant 0 : i32
    %c0_i32_0 = arith.constant 0 : i32
    return %arg0, %c0_i32 : i32, i32
  }
  func.func @transform_2(%arg0: i32) -> (i32, i32) {
    %c0_i32 = arith.constant 0 : i32
    %c0_i32_0 = arith.constant 0 : i32
    return %arg0, %c0_i32 : i32, i32
  }
  func.func @transform_3(%arg0: i32) -> (i32, i32) {
    %c0_i32 = arith.constant 0 : i32
    %c0_i32_0 = arith.constant 0 : i32
    %c0_i32_1 = arith.constant 0 : i32
    return %c0_i32, %c0_i32_0 : i32, i32
  }
  func.func @transform_4(%arg0: i32) -> (i32, i32) {
    %c0_i32 = arith.constant 0 : i32
    %c0_i32_0 = arith.constant 0 : i32
    %c0_i32_1 = arith.constant 0 : i32
    return %c0_i32, %c0_i32_0 : i32, i32
  }
  func.func @transform_5(%arg0: i32) -> (i32, i32) {
    %c0_i32 = arith.constant 0 : i32
    %c0_i32_0 = arith.constant 0 : i32
    return %arg0, %c0_i32 : i32, i32
  }
  func.func @transform_6(%arg0: i32) -> (i32, i32) {
    %c0_i32 = arith.constant 0 : i32
    %c0_i32_0 = arith.constant 0 : i32
    return %arg0, %c0_i32 : i32, i32
  }
}

module attributes {stable_mosaic.version = 14 : i64} {
  func.func @_final_body(%arg0: i32, %arg1: memref<2x512x24xf32, #tpu.memory_space<vmem>>, %arg2: memref<512x24xf32, #tpu.memory_space<vmem>>, %arg3: memref<512x19xf32, #tpu.memory_space<vmem>>) attributes {dimension_semantics = [#tpu.dimension_semantics<arbitrary>], iteration_bounds = array<i64: 98>, scalar_prefetch = 0 : i64, scratch_operands = 0 : i64, tpu.core_type = #tpu.core_type<tc>, window_params = [{transform_indices = @transform_0, window_bounds = array<i64: 2, 512, 24>}, {transform_indices = @transform_1, window_bounds = array<i64: 512, 24>}, {transform_indices = @transform_2, window_bounds = array<i64: 512, 19>}]} {
    %get3A = arith.constant 0 : index
    %get3A_0 = arith.constant 0 : index
    %get3A_1 = arith.constant 0 : index
    %get3A_2 = vector.load %arg1[%get3A, %get3A_0, %get3A_1] : memref<2x512x24xf32, #tpu.memory_space<vmem>>, vector<1x512x24xf32>
    %get3A_3 = vector.shape_cast %get3A_2 : vector<1x512x24xf32> to vector<512x24xf32>
    %get3A_4 = arith.constant 1 : index
    %get3A_5 = arith.constant 0 : index
    %get3A_6 = arith.constant 0 : index
    %get3A_7 = vector.load %arg1[%get3A_4, %get3A_5, %get3A_6] : memref<2x512x24xf32, #tpu.memory_space<vmem>>, vector<1x512x24xf32>
    %get3A_8 = vector.shape_cast %get3A_7 : vector<1x512x24xf32> to vector<512x24xf32>
    %add3A = arith.addf %get3A_3, %get3A_8 : vector<512x24xf32>
    %get3A_9 = arith.constant 0 : index
    %get3A_10 = arith.constant 0 : index
    %get3A_11 = vector.load %arg2[%get3A_9, %get3A_10] : memref<512x24xf32, #tpu.memory_space<vmem>>, vector<512x24xf32>
    %add3A_12 = arith.addf %add3A, %get3A_11 : vector<512x24xf32>
    %iota3A = tpu.iota {dimensions = array<i32: 1>} : vector<512x24xi32>
    %lt3A = arith.constant 19 : i32
    %lt3A_13 = vector.broadcast %lt3A : i32 to vector<512x24xi32>
    %lt3A_14 = arith.cmpi slt, %iota3A, %lt3A_13 : vector<512x24xi32>
    %jit3A = arith.constant 0xFF800000 : f32
    %broadcast_in_dim3A = vector.broadcast %jit3A : f32 to vector<512x24xf32>
    %select_n3A = arith.select %lt3A_14, %add3A_12, %broadcast_in_dim3A : vector<512x24xi1>, vector<512x24xf32>
    %reduce_max3A = arith.constant dense<0xFF800000> : vector<512xf32>
    %reduce_max3A_15 = vector.multi_reduction <maximumf>, %select_n3A, %reduce_max3A [1] : vector<512x24xf32> to vector<512xf32>
    %broadcast_in_dim3A_16 = vector.shape_cast %reduce_max3A_15 : vector<512xf32> to vector<512x1xf32>
    %sub3A = vector.broadcast %broadcast_in_dim3A_16 : vector<512x1xf32> to vector<512x24xf32>
    %sub3A_17 = arith.subf %add3A_12, %sub3A : vector<512x24xf32>
    %exp3A = math.exp %sub3A_17 : vector<512x24xf32>
    %jit3A_18 = arith.constant 0.000000e+00 : f32
    %broadcast_in_dim3A_19 = vector.broadcast %jit3A_18 : f32 to vector<512x24xf32>
    %select_n3A_20 = arith.select %lt3A_14, %exp3A, %broadcast_in_dim3A_19 : vector<512x24xi1>, vector<512x24xf32>
    %reduce_sum3A = arith.constant dense<0.000000e+00> : vector<512xf32>
    %reduce_sum3A_21 = vector.multi_reduction <add>, %select_n3A_20, %reduce_sum3A [1] : vector<512x24xf32> to vector<512xf32>
    %broadcast_in_dim3A_22 = vector.shape_cast %reduce_sum3A_21 : vector<512xf32> to vector<512x1xf32>
    %log3A = math.log %broadcast_in_dim3A_22 : vector<512x1xf32>
    %add3A_23 = arith.addf %broadcast_in_dim3A_16, %log3A : vector<512x1xf32>
    %sub3A_24 = vector.broadcast %add3A_23 : vector<512x1xf32> to vector<512x24xf32>
    %sub3A_25 = arith.subf %add3A_12, %sub3A_24 : vector<512x24xf32>
    %slice3A = vector.extract_strided_slice %sub3A_25 {offsets = [0, 0], sizes = [512, 19], strides = [1, 1]} : vector<512x24xf32> to vector<512x19xf32>
    %swap3A = arith.constant 0 : index
    %swap3A_26 = arith.constant 0 : index
    %swap3A_27 = vector.load %arg3[%swap3A, %swap3A_26] : memref<512x19xf32, #tpu.memory_space<vmem>>, vector<512x19xf32>
    tpu.vector_store %arg3[%swap3A, %swap3A_26], %slice3A {strides = array<i32>} : memref<512x19xf32, #tpu.memory_space<vmem>>, vector<512x19xf32>,
    return
  }
  func.func @transform_0(%arg0: i32) -> (i32, i32, i32) {
    %c0_i32 = arith.constant 0 : i32
    %c0_i32_0 = arith.constant 0 : i32
    %c0_i32_1 = arith.constant 0 : i32
    return %c0_i32, %arg0, %c0_i32_0 : i32, i32, i32
  }
  func.func @transform_1(%arg0: i32) -> (i32, i32) {
    %c0_i32 = arith.constant 0 : i32
    %c0_i32_0 = arith.constant 0 : i32
    return %arg0, %c0_i32 : i32, i32
  }
  func.func @transform_2(%arg0: i32) -> (i32, i32) {
    %c0_i32 = arith.constant 0 : i32
    %c0_i32_0 = arith.constant 0 : i32
    return %arg0, %c0_i32 : i32, i32
  }
}

</mosaic_0001>

<sc_bundles>
// kernel: kernel.10.cloned.1.call-start
scs
__scs_entry_jumppad:
0x0: {  	(pc) =	sbr.rel $0x88, $3  }
0x1: {  	(tag) =	ssettag $0x0;
	lr =	simm.s32 $0x1  }
0x2: {  	[smem:$0x3F95] =	sst lr;
	_ =	strace $0xD0000000  }
0x3: {  	_ = 	snop  }
0x4: {  	_ = 	snop  }
0x5: {  	_ = 	snop  }
0x6: {  	_ = 	snop  }
0x7: {  	_ = 	snop  }
__scs_overlays_trampoline_lowered:
0x8: {  	[smem:$0x3FA4] =	sst s0  }
0x9: {  	[smem:$0x3FA5] =	sst s1  }
0xa: {  	[smem:$0x3FA6] =	sst s2  }
0xb: {  	[smem:$0x3FA7] =	sst s3  }
0xc: {  	[smem:$0x3FA8] =	sst s4  }
0xd: {  	[smem:$0x3FA9] =	sst s5  }
0xe: {  	[smem:$0x3FAA] =	sst s6  }
0xf: {  	[smem:$0x3FAB] =	sst s7  }
0x10: {  	[smem:$0x3FAC] =	sst s8  }
0x11: {  	[smem:$0x3FAD] =	sst s9;
	s0 =	simm.s32 @!p0 $0x0  }
0x12: {  	s1 =	sld [smem:$0x3F93];
	s0 =	simm.s32 @p0 $0x1  }
0x13: {  	[smem:$0x3FAE] =	sst s0;
	s0 =	simm.s32 @!p1 $0x0  }
0x14: {  	s2 =	sld [smem:$0x3F92];
	s0 =	simm.s32 @p1 $0x1  }
0x15: {  	[smem:$0x3FAF] =	sst s0;
	s0 =	simm.s32 @!p2 $0x0  }
0x16: {  	s3 =	sld [smem:$0x3FDB];
	s0 =	simm.s32 @p2 $0x1  }
0x17: {  	s4 =	simm.s32 $0x1BF5;
	[smem:$0x3FB1] =	sst s0  }
0x18: {  	s0 =	sld [smem:$0x3F94];
	_ =	swait.ge [sflag:s4], $0x0  }
0x19: {  	s7 =	sld [smem:$0x3F95]  }
0x1a: {  	s8 =	sadd.s32 $0xFFFFE003, lr  }
0x1b: {  	s9 =	sadd.s32 $0xFFFFFEF7, lr;
	s5 =	simm.s32 $0xFFFFFFFF;
	p2 =	slt.u32 s8, $0xFFFFF086  }
0x1c: {  	p1 =	slt.u32 s9, $0xF7A;
	s5 =	simm.s32 @!p2 $0x0  }
0x1d: {  	s5 =	simm.s32 @p1 $0x1;
	p0 =	seq.s32 s7, s2  }
0x1e: {  	s7 =	smul.u32 @!p0 $0xF7A, s2;
	p2 =	seq.s32 @!p0 s5, $0x0  }
0x1f: {  	s9 =	smul.u32 $0xF7A, s1;
	s8 =	simm.s32 @!p0 $0x1BF5;
	p2 =	por !p2, p0  }
0x20: {  	[sflag:s8] =	ssyncset.s32 @!p0 $0xFFFFF086;
	s6 =	sadd.s32 @!p0 s3, s7;
	s7 =	simm.s32 @!p0 $0x108  }
0x21: {  	s3 =	sadd.s32 s3, s9;
	s6 =	sadd.s32 @!p0 $0x88, s6;
	s7 =	simm.s32 @p2 $0x1082  }
0x22: {  	[simem:s7], [sflag:s8] =	dma.local @!p0 [hbm:s6], $0xF7A  }
0x23: {  	s9 =	sor.u32 $0xD0000000, s2;
	s6 =	simm.s32 $0x108;
	_ =	swait.ge @!p0 [sflag:s8], $0x0  }
0x24: {  	s3 =	sadd.s32 $0x88, s3;
	s6 =	simm.s32 @!p1 $0x1082;
	[sflag:s4] =	ssyncset.s32 $0xFFFFF086  }
0x25: {  	[simem:s6], [sflag:s4] =	dma.local [hbm:s3], $0xF7A  }
0x26: {  	[smem:$0x3F95] =	sst s1;
	(tag) =	ssettag s2;
	_ =	strace s9  }
0x27: {  	s1 =	sld [smem:$0x3FA5]  }
0x28: {  	s2 =	sld [smem:$0x3FA6]  }
0x29: {  	s4 =	sld [smem:$0x3FA8]  }
0x2a: {  	p0 =	seq.s32 s5, $0x0;
	s5 =	sld [smem:$0x3FA9]  }
0x2b: {  	s6 =	sld [smem:$0x3FAA]  }
0x2c: {  	s7 =	sld [smem:$0x3FAB]  }
0x2d: {  	s3 =	simm.s32 $0x108;
	s8 =	sld [smem:$0x3FAC]  }
0x2e: {  	s3 =	simm.s32 @!p0 $0x1082;
	s9 =	sld [smem:$0x3FAD]  }
0x2f: {  	lr =	sadd.s32 s0, s3;
	s0 =	sld [smem:$0x3FA4]  }
0x30: {  	s3 =	sld [smem:$0x3FA7]  }
0x31: {  	[smem:$0x3FB0] =	sst s10  }
0x32: {  	s10 =	sld [smem:$0x3FAE];
	_ =	sdelay $0x3  }
0x33: {  	p0 =	seq.s32 s10, $0x1;
	s10 =	sld [smem:$0x3FB0];
	_ =	sdelay $0x3  }
0x34: {  	[smem:$0x3FB0] =	sst s10  }
0x35: {  	s10 =	sld [smem:$0x3FAF];
	_ =	sdelay $0x3  }
0x36: {  	p1 =	seq.s32 s10, $0x1;
	s10 =	sld [smem:$0x3FB0];
	_ =	sdelay $0x3  }
0x37: {  	[smem:$0x3FB0] =	sst s10  }
0x38: {  	s10 =	sld [smem:$0x3FB1]  }
0x39: {  	_ = 	snop;
	(pc) =	sbr.ind lr, $3  }
0x3a: {  	_ = 	snop  }
0x3b: {  	_ = 	snop  }
0x3c: {  	p2 =	seq.s32 s10, $0x1;
	s10 =	sld [smem:$0x3FB0]  }
0x3d: {  	_ =	shalt  }
0x3e: {  	_ =	shalt  }
0x3f: {  	_ =	shalt  }
0x40: {  	_ =	shalt  }
0x41: {  	_ =	shalt  }
0x42: {  	_ =	shalt  }
0x43: {  	_ =	shalt  }
0x44: {  	_ =	shalt  }
0x45: {  	_ =	shalt  }
0x46: {  	_ =	shalt  }
0x47: {  	_ =	shalt  }
0x48: {  	_ =	shalt  }
0x49: {  	_ =	shalt  }
0x4a: {  	_ =	shalt  }
0x4b: {  	_ =	shalt  }
0x4c: {  	_ =	shalt  }
0x4d: {  	_ =	shalt  }
0x4e: {  	_ =	shalt  }
0x4f: {  	_ =	shalt  }
0x50: {  	_ =	shalt  }
0x51: {  	_ =	shalt  }
0x52: {  	_ =	shalt  }
0x53: {  	_ =	shalt  }
0x54: {  	_ =	shalt  }
0x55: {  	_ =	shalt  }
0x56: {  	_ =	shalt  }
0x57: {  	_ =	shalt  }
0x58: {  	_ =	shalt  }
0x59: {  	_ =	shalt  }
0x5a: {  	_ =	shalt  }
0x5b: {  	_ =	shalt  }
0x5c: {  	_ =	shalt  }
0x5d: {  	_ =	shalt  }
0x5e: {  	_ =	shalt  }
0x5f: {  	_ =	shalt  }
0x60: {  	_ =	shalt  }
0x61: {  	_ =	shalt  }
0x62: {  	_ =	shalt  }
0x63: {  	_ =	shalt  }
0x64: {  	_ =	shalt  }
0x65: {  	_ =	shalt  }
0x66: {  	_ =	shalt  }
0x67: {  	_ =	shalt  }
0x68: {  	_ =	shalt  }
0x69: {  	_ =	shalt  }
0x6a: {  	_ =	shalt  }
0x6b: {  	_ =	shalt  }
0x6c: {  	_ =	shalt  }
0x6d: {  	_ =	shalt  }
0x6e: {  	_ =	shalt  }
0x6f: {  	_ =	shalt  }
0x70: {  	_ =	shalt  }
0x71: {  	_ =	shalt  }
0x72: {  	_ =	shalt  }
0x73: {  	_ =	shalt  }
0x74: {  	_ =	shalt  }
0x75: {  	_ =	shalt  }
0x76: {  	_ =	shalt  }
0x77: {  	_ =	shalt  }
0x78: {  	_ =	shalt  }
0x79: {  	_ =	shalt  }
0x7a: {  	_ =	shalt  }
0x7b: {  	_ =	shalt  }
0x7c: {  	_ =	shalt  }
0x7d: {  	_ =	shalt  }
0x7e: {  	_ =	shalt  }
0x7f: {  	_ =	shalt  }
0x80: {  	_ =	shalt  }
0x81: {  	_ =	shalt  }
0x82: {  	_ =	shalt  }
0x83: {  	_ =	shalt  }
0x84: {  	_ =	shalt  }
0x85: {  	_ =	shalt  }
0x86: {  	_ =	shalt  }
0x87: {  	_ =	shalt  }
.Lfunc_end0:
.L_simem_size_0:
called_computation.1_lowered:
.L_overlay_start_0:
0x88: {  	s2 =	sld [smem:$0x3FD9]  }
0x89: {  	s3 =	sld [smem:$0x3FFE];
	_ =	sdelay $0x1  }
0x8a: {  	s1 =	srdreg.scid  }
0x8b: {  	s0 =	sand.u32 $0x1, s1  }
0x8c: {  	s17 =	sshll.u32 s0, $0xA;
	s2 =	sadd.s32 s3, s2  }
0x8d: {  	s2 =	sadd.s32 s2, s17  }
0x8e: {  	[smem:$0x3FBC] =	sst s2  }
0x8f: {  	_ = 	snop  }
0x90: {  	s2 =	sld [smem:$0x3FD0];
	(tm) =	ssettm $0x1  }
0x91: {  	s18 =	sld [smem:$0x3FFB];
	_ =	sdelay $0x3  }
0x92: {  	_ =	strace s18  }
0x93: {  	s3 =	sld [smem:$0x3FFC];
	_ =	sdelay $0x3  }
0x94: {  	_ =	strace s3  }
0x95: {  	s3 =	sld [smem:$0x3FFD];
	_ =	sdelay $0x3  }
0x96: {  	_ =	strace s3  }
0x97: {  	_ =	strace $0x8FFFFFFF  }
0x98: {  	s19 =	sld [smem:$0x3FDB];
	_ =	sdelay $0x1  }
0x99: {  	s4 =	simm.s32 $_scs_section_size  }
0x9a: {  	s5 =	simm.s32 $_size__tile_overlayer_lowered;
	s6 =	simm.s32 $_tile_overlayer_lowered  }
0x9b: {  	s22 =	simm.s32 $0x1BFF;
	s21 =	sshll.u32 s6, $0x1;
	s3 =	sadd.s32 s4, s19  }
0x9c: {  	s7 =	simm.s32 $0x0;
	s20 =	sshll.u32 s5, $0x1;
	s5 =	sadd.s32 s21, s3  }
0x9d: {  	[timem:s7], [sflag:s22] =	dma.local [hbm:s5], s20  }
0x9e: {  	_ =	swait.ge [sflag:s22], s20  }
0x9f: {  	s4 =	ssub.s32 $0x0, s20;
	[sflag:s22] =	ssyncset.done $0x0  }
0xa0: {  	[sflag:s22] =	ssyncadd.s32 s4;
	_ =	sdelay $0x1  }
0xa1: {  	s23 =	simm.s32 $0x1B8B  }
0xa2: {  	_ =	swait.ge [sflag:s23], $0x1  }
0xa3: {  	[sflag:s23] =	ssyncset.done $0x0  }
0xa4: {  	s25 =	simm.s32 $0x1B8E;
	s24 =	sld [smem:$0x3FFE];
	[sflag:s23] =	ssyncadd.s32 $0xFFFFFFFF  }
0xa5: {  	s26 =	simm.s32 $execute0_lowered;
	[smem:$0x3FD2] =	sst s25  }
0xa6: {  	s5 =	sshll.u32 s26, $0x1;
	_ =	strace $0x80000049;
	[dreg:$0x1] =	wrdreg $0xFFFFFFFF  }
0xa7: {  	s28 =	simm.s32 $_size_execute0_lowered;
	s3 =	sadd.s32 s3, s5;
	[dreg:$0x0] =	wrdreg $0x0  }
0xa8: {  	s5 =	sshll.u32 s28, $0x1;
	[dreg:$0x2] =	wrdreg s3  }
0xa9: {  	[dreg:$0x3] =	wrdreg s5  }
0xaa: {  	[dreg:$0x4] =	wrdreg $0xC0  }
0xab: {  	_ =	task [dreg:s7], $0x5FFFF  }
0xac: {  	[dreg:$0x1] =	wrdreg $0xFFFFFFFF  }
0xad: {  	[dreg:$0x0] =	wrdreg $0x60  }
0xae: {  	[dreg:$0x2] =	wrdreg s24  }
0xaf: {  	[dreg:$0x3] =	wrdreg s2  }
0xb0: {  	[dreg:$0x4] =	wrdreg $0xB300  }
0xb1: {  	[dreg:$0x5] =	wrdreg $0x9  }
0xb2: {  	_ =	task.clear_ibuf [dreg:s7], $0x6FFFF;
	_ =	strace $0x90000049  }
0xb3: {  	s29 =	simm.s32 $0x9;
	_ =	strace $0x8000004B  }
0xb4: {  	_ =	swait.ge [sflag:s29], $0x1  }
0xb5: {  	[sflag:s29] =	ssyncadd.s32 $0xFFFFFFFF  }
0xb6: {  	_ =	strace $0x9000004B  }
0xb7: {  	_ =	sfence  }
0xb8: {  	s30 =	sld [smem:$0x0];
	_ =	sdelay $0x2  }
0xb9: {  	s31 =	sshll.u32 s1, $0xD;
	s1 =	sshrl.u32 s1, $0x2  }
0xba: {  	s3 =	sand.u32 $0x4000, s31;
	s1 =	sadd.s32 s1, s30  }
0xbb: {  	s0 =	sor.u32 s3, s0;
	s1 =	sshll.u32 s1, $0x11  }
0xbc: {  	s0 =	sor.u32 s1, s0  }
0xbd: {  	s0 =	sadd.s32 $0x8F2B, s0  }
0xbe: {  	[sflag:s0] =	ssyncadd.remote.s32 $0x1  }
0xbf: {  	_ =	sfence.sel $0xFFFF  }
0xc0: {  	[dreg:$0x0] =	wrdreg $0xFFFFFFFF;
	(pc) =	sbr.abs _section_cstart, $3  }
0xc1: {  	[dreg:$0x1] =	wrdreg $0xFFFFFFFF  }
0xc2: {  	_ =	task.clear_ibuf [dreg:s7], $0x2FFFF;
	_ =	strace $0x9FFFFFFF  }
0xc3: {  	(tm) =	ssettm $0x7FFFFFFF  }
tec
execute0_lowered:
.L_overlay_start_1:
0x0: {  	(tag) =	ssettag $0x1  }
0x1: {  	s1 =	rddreg [dreg:$0x0];
	s3 =	srdreg.scid  }
0x2: {  	s16 =	rddreg [dreg:$0x1];
	s7 =	sand.u32 $0x1, s3  }
0x3: {  	s3 =	stileid.u32;
	s5 =	smul.u32 $0x126000, s7  }
0x4: {  	s2 =	rddreg [dreg:$0x2];
	s6 =	smul.u32 $0x12600, s3  }
0x5: {  	s0 =	rddreg [dreg:$0x3];
	s4 =	simm.s32 $0x0;
	s10 =	smul.u32 $0xC40, s3  }
0x6: {  	s19 =	simm.s32 $0x1;
	s21 =	simm.s32 $0x80;
	s9 =	smul.u32 $0x49800, s3  }
0x7: {  	s22 =	simm.s32 $0x0;
	[smem:$0x7FF] =	sst s4;
	s11 =	smul.u32 $0x1880, s7  }
0x8: {  	s15 =	sadd.s32 $0x7A800, s1;
	_ =	strace $0x8000004A;
	s13 =	smul.u32 $0x188, s3  }
0x9: {  	s20 =	sor.u32 $0xC3C0, s3;
	s24 =	ssub.s32 $0x2, s7;
	s14 =	smul.u32 $0xC400, s7  }
0xa: {  	s8 =	smul.u32 $0x60, s20;
	s12 =	sshrl.u32 s24, $0x1;
	v0 =	vmov s20;
	s20 =	simm.s32 $0x40  }
0xb: {  	s6 =	sadd.s32 s6, s5;
	s5 =	sadd.s32 $0x24C00, s1;
	s12 =	ssub.s32 s24, s12  }
0xc: {  	s25 =	sshrl.u32 s9, $0x2;
	s26 =	sadd.s32 s13, s11;
	s28 =	sadd.s32 s14, s16  }
0xd: {  	s29 =	sadd.s32 s14, s15;
	s6 =	sshrl.u32 s6, $0x3;
	s8 =	sshrl.u32 s8, $0x2  }
0xe: {  	s7 =	smax.u32 s12, $0x1;
	s18 =	sshll.u32 s26, $0x3;
	s9 =	sadd.s32 s10, s28  }
0xf: {  	s10 =	sadd.s32 s10, s29;
	s17 =	sadd.s32 s6, s1;
	s6 =	sadd.s32 s8, s2  }
0x10: {  	s8 =	sadd.s32 s25, s2;
	s30 =	sadd.s32 $0x300, s18;
	s31 =	sadd.s32 $0x600, s18  }
0x11: {  	s18 =	sadd.s32 $0x900, s18;
	s11 =	sadd.s32 s30, s15;
	s12 =	sadd.s32 s30, s16  }
0x12: {  	s13 =	sadd.s32 s31, s15;
	s14 =	sadd.s32 s31, s16;
	s15 =	sadd.s32 s18, s15  }
0x13: {  	v1 =	vimm.f32 $1.000000000e+00;
	s16 =	sadd.s32 s18, s16;
	s17 =	sadd.s32 $0x24E00, s17;
	s18 =	simm.s32 $0x680  }
.LBB2_1:
0x14: {  	[tilespmem:s18], [sflag:$0x1] =	stream.linear.gather [hbm4b:s5+s4], $0x498, $0x38;
	[tilespmem:$0x13130] =	vst v63  }
0x15: {  	_ =	swait.ge [sflag:s19], $0x498  }
0x16: {  	[sflag:s19] =	ssyncset.done $0x0  }
0x17: {  	s23 =	sadd.s32 $0x0, s8;
	[sflag:s19] =	ssyncadd.s32 $0xFFFFFB68  }
0x18: {  	[spmem:s23] =	stream.linear.scatter [tilespmem:s18], [sflag:$0x1], $0x498, $0x38;
	[tilespmem:$0x13130] =	vst v63  }
0x19: {  	s23 =	simm.s32 $0x1260;
	_ =	swait.ge [sflag:s19], $0x498  }
.LBB2_2:
0x1a: {  	s24 =	sshra.s32 s23, $0x2;
	[sflag:s19] =	ssyncset.done $0x0;
	p0 =	sne.s32 s23, $0x485A0  }
.Ltmp0:
0x1b: {  	s24 =	sadd.s32 s24, s8;
	[sflag:s19] =	ssyncadd.s32 $0xFFFFFB68;
	(pc) =	sbr.rel @p0 .LBB2_2-.Ltmp0, $3  }
0x1c: {  	[spmem:s24] =	stream.linear.scatter [tilespmem:s18], [sflag:$0x1], $0x498, $0x38;
	[tilespmem:$0x13130] =	vst v63  }
0x1d: {  	s23 =	sadd.s32 $0x1260, s23;
	_ =	sdelay $0x1  }
0x1e: {  	_ =	swait.ge [sflag:s19], $0x498  }
0x1f: {  	[sflag:s19] =	ssyncset.done $0x0  }
0x20: {  	[sflag:s19] =	ssyncadd.s32 $0xFFFFFB68  }
0x21: {  	s23 =	sadd.s32 $0x0, s10;
	[bflag:$0x0] =	sbarrier.arrive $0xFFFF  }
0x22: {  	[tilespmem:s4], [sflag:$0x1] =	stream.linear.gather [hbm4b:s23+s4], $0x40, $0x38;
	[tilespmem:$0x13130] =	vst v63  }
0x23: {  	_ =	swait.ge [sflag:s19], $0x40  }
0x24: {  	[sflag:s19] =	ssyncset.done $0x0  }
0x25: {  	s31 =	sadd.s32 $0x0, s9;
	[sflag:s19] =	ssyncadd.s32 $0xFFFFFFC0  }
0x26: {  	[tilespmem:s20], [sflag:$0x1] =	stream.linear.gather [hbm4b:s31+s4], $0x40, $0x38;
	[tilespmem:$0x13130] =	vst v63  }
0x27: {  	_ =	swait.ge [sflag:s19], $0x40  }
0x28: {  	[sflag:s19] =	ssyncset.done $0x0  }
0x29: {  	[sflag:s19] =	ssyncadd.s32 $0xFFFFFFC0  }
0x2a: {  	[tilespmem:s21], [sflag:$0x1] =	stream.indirect.gather [hbm4b:s1+s20], $0x18, s4, s20, $0xb8;
	[tilespmem:$0x13130] =	vst v63  }
0x2b: {  	_ =	swait.ge [sflag:s19], $0x600  }
0x2c: {  	[sflag:s19] =	ssyncset.done $0x0  }
0x2d: {  	[sflag:s19] =	ssyncadd.s32 $0xFFFFFA00  }
0x2e: {  	[spmem:s2] =	stream.indirect.scatter.add.f32 [tilespmem:s21], [sflag:$0x1], $0x18, s20, s20, $0xb8;
	[tilespmem:$0x13130] =	vst v63  }
0x2f: {  	_ =	swait.ge [sflag:s19], $0x600  }
0x30: {  	s24 =	simm.s32 $0x10;
	s23 =	simm.s32 $0x8;
	[sflag:s19] =	ssyncset.done $0x0  }
.LBB2_4:
0x31: {  	s25 =	sadd.s32 s23, s10  }
0x32: {  	[sflag:s19] =	ssyncadd.s32 $0xFFFFFA00;
	s26 =	smov.u32 s24;
	s28 =	sadd.s32 $0x8, s24  }
0x33: {  	[tilespmem:s4], [sflag:$0x1] =	stream.linear.gather [hbm4b:s25+s4], $0x40, $0x38;
	[tilespmem:$0x13130] =	vst v63  }
0x34: {  	p0 =	sne.s32 s24, $0x308;
	_ =	swait.ge [sflag:s19], $0x40  }
0x35: {  	[sflag:s19] =	ssyncset.done $0x0  }
0x36: {  	s24 =	sadd.s32 s23, s9;
	s23 =	smov.u32 s26;
	[sflag:s19] =	ssyncadd.s32 $0xFFFFFFC0  }
0x37: {  	[tilespmem:s20], [sflag:$0x1] =	stream.linear.gather [hbm4b:s24+s4], $0x40, $0x38;
	[tilespmem:$0x13130] =	vst v63  }
0x38: {  	_ =	swait.ge [sflag:s19], $0x40  }
0x39: {  	[sflag:s19] =	ssyncset.done $0x0  }
0x3a: {  	[sflag:s19] =	ssyncadd.s32 $0xFFFFFFC0  }
0x3b: {  	[tilespmem:s21], [sflag:$0x1] =	stream.indirect.gather [hbm4b:s1+s20], $0x18, s4, s20, $0xb8;
	[tilespmem:$0x13130] =	vst v63  }
0x3c: {  	_ =	swait.ge [sflag:s19], $0x600  }
.Ltmp1:
0x3d: {  	[sflag:s19] =	ssyncset.done $0x0;
	(pc) =	sbr.rel @p0 .LBB2_4-.Ltmp1, $4  }
0x3e: {  	[sflag:s19] =	ssyncadd.s32 $0xFFFFFA00  }
0x3f: {  	[spmem:s2] =	stream.indirect.scatter.add.f32 [tilespmem:s21], [sflag:$0x1], $0x18, s20, s20, $0xb8;
	[tilespmem:$0x13130] =	vst v63  }
0x40: {  	_ =	swait.ge [sflag:s19], $0x600  }
0x41: {  	s24 =	smov.u32 s28;
	[sflag:s19] =	ssyncset.done $0x0  }
0x42: {  	s24 =	sadd.s32 s23, s10;
	[sflag:s19] =	ssyncadd.s32 $0xFFFFFA00  }
0x43: {  	[tilespmem:s4], [sflag:$0x1] =	stream.linear.gather [hbm4b:s24+s4], $0x40, $0x38;
	[tilespmem:$0x13130] =	vst v63  }
0x44: {  	_ =	swait.ge [sflag:s19], $0x40  }
0x45: {  	[sflag:s19] =	ssyncset.done $0x0  }
0x46: {  	s29 =	sadd.s32 s23, s9;
	[sflag:s19] =	ssyncadd.s32 $0xFFFFFFC0  }
0x47: {  	[tilespmem:s20], [sflag:$0x1] =	stream.linear.gather [hbm4b:s29+s4], $0x40, $0x38;
	[tilespmem:$0x13130] =	vst v63  }
0x48: {  	_ =	swait.ge [sflag:s19], $0x40  }
0x49: {  	[sflag:s19] =	ssyncset.done $0x0  }
0x4a: {  	[sflag:s19] =	ssyncadd.s32 $0xFFFFFFC0  }
0x4b: {  	[tilespmem:s21], [sflag:$0x1] =	stream.indirect.gather [hbm4b:s1+s20], $0x18, s4, s20, $0xb8;
	[tilespmem:$0x13130] =	vst v63  }
0x4c: {  	_ =	swait.ge [sflag:s19], $0x600  }
0x4d: {  	[sflag:s19] =	ssyncset.done $0x0  }
0x4e: {  	[sflag:s19] =	ssyncadd.s32 $0xFFFFFA00  }
0x4f: {  	[spmem:s2] =	stream.indirect.scatter.add.f32 [tilespmem:s21], [sflag:$0x1], $0x18, s20, s20, $0xb8;
	[tilespmem:$0x13130] =	vst v63  }
0x50: {  	_ =	swait.ge [sflag:s19], $0x600  }
0x51: {  	[sflag:s19] =	ssyncset.done $0x0  }
0x52: {  	s30 =	sadd.s32 $0x10, s11;
	[sflag:s19] =	ssyncadd.s32 $0xFFFFFA00  }
0x53: {  	[tilespmem:s4], [sflag:$0x1] =	stream.linear.gather [hbm4b:s30+s4], $0x40, $0x38;
	[tilespmem:$0x13130] =	vst v63  }
0x54: {  	_ =	swait.ge [sflag:s19], $0x40  }
0x55: {  	[sflag:s19] =	ssyncset.done $0x0  }
0x56: {  	s31 =	sadd.s32 $0x10, s12;
	[sflag:s19] =	ssyncadd.s32 $0xFFFFFFC0  }
0x57: {  	[tilespmem:s20], [sflag:$0x1] =	stream.linear.gather [hbm4b:s31+s4], $0x40, $0x38;
	[tilespmem:$0x13130] =	vst v63  }
0x58: {  	_ =	swait.ge [sflag:s19], $0x40  }
0x59: {  	[sflag:s19] =	ssyncset.done $0x0  }
0x5a: {  	[sflag:s19] =	ssyncadd.s32 $0xFFFFFFC0  }
0x5b: {  	[tilespmem:s21], [sflag:$0x1] =	stream.indirect.gather [hbm4b:s1+s20], $0x18, s4, s20, $0xb8;
	[tilespmem:$0x13130] =	vst v63  }
0x5c: {  	_ =	swait.ge [sflag:s19], $0x600  }
0x5d: {  	[sflag:s19] =	ssyncset.done $0x0  }
0x5e: {  	[sflag:s19] =	ssyncadd.s32 $0xFFFFFA00  }
0x5f: {  	[spmem:s2] =	stream.indirect.scatter.add.f32 [tilespmem:s21], [sflag:$0x1], $0x18, s20, s20, $0xb8;
	[tilespmem:$0x13130] =	vst v63  }
0x60: {  	_ =	swait.ge [sflag:s19], $0x600  }
0x61: {  	s23 =	simm.s32 $0x18;
	s24 =	simm.s32 $0x20;
	[sflag:s19] =	ssyncset.done $0x0  }
.LBB2_6:
0x62: {  	s25 =	sadd.s32 s23, s11  }
0x63: {  	[sflag:s19] =	ssyncadd.s32 $0xFFFFFA00;
	s26 =	smov.u32 s24;
	s28 =	sadd.s32 $0x8, s24  }
0x64: {  	[tilespmem:s4], [sflag:$0x1] =	stream.linear.gather [hbm4b:s25+s4], $0x40, $0x38;
	[tilespmem:$0x13130] =	vst v63  }
0x65: {  	p0 =	sne.s32 s24, $0x318;
	_ =	swait.ge [sflag:s19], $0x40  }
0x66: {  	[sflag:s19] =	ssyncset.done $0x0  }
0x67: {  	s24 =	sadd.s32 s23, s12;
	s23 =	smov.u32 s26;
	[sflag:s19] =	ssyncadd.s32 $0xFFFFFFC0  }
0x68: {  	[tilespmem:s20], [sflag:$0x1] =	stream.linear.gather [hbm4b:s24+s4], $0x40, $0x38;
	[tilespmem:$0x13130] =	vst v63  }
0x69: {  	_ =	swait.ge [sflag:s19], $0x40  }
0x6a: {  	[sflag:s19] =	ssyncset.done $0x0  }
0x6b: {  	[sflag:s19] =	ssyncadd.s32 $0xFFFFFFC0  }
0x6c: {  	[tilespmem:s21], [sflag:$0x1] =	stream.indirect.gather [hbm4b:s1+s20], $0x18, s4, s20, $0xb8;
	[tilespmem:$0x13130] =	vst v63  }
0x6d: {  	_ =	swait.ge [sflag:s19], $0x600  }
.Ltmp2:
0x6e: {  	[sflag:s19] =	ssyncset.done $0x0;
	(pc) =	sbr.rel @p0 .LBB2_6-.Ltmp2, $4  }
0x6f: {  	[sflag:s19] =	ssyncadd.s32 $0xFFFFFA00  }
0x70: {  	[spmem:s2] =	stream.indirect.scatter.add.f32 [tilespmem:s21], [sflag:$0x1], $0x18, s20, s20, $0xb8;
	[tilespmem:$0x13130] =	vst v63  }
0x71: {  	_ =	swait.ge [sflag:s19], $0x600  }
0x72: {  	s24 =	smov.u32 s28;
	[sflag:s19] =	ssyncset.done $0x0  }
0x73: {  	s24 =	sadd.s32 s23, s11;
	[sflag:s19] =	ssyncadd.s32 $0xFFFFFA00  }
0x74: {  	[tilespmem:s4], [sflag:$0x1] =	stream.linear.gather [hbm4b:s24+s4], $0x40, $0x38;
	[tilespmem:$0x13130] =	vst v63  }
0x75: {  	_ =	swait.ge [sflag:s19], $0x40  }
0x76: {  	[sflag:s19] =	ssyncset.done $0x0  }
0x77: {  	s29 =	sadd.s32 s23, s12;
	[sflag:s19] =	ssyncadd.s32 $0xFFFFFFC0  }
0x78: {  	[tilespmem:s20], [sflag:$0x1] =	stream.linear.gather [hbm4b:s29+s4], $0x40, $0x38;
	[tilespmem:$0x13130] =	vst v63  }
0x79: {  	_ =	swait.ge [sflag:s19], $0x40  }
0x7a: {  	[sflag:s19] =	ssyncset.done $0x0  }
0x7b: {  	[sflag:s19] =	ssyncadd.s32 $0xFFFFFFC0  }
0x7c: {  	[tilespmem:s21], [sflag:$0x1] =	stream.indirect.gather [hbm4b:s1+s20], $0x18, s4, s20, $0xb8;
	[tilespmem:$0x13130] =	vst v63  }
0x7d: {  	_ =	swait.ge [sflag:s19], $0x600  }
0x7e: {  	[sflag:s19] =	ssyncset.done $0x0  }
0x7f: {  	[sflag:s19] =	ssyncadd.s32 $0xFFFFFA00  }
0x80: {  	[spmem:s2] =	stream.indirect.scatter.add.f32 [tilespmem:s21], [sflag:$0x1], $0x18, s20, s20, $0xb8;
	[tilespmem:$0x13130] =	vst v63  }
0x81: {  	_ =	swait.ge [sflag:s19], $0x600  }
0x82: {  	[sflag:s19] =	ssyncset.done $0x0  }
0x83: {  	s30 =	sadd.s32 $0x20, s13;
	[sflag:s19] =	ssyncadd.s32 $0xFFFFFA00  }
0x84: {  	[tilespmem:s4], [sflag:$0x1] =	stream.linear.gather [hbm4b:s30+s4], $0x40, $0x38;
	[tilespmem:$0x13130] =	vst v63  }
0x85: {  	_ =	swait.ge [sflag:s19], $0x40  }
0x86: {  	[sflag:s19] =	ssyncset.done $0x0  }
0x87: {  	s31 =	sadd.s32 $0x20, s14;
	[sflag:s19] =	ssyncadd.s32 $0xFFFFFFC0  }
0x88: {  	[tilespmem:s20], [sflag:$0x1] =	stream.linear.gather [hbm4b:s31+s4], $0x40, $0x38;
	[tilespmem:$0x13130] =	vst v63  }
0x89: {  	_ =	swait.ge [sflag:s19], $0x40  }
0x8a: {  	[sflag:s19] =	ssyncset.done $0x0  }
0x8b: {  	[sflag:s19] =	ssyncadd.s32 $0xFFFFFFC0  }
0x8c: {  	[tilespmem:s21], [sflag:$0x1] =	stream.indirect.gather [hbm4b:s1+s20], $0x18, s4, s20, $0xb8;
	[tilespmem:$0x13130] =	vst v63  }
0x8d: {  	_ =	swait.ge [sflag:s19], $0x600  }
0x8e: {  	[sflag:s19] =	ssyncset.done $0x0  }
0x8f: {  	[sflag:s19] =	ssyncadd.s32 $0xFFFFFA00  }
0x90: {  	[spmem:s2] =	stream.indirect.scatter.add.f32 [tilespmem:s21], [sflag:$0x1], $0x18, s20, s20, $0xb8;
	[tilespmem:$0x13130] =	vst v63  }
0x91: {  	_ =	swait.ge [sflag:s19], $0x600  }
0x92: {  	s23 =	simm.s32 $0x28;
	s24 =	simm.s32 $0x30;
	[sflag:s19] =	ssyncset.done $0x0  }
.LBB2_8:
0x93: {  	s25 =	sadd.s32 s23, s13  }
0x94: {  	[sflag:s19] =	ssyncadd.s32 $0xFFFFFA00;
	s26 =	smov.u32 s24;
	s28 =	sadd.s32 $0x8, s24  }
0x95: {  	[tilespmem:s4], [sflag:$0x1] =	stream.linear.gather [hbm4b:s25+s4], $0x40, $0x38;
	[tilespmem:$0x13130] =	vst v63  }
0x96: {  	p0 =	sne.s32 s24, $0x328;
	_ =	swait.ge [sflag:s19], $0x40  }
0x97: {  	[sflag:s19] =	ssyncset.done $0x0  }
0x98: {  	s24 =	sadd.s32 s23, s14;
	s23 =	smov.u32 s26;
	[sflag:s19] =	ssyncadd.s32 $0xFFFFFFC0  }
0x99: {  	[tilespmem:s20], [sflag:$0x1] =	stream.linear.gather [hbm4b:s24+s4], $0x40, $0x38;
	[tilespmem:$0x13130] =	vst v63  }
0x9a: {  	_ =	swait.ge [sflag:s19], $0x40  }
0x9b: {  	[sflag:s19] =	ssyncset.done $0x0  }
0x9c: {  	[sflag:s19] =	ssyncadd.s32 $0xFFFFFFC0  }
0x9d: {  	[tilespmem:s21], [sflag:$0x1] =	stream.indirect.gather [hbm4b:s1+s20], $0x18, s4, s20, $0xb8;
	[tilespmem:$0x13130] =	vst v63  }
0x9e: {  	_ =	swait.ge [sflag:s19], $0x600  }
.Ltmp3:
0x9f: {  	[sflag:s19] =	ssyncset.done $0x0;
	(pc) =	sbr.rel @p0 .LBB2_8-.Ltmp3, $4  }
0xa0: {  	[sflag:s19] =	ssyncadd.s32 $0xFFFFFA00  }
0xa1: {  	[spmem:s2] =	stream.indirect.scatter.add.f32 [tilespmem:s21], [sflag:$0x1], $0x18, s20, s20, $0xb8;
	[tilespmem:$0x13130] =	vst v63  }
0xa2: {  	_ =	swait.ge [sflag:s19], $0x600  }
0xa3: {  	s24 =	smov.u32 s28;
	[sflag:s19] =	ssyncset.done $0x0  }
0xa4: {  	s24 =	sadd.s32 s23, s13;
	[sflag:s19] =	ssyncadd.s32 $0xFFFFFA00  }
0xa5: {  	[tilespmem:s4], [sflag:$0x1] =	stream.linear.gather [hbm4b:s24+s4], $0x40, $0x38;
	[tilespmem:$0x13130] =	vst v63  }
0xa6: {  	_ =	swait.ge [sflag:s19], $0x40  }
0xa7: {  	[sflag:s19] =	ssyncset.done $0x0  }
0xa8: {  	s29 =	sadd.s32 s23, s14;
	[sflag:s19] =	ssyncadd.s32 $0xFFFFFFC0  }
0xa9: {  	[tilespmem:s20], [sflag:$0x1] =	stream.linear.gather [hbm4b:s29+s4], $0x40, $0x38;
	[tilespmem:$0x13130] =	vst v63  }
0xaa: {  	_ =	swait.ge [sflag:s19], $0x40  }
0xab: {  	[sflag:s19] =	ssyncset.done $0x0  }
0xac: {  	[sflag:s19] =	ssyncadd.s32 $0xFFFFFFC0  }
0xad: {  	[tilespmem:s21], [sflag:$0x1] =	stream.indirect.gather [hbm4b:s1+s20], $0x18, s4, s20, $0xb8;
	[tilespmem:$0x13130] =	vst v63  }
0xae: {  	_ =	swait.ge [sflag:s19], $0x600  }
0xaf: {  	[sflag:s19] =	ssyncset.done $0x0  }
0xb0: {  	[sflag:s19] =	ssyncadd.s32 $0xFFFFFA00  }
0xb1: {  	[spmem:s2] =	stream.indirect.scatter.add.f32 [tilespmem:s21], [sflag:$0x1], $0x18, s20, s20, $0xb8;
	[tilespmem:$0x13130] =	vst v63  }
0xb2: {  	_ =	swait.ge [sflag:s19], $0x600  }
0xb3: {  	[sflag:s19] =	ssyncset.done $0x0  }
0xb4: {  	s30 =	sadd.s32 $0x30, s15;
	s23 =	simm.s32 $0x0;
	[sflag:s19] =	ssyncadd.s32 $0xFFFFFA00  }
0xb5: {  	[tilespmem:s23], [sflag:$0x1] =	stream.linear.gather [hbm4b:s30+s23], $0x40, $0x38;
	[tilespmem:$0x13130] =	vst v63  }
0xb6: {  	_ =	swait.ge [sflag:s19], $0x40  }
0xb7: {  	[sflag:s19] =	ssyncset.done $0x0  }
0xb8: {  	s31 =	sadd.s32 $0x30, s16;
	[sflag:s19] =	ssyncadd.s32 $0xFFFFFFC0  }
0xb9: {  	[tilespmem:s20], [sflag:$0x1] =	stream.linear.gather [hbm4b:s31+s23], $0x40, $0x38;
	[tilespmem:$0x13130] =	vst v63  }
0xba: {  	_ =	swait.ge [sflag:s19], $0x40  }
0xbb: {  	[sflag:s19] =	ssyncset.done $0x0  }
0xbc: {  	[sflag:s19] =	ssyncadd.s32 $0xFFFFFFC0  }
0xbd: {  	[tilespmem:s21], [sflag:$0x1] =	stream.indirect.gather [hbm4b:s1+s20], $0x18, s23, s20, $0xb8;
	[tilespmem:$0x13130] =	vst v63  }
0xbe: {  	_ =	swait.ge [sflag:s19], $0x600  }
0xbf: {  	[sflag:s19] =	ssyncset.done $0x0  }
0xc0: {  	[sflag:s19] =	ssyncadd.s32 $0xFFFFFA00  }
0xc1: {  	[spmem:s2] =	stream.indirect.scatter.add.f32 [tilespmem:s21], [sflag:$0x1], $0x18, s20, s20, $0xb8;
	[tilespmem:$0x13130] =	vst v63  }
0xc2: {  	s26 =	sadd.s32 $0x38, s15;
	_ =	swait.ge [sflag:s19], $0x600  }
0xc3: {  	s25 =	simm.s32 $0x40;
	s24 =	simm.s32 $0x38;
	[sflag:s19] =	ssyncset.done $0x0  }
.LBB2_10:
0xc4: {  	s28 =	sadd.s32 s25, s15;
	[sflag:s19] =	ssyncadd.s32 $0xFFFFFA00;
	s29 =	smov.u32 s25  }
0xc5: {  	[tilespmem:s23], [sflag:$0x1] =	stream.linear.gather [hbm4b:s26+s23], $0x40, $0x38;
	[tilespmem:$0x13130] =	vst v63  }
0xc6: {  	p0 =	sne.s32 s25, $0x338;
	s25 =	sadd.s32 $0x8, s25;
	_ =	swait.ge [sflag:s19], $0x40  }
0xc7: {  	s26 =	smov.u32 s28;
	[sflag:s19] =	ssyncset.done $0x0  }
0xc8: {  	s28 =	sadd.s32 s24, s16;
	s24 =	smov.u32 s29;
	[sflag:s19] =	ssyncadd.s32 $0xFFFFFFC0  }
0xc9: {  	[tilespmem:s20], [sflag:$0x1] =	stream.linear.gather [hbm4b:s28+s23], $0x40, $0x38;
	[tilespmem:$0x13130] =	vst v63  }
0xca: {  	_ =	swait.ge [sflag:s19], $0x40  }
0xcb: {  	[sflag:s19] =	ssyncset.done $0x0  }
0xcc: {  	[sflag:s19] =	ssyncadd.s32 $0xFFFFFFC0  }
0xcd: {  	[tilespmem:s21], [sflag:$0x1] =	stream.indirect.gather [hbm4b:s1+s20], $0x18, s23, s20, $0xb8;
	[tilespmem:$0x13130] =	vst v63  }
0xce: {  	_ =	swait.ge [sflag:s19], $0x600  }
.Ltmp4:
0xcf: {  	[sflag:s19] =	ssyncset.done $0x0;
	(pc) =	sbr.rel @p0 .LBB2_10-.Ltmp4, $4  }
0xd0: {  	[sflag:s19] =	ssyncadd.s32 $0xFFFFFA00  }
0xd1: {  	[spmem:s2] =	stream.indirect.scatter.add.f32 [tilespmem:s21], [sflag:$0x1], $0x18, s20, s20, $0xb8;
	[tilespmem:$0x13130] =	vst v63  }
0xd2: {  	_ =	swait.ge [sflag:s19], $0x600  }
0xd3: {  	[sflag:s19] =	ssyncset.done $0x0  }
0xd4: {  	s23 =	simm.s32 $0x0;
	[sflag:s19] =	ssyncadd.s32 $0xFFFFFA00  }
0xd5: {  	[tilespmem:s23], [sflag:$0x1] =	stream.linear.gather [hbm4b:s26+s23], $0x40, $0x38;
	[tilespmem:$0x13130] =	vst v63  }
0xd6: {  	_ =	swait.ge [sflag:s19], $0x40  }
0xd7: {  	[sflag:s19] =	ssyncset.done $0x0  }
0xd8: {  	s24 =	sadd.s32 s24, s16;
	[sflag:s19] =	ssyncadd.s32 $0xFFFFFFC0  }
0xd9: {  	[tilespmem:s20], [sflag:$0x1] =	stream.linear.gather [hbm4b:s24+s23], $0x40, $0x38;
	[tilespmem:$0x13130] =	vst v63  }
0xda: {  	_ =	swait.ge [sflag:s19], $0x40  }
0xdb: {  	[sflag:s19] =	ssyncset.done $0x0  }
0xdc: {  	[sflag:s19] =	ssyncadd.s32 $0xFFFFFFC0  }
0xdd: {  	[tilespmem:s21], [sflag:$0x1] =	stream.indirect.gather [hbm4b:s1+s20], $0x18, s23, s20, $0xb8;
	[tilespmem:$0x13130] =	vst v63  }
0xde: {  	_ =	swait.ge [sflag:s19], $0x600  }
0xdf: {  	[sflag:s19] =	ssyncset.done $0x0  }
0xe0: {  	p0 =	por $0x1, $0x1;
	[sflag:s19] =	ssyncadd.s32 $0xFFFFFA00  }
0xe1: {  	[spmem:s2] =	stream.indirect.scatter.add.f32 [tilespmem:s21], [sflag:$0x1], $0x18, s20, s20, $0xb8;
	[tilespmem:$0x13130] =	vst v63  }
.Ltmp5:
0xe2: {  	_ = 	snop;
	(pc) =	sbr.rel @!p0 .LBB2_13-.Ltmp5, $4  }
0xe3: {  	_ =	swait.ge [sflag:s19], $0x600  }
0xe4: {  	[sflag:s19] =	ssyncset.done $0x0  }
0xe5: {  	s25 =	simm.s32 $0x0;
	[sflag:s19] =	ssyncadd.s32 $0xFFFFFA00  }
0xe6: {  	s24 =	simm.s32 $0x60;
	[tilespmem:s25+$0x80] =	vst v1  }
.LBB2_12:
0xe7: {  	p0 =	sne.s32 s24, $0x17A0;
	[tilespmem:s25+$0x88] =	vst v1;
	s25 =	smov.u32 s24;
	s24 =	sadd.s32 $0x60, s24  }
.Ltmp6:
0xe8: {  	(pc) =	sbr.rel @p0 .LBB2_12-.Ltmp6, $3  }
0xe9: {  	_ =	sdelay $0x1  }
0xea: {  	s25 =	sshra.s32 s25, $0x2  }
0xeb: {  	[tilespmem:s25+$0x80] =	vst v1  }
.LBB2_13:
0xec: {  	[tilespmem:s25+$0x88] =	vst v1  }
0xed: {  	[tilespmem:$0x40] =	vst v0  }
0xee: {  	[tilespmem:$0x50] =	vst v0  }
0xef: {  	[tilespmem:$0x60] =	vst v0  }
0xf0: {  	[tilespmem:$0x70] =	vst v0  }
0xf1: {  	[spmem:s2] =	stream.indirect.scatter.add.f32 [tilespmem:s21], [sflag:$0x1], $0x18, s20, s20, $0xb8;
	[tilespmem:$0x13130] =	vst v63  }
0xf2: {  	_ =	swait.ge [sflag:s19], $0x600  }
0xf3: {  	p0 =	por $0x0, $0x0;
	[sflag:s19] =	ssyncset.done $0x0  }
0xf4: {  	s24 =	simm.s32 @!p0 $0xB18;
	s25 =	simm.s32 @!p0 $0x1;
	[sflag:s19] =	ssyncadd.s32 $0xFFFFFA00  }
0xf5: {  	[tilespmem:s24], [sflag:$0x1] =	stream.linear.gather @!p0 [spmem:s6], $0x18, $0x38;
	[tilespmem:$0x13130] =	vst v63  }
0xf6: {  	_ =	swait.ge @!p0 [sflag:s25], $0x18  }
0xf7: {  	[sflag:s25] =	ssyncset.done @!p0 $0x0  }
0xf8: {  	[sflag:s25] =	ssyncadd.s32 @!p0 $0xFFFFFFE8  }
0xf9: {  	v2 =	vld [tilespmem:$0xB18];
	_ =	sdelay $0x4  }
0xfa: {  	(xrf0) =	vmax.scan.msk.f32 $0xffff, v2;
	_ =	sdelay $0x5  }
0xfb: {  	v2, _, _ =	vpop (xrf0)  }
0xfc: {  	(v2sf) =	vpush v2, $0xF;
	_ =	sdelay $0xe  }
0xfd: {  	s31 =	spop (v2sf)  }
0xfe: {  	s24 =	simm.s32 $0xFF;
	p1 =	sge.f32 s31, $6.350000000e+01  }
.LBB2_14:
0xff: {  	_ = 	snop  }
0x100: {  	s24 =	sadd.s32 $0xFFFFFFFF, s24;
	s23 =	simm.s32 @p1 $0x1  }
0x101: {  	p0 =	sne.s32 s24, $0x0;
	p1 =	sne.s32 s23, $0x0  }
0x102: {  	s25 =	simm.s32 @!p1 $0xB18;
	s26 =	simm.s32 @!p1 $0x1  }
0x103: {  	[tilespmem:s25], [sflag:$0x1] =	stream.linear.gather @!p1 [spmem:s6], $0x18, $0x38;
	[tilespmem:$0x13130] =	vst v63  }
0x104: {  	_ =	swait.ge @!p1 [sflag:s26], $0x18  }
0x105: {  	[sflag:s26] =	ssyncset.done @!p1 $0x0  }
0x106: {  	[sflag:s26] =	ssyncadd.s32 @!p1 $0xFFFFFFE8  }
0x107: {  	v2 =	vld [tilespmem:$0xB18];
	_ =	sdelay $0x4  }
0x108: {  	(xrf0) =	vmax.scan.msk.f32 $0xffff, v2;
	_ =	sdelay $0x5  }
0x109: {  	v2, _, _ =	vpop (xrf0)  }
0x10a: {  	(v2sf) =	vpush v2, $0xF;
	_ =	sdelay $0xb  }
.Ltmp7:
0x10b: {  	(pc) =	sbr.rel @p0 .LBB2_14-.Ltmp7, $3  }
0x10c: {  	_ =	sdelay $0x1  }
0x10d: {  	s25 =	spop (v2sf)  }
0x10e: {  	p1 =	sge.f32 s25, $6.350000000e+01  }
0x10f: {  	[bflag:$0x0] =	sbarrier.arrive $0xFFFF  }
0x110: {  	[tilespmem:s18], [sflag:$0x1] =	stream.linear.gather [spmem:s8], $0x498, $0x38;
	[tilespmem:$0x13130] =	vst v63  }
0x111: {  	_ =	swait.ge [sflag:s19], $0x498  }
0x112: {  	[sflag:s19] =	ssyncset.done $0x0  }
0x113: {  	s23 =	sadd.s32 $0x0, s17;
	[sflag:s19] =	ssyncadd.s32 $0xFFFFFB68  }
0x114: {  	[hbm4b:s23+s4] =	stream.linear.scatter [tilespmem:s18], [sflag:$0x1], $0x498, $0x38;
	[tilespmem:$0x13130] =	vst v63  }
0x115: {  	_ =	swait.ge [sflag:s19], $0x498  }
0x116: {  	s24 =	smov.u32 s8;
	s23 =	simm.s32 $0x93;
	[sflag:s19] =	ssyncset.done $0x0  }
.LBB2_16:
0x117: {  	p0 =	sne.s32 s23, $0x242D;
	[sflag:s19] =	ssyncadd.s32 $0xFFFFFB68;
	s24 =	sadd.s32 $0x498, s24  }
0x118: {  	[tilespmem:s18], [sflag:$0x1] =	stream.linear.gather [spmem:s24], $0x498, $0x38;
	[tilespmem:$0x13130] =	vst v63  }
0x119: {  	s25 =	smov.u32 s23;
	s23 =	sadd.s32 $0x93, s23;
	_ =	swait.ge [sflag:s19], $0x498  }
.Ltmp8:
0x11a: {  	[sflag:s19] =	ssyncset.done $0x0;
	(pc) =	sbr.rel @p0 .LBB2_16-.Ltmp8, $4  }
0x11b: {  	s25 =	sadd.s32 s25, s17;
	[sflag:s19] =	ssyncadd.s32 $0xFFFFFB68  }
0x11c: {  	[hbm4b:s25+s4] =	stream.linear.scatter [tilespmem:s18], [sflag:$0x1], $0x498, $0x38;
	[tilespmem:$0x13130] =	vst v63  }
0x11d: {  	_ =	swait.ge [sflag:s19], $0x498  }
0x11e: {  	[sflag:s19] =	ssyncset.done $0x0  }
0x11f: {  	s22 =	sadd.s32 $0x1, s22  }
0x120: {  	p0 =	sne.s32 s22, s7  }
.Ltmp9:
0x121: {  	_ = 	snop;
	(pc) =	sbr.rel @p0 .LBB2_1-.Ltmp9, $2  }
0x122: {  	_ =	sdelay $0x2  }
0x123: {  	[sflag:s19] =	ssyncadd.s32 $0xFFFFFB68  }
0x124: {  	_ =	sfence.sel $0x180000  }
0x125: {  	[bflag:$0x0] =	sbarrier.arrive $0xFFFF  }
0x126: {  	p0 =	sne.s32 s3, $0x0;
	_ =	strace $0x9000004A  }
0x127: {  	s0 =	sadd.s32 @!p0 $0x100000, s0;
	[bflag:$0x2] =	sbarrier.arrive $0xFFFF  }
0x128: {  	[sflag:s0] =	ssyncadd.tile.s32 @!p0 $0x1;
	_ =	shalt  }
.Lfunc_end2:
_tile_overlayer_lowered:
.L_overlay_start_2:
0x129: {  	(tag) =	ssettag $0x2  }
0x12a: {  	s0 =	rddreg [dreg:$0x0];
	s2 =	stileid.u32  }
0x12b: {  	s1 =	rddreg [dreg:$0x1];
	p0 =	sne.s32 s2, $0x0  }
0x12c: {  	s3 =	rddreg [dreg:$0x2];
	[bflag:$0x3] =	sbarrier.arrive $0xFFFF;
	s2 =	simm.s32 @!p0 $0x1C01  }
0x12d: {  	[timem:s3], [sflag:s2] =	dma.local @!p0 [hbm:s0], s1  }
0x12e: {  	s0 =	simm.s32 @!p0 $0x1  }
0x12f: {  	_ =	swait.ge @!p0 [sflag:s0], s1  }
0x130: {  	s1 =	ssub.s32 @!p0 $0x0, s1;
	[sflag:s0] =	ssyncset.done @!p0 $0x0  }
0x131: {  	[sflag:s0] =	ssyncadd.s32 @!p0 s1  }
0x132: {  	[bflag:$0x3] =	sbarrier.arrive $0xFFFF  }
0x133: {  	_ =	shalt  }

// kernel: kernel.7.cloned.1.call-start
scs
__scs_entry_jumppad:
0x0: {  	(pc) =	sbr.rel $0x88, $3  }
0x1: {  	(tag) =	ssettag $0x0;
	lr =	simm.s32 $0x1  }
0x2: {  	[smem:$0x3F95] =	sst lr;
	_ =	strace $0xD0000000  }
0x3: {  	_ = 	snop  }
0x4: {  	_ = 	snop  }
0x5: {  	_ = 	snop  }
0x6: {  	_ = 	snop  }
0x7: {  	_ = 	snop  }
__scs_overlays_trampoline_lowered:
0x8: {  	[smem:$0x3FA4] =	sst s0  }
0x9: {  	[smem:$0x3FA5] =	sst s1  }
0xa: {  	[smem:$0x3FA6] =	sst s2  }
0xb: {  	[smem:$0x3FA7] =	sst s3  }
0xc: {  	[smem:$0x3FA8] =	sst s4  }
0xd: {  	[smem:$0x3FA9] =	sst s5  }
0xe: {  	[smem:$0x3FAA] =	sst s6  }
0xf: {  	[smem:$0x3FAB] =	sst s7  }
0x10: {  	[smem:$0x3FAC] =	sst s8  }
0x11: {  	[smem:$0x3FAD] =	sst s9;
	s0 =	simm.s32 @!p0 $0x0  }
0x12: {  	s1 =	sld [smem:$0x3F93];
	s0 =	simm.s32 @p0 $0x1  }
0x13: {  	[smem:$0x3FAE] =	sst s0;
	s0 =	simm.s32 @!p1 $0x0  }
0x14: {  	s2 =	sld [smem:$0x3F92];
	s0 =	simm.s32 @p1 $0x1  }
0x15: {  	[smem:$0x3FAF] =	sst s0;
	s0 =	simm.s32 @!p2 $0x0  }
0x16: {  	s3 =	sld [smem:$0x3FDB];
	s0 =	simm.s32 @p2 $0x1  }
0x17: {  	s4 =	simm.s32 $0x1BF5;
	[smem:$0x3FB1] =	sst s0  }
0x18: {  	s0 =	sld [smem:$0x3F94];
	_ =	swait.ge [sflag:s4], $0x0  }
0x19: {  	s7 =	sld [smem:$0x3F95]  }
0x1a: {  	s8 =	sadd.s32 $0xFFFFE003, lr  }
0x1b: {  	s9 =	sadd.s32 $0xFFFFFEF7, lr;
	s5 =	simm.s32 $0xFFFFFFFF;
	p2 =	slt.u32 s8, $0xFFFFF086  }
0x1c: {  	p1 =	slt.u32 s9, $0xF7A;
	s5 =	simm.s32 @!p2 $0x0  }
0x1d: {  	s5 =	simm.s32 @p1 $0x1;
	p0 =	seq.s32 s7, s2  }
0x1e: {  	s7 =	smul.u32 @!p0 $0xF7A, s2;
	p2 =	seq.s32 @!p0 s5, $0x0  }
0x1f: {  	s9 =	smul.u32 $0xF7A, s1;
	s8 =	simm.s32 @!p0 $0x1BF5;
	p2 =	por !p2, p0  }
0x20: {  	[sflag:s8] =	ssyncset.s32 @!p0 $0xFFFFF086;
	s6 =	sadd.s32 @!p0 s3, s7;
	s7 =	simm.s32 @!p0 $0x108  }
0x21: {  	s3 =	sadd.s32 s3, s9;
	s6 =	sadd.s32 @!p0 $0x88, s6;
	s7 =	simm.s32 @p2 $0x1082  }
0x22: {  	[simem:s7], [sflag:s8] =	dma.local @!p0 [hbm:s6], $0xF7A  }
0x23: {  	s9 =	sor.u32 $0xD0000000, s2;
	s6 =	simm.s32 $0x108;
	_ =	swait.ge @!p0 [sflag:s8], $0x0  }
0x24: {  	s3 =	sadd.s32 $0x88, s3;
	s6 =	simm.s32 @!p1 $0x1082;
	[sflag:s4] =	ssyncset.s32 $0xFFFFF086  }
0x25: {  	[simem:s6], [sflag:s4] =	dma.local [hbm:s3], $0xF7A  }
0x26: {  	[smem:$0x3F95] =	sst s1;
	(tag) =	ssettag s2;
	_ =	strace s9  }
0x27: {  	s1 =	sld [smem:$0x3FA5]  }
0x28: {  	s2 =	sld [smem:$0x3FA6]  }
0x29: {  	s4 =	sld [smem:$0x3FA8]  }
0x2a: {  	p0 =	seq.s32 s5, $0x0;
	s5 =	sld [smem:$0x3FA9]  }
0x2b: {  	s6 =	sld [smem:$0x3FAA]  }
0x2c: {  	s7 =	sld [smem:$0x3FAB]  }
0x2d: {  	s3 =	simm.s32 $0x108;
	s8 =	sld [smem:$0x3FAC]  }
0x2e: {  	s3 =	simm.s32 @!p0 $0x1082;
	s9 =	sld [smem:$0x3FAD]  }
0x2f: {  	lr =	sadd.s32 s0, s3;
	s0 =	sld [smem:$0x3FA4]  }
0x30: {  	s3 =	sld [smem:$0x3FA7]  }
0x31: {  	[smem:$0x3FB0] =	sst s10  }
0x32: {  	s10 =	sld [smem:$0x3FAE];
	_ =	sdelay $0x3  }
0x33: {  	p0 =	seq.s32 s10, $0x1;
	s10 =	sld [smem:$0x3FB0];
	_ =	sdelay $0x3  }
0x34: {  	[smem:$0x3FB0] =	sst s10  }
0x35: {  	s10 =	sld [smem:$0x3FAF];
	_ =	sdelay $0x3  }
0x36: {  	p1 =	seq.s32 s10, $0x1;
	s10 =	sld [smem:$0x3FB0];
	_ =	sdelay $0x3  }
0x37: {  	[smem:$0x3FB0] =	sst s10  }
0x38: {  	s10 =	sld [smem:$0x3FB1]  }
0x39: {  	_ = 	snop;
	(pc) =	sbr.ind lr, $3  }
0x3a: {  	_ = 	snop  }
0x3b: {  	_ = 	snop  }
0x3c: {  	p2 =	seq.s32 s10, $0x1;
	s10 =	sld [smem:$0x3FB0]  }
0x3d: {  	_ =	shalt  }
0x3e: {  	_ =	shalt  }
0x3f: {  	_ =	shalt  }
0x40: {  	_ =	shalt  }
0x41: {  	_ =	shalt  }
0x42: {  	_ =	shalt  }
0x43: {  	_ =	shalt  }
0x44: {  	_ =	shalt  }
0x45: {  	_ =	shalt  }
0x46: {  	_ =	shalt  }
0x47: {  	_ =	shalt  }
0x48: {  	_ =	shalt  }
0x49: {  	_ =	shalt  }
0x4a: {  	_ =	shalt  }
0x4b: {  	_ =	shalt  }
0x4c: {  	_ =	shalt  }
0x4d: {  	_ =	shalt  }
0x4e: {  	_ =	shalt  }
0x4f: {  	_ =	shalt  }
0x50: {  	_ =	shalt  }
0x51: {  	_ =	shalt  }
0x52: {  	_ =	shalt  }
0x53: {  	_ =	shalt  }
0x54: {  	_ =	shalt  }
0x55: {  	_ =	shalt  }
0x56: {  	_ =	shalt  }
0x57: {  	_ =	shalt  }
0x58: {  	_ =	shalt  }
0x59: {  	_ =	shalt  }
0x5a: {  	_ =	shalt  }
0x5b: {  	_ =	shalt  }
0x5c: {  	_ =	shalt  }
0x5d: {  	_ =	shalt  }
0x5e: {  	_ =	shalt  }
0x5f: {  	_ =	shalt  }
0x60: {  	_ =	shalt  }
0x61: {  	_ =	shalt  }
0x62: {  	_ =	shalt  }
0x63: {  	_ =	shalt  }
0x64: {  	_ =	shalt  }
0x65: {  	_ =	shalt  }
0x66: {  	_ =	shalt  }
0x67: {  	_ =	shalt  }
0x68: {  	_ =	shalt  }
0x69: {  	_ =	shalt  }
0x6a: {  	_ =	shalt  }
0x6b: {  	_ =	shalt  }
0x6c: {  	_ =	shalt  }
0x6d: {  	_ =	shalt  }
0x6e: {  	_ =	shalt  }
0x6f: {  	_ =	shalt  }
0x70: {  	_ =	shalt  }
0x71: {  	_ =	shalt  }
0x72: {  	_ =	shalt  }
0x73: {  	_ =	shalt  }
0x74: {  	_ =	shalt  }
0x75: {  	_ =	shalt  }
0x76: {  	_ =	shalt  }
0x77: {  	_ =	shalt  }
0x78: {  	_ =	shalt  }
0x79: {  	_ =	shalt  }
0x7a: {  	_ =	shalt  }
0x7b: {  	_ =	shalt  }
0x7c: {  	_ =	shalt  }
0x7d: {  	_ =	shalt  }
0x7e: {  	_ =	shalt  }
0x7f: {  	_ =	shalt  }
0x80: {  	_ =	shalt  }
0x81: {  	_ =	shalt  }
0x82: {  	_ =	shalt  }
0x83: {  	_ =	shalt  }
0x84: {  	_ =	shalt  }
0x85: {  	_ =	shalt  }
0x86: {  	_ =	shalt  }
0x87: {  	_ =	shalt  }
.Lfunc_end0:
.L_simem_size_0:
called_computation_lowered:
.L_overlay_start_0:
0x88: {  	s2 =	sld [smem:$0x3FD9]  }
0x89: {  	s3 =	sld [smem:$0x3FFE];
	_ =	sdelay $0x1  }
0x8a: {  	s1 =	srdreg.scid  }
0x8b: {  	s0 =	sand.u32 $0x1, s1  }
0x8c: {  	s17 =	sshll.u32 s0, $0xA;
	s2 =	sadd.s32 s3, s2  }
0x8d: {  	s2 =	sadd.s32 s2, s17  }
0x8e: {  	[smem:$0x3FBC] =	sst s2  }
0x8f: {  	_ = 	snop  }
0x90: {  	s2 =	sld [smem:$0x3FD0];
	(tm) =	ssettm $0x1  }
0x91: {  	s18 =	sld [smem:$0x3FFB];
	_ =	sdelay $0x3  }
0x92: {  	_ =	strace s18  }
0x93: {  	s3 =	sld [smem:$0x3FFC];
	_ =	sdelay $0x3  }
0x94: {  	_ =	strace s3  }
0x95: {  	s3 =	sld [smem:$0x3FFD];
	_ =	sdelay $0x3  }
0x96: {  	_ =	strace s3  }
0x97: {  	_ =	strace $0x8FFFFFFF  }
0x98: {  	s19 =	sld [smem:$0x3FDB];
	_ =	sdelay $0x1  }
0x99: {  	s4 =	simm.s32 $_scs_section_size  }
0x9a: {  	s5 =	simm.s32 $_size__tile_overlayer_lowered;
	s6 =	simm.s32 $_tile_overlayer_lowered  }
0x9b: {  	s22 =	simm.s32 $0x1BFF;
	s21 =	sshll.u32 s6, $0x1;
	s3 =	sadd.s32 s4, s19  }
0x9c: {  	s7 =	simm.s32 $0x0;
	s20 =	sshll.u32 s5, $0x1;
	s5 =	sadd.s32 s21, s3  }
0x9d: {  	[timem:s7], [sflag:s22] =	dma.local [hbm:s5], s20  }
0x9e: {  	_ =	swait.ge [sflag:s22], s20  }
0x9f: {  	s4 =	ssub.s32 $0x0, s20;
	[sflag:s22] =	ssyncset.done $0x0  }
0xa0: {  	[sflag:s22] =	ssyncadd.s32 s4;
	_ =	sdelay $0x1  }
0xa1: {  	s23 =	simm.s32 $0x1B8B  }
0xa2: {  	_ =	swait.ge [sflag:s23], $0x1  }
0xa3: {  	[sflag:s23] =	ssyncset.done $0x0  }
0xa4: {  	s25 =	simm.s32 $0x1B8E;
	s24 =	sld [smem:$0x3FFE];
	[sflag:s23] =	ssyncadd.s32 $0xFFFFFFFF  }
0xa5: {  	s26 =	simm.s32 $execute0_lowered;
	[smem:$0x3FD2] =	sst s25  }
0xa6: {  	s5 =	sshll.u32 s26, $0x1;
	_ =	strace $0x80000046;
	[dreg:$0x1] =	wrdreg $0xFFFFFFFF  }
0xa7: {  	s28 =	simm.s32 $_size_execute0_lowered;
	s3 =	sadd.s32 s3, s5;
	[dreg:$0x0] =	wrdreg $0x0  }
0xa8: {  	s5 =	sshll.u32 s28, $0x1;
	[dreg:$0x2] =	wrdreg s3  }
0xa9: {  	[dreg:$0x3] =	wrdreg s5  }
0xaa: {  	[dreg:$0x4] =	wrdreg $0xC0  }
0xab: {  	_ =	task [dreg:s7], $0x5FFFF  }
0xac: {  	[dreg:$0x1] =	wrdreg $0xFFFFFFFF  }
0xad: {  	[dreg:$0x0] =	wrdreg $0x60  }
0xae: {  	[dreg:$0x2] =	wrdreg s24  }
0xaf: {  	[dreg:$0x3] =	wrdreg s2  }
0xb0: {  	[dreg:$0x4] =	wrdreg $0x12500  }
0xb1: {  	[dreg:$0x5] =	wrdreg $0x9  }
0xb2: {  	_ =	task.clear_ibuf [dreg:s7], $0x6FFFF;
	_ =	strace $0x90000046  }
0xb3: {  	s29 =	simm.s32 $0x9;
	_ =	strace $0x80000048  }
0xb4: {  	_ =	swait.ge [sflag:s29], $0x1  }
0xb5: {  	[sflag:s29] =	ssyncadd.s32 $0xFFFFFFFF  }
0xb6: {  	_ =	strace $0x90000048  }
0xb7: {  	_ =	sfence  }
0xb8: {  	s30 =	sld [smem:$0x0];
	_ =	sdelay $0x2  }
0xb9: {  	s31 =	sshll.u32 s1, $0xD;
	s1 =	sshrl.u32 s1, $0x2  }
0xba: {  	s3 =	sand.u32 $0x4000, s31;
	s1 =	sadd.s32 s1, s30  }
0xbb: {  	s0 =	sor.u32 s3, s0;
	s1 =	sshll.u32 s1, $0x11  }
0xbc: {  	s0 =	sor.u32 s1, s0  }
0xbd: {  	s0 =	sadd.s32 $0x8F2B, s0  }
0xbe: {  	[sflag:s0] =	ssyncadd.remote.s32 $0x1  }
0xbf: {  	_ =	sfence.sel $0xFFFF  }
0xc0: {  	[dreg:$0x0] =	wrdreg $0xFFFFFFFF;
	(pc) =	sbr.abs _section_cstart, $3  }
0xc1: {  	[dreg:$0x1] =	wrdreg $0xFFFFFFFF  }
0xc2: {  	_ =	task.clear_ibuf [dreg:s7], $0x2FFFF;
	_ =	strace $0x9FFFFFFF  }
0xc3: {  	(tm) =	ssettm $0x7FFFFFFF  }
tec
execute0_lowered:
.L_overlay_start_1:
0x0: {  	(tag) =	ssettag $0x1  }
0x1: {  	s1 =	rddreg [dreg:$0x0]  }
0x2: {  	s0 =	rddreg [dreg:$0x1];
	s4 =	stileid.u32  }
0x3: {  	s2 =	srdreg.scid;
	s3 =	rddreg [dreg:$0x2];
	s7 =	simm.s32 $0x0  }
0x4: {  	s28 =	simm.s32 $0x1;
	s29 =	simm.s32 $0x40;
	s5 =	smul.u32 $0x1880, s4  }
0x5: {  	s30 =	simm.s32 $0x80;
	s2 =	sand.u32 $0x1, s2;
	s24 =	smul.u32 $0x1EA00, s4  }
0x6: {  	[smem:$0x7FF] =	sst s7;
	s8 =	sadd.s32 $0x3D400, s1;
	s11 =	smul.u32 $0x7A800, s4  }
0x7: {  	s9 =	sadd.s32 $0x93000, s1;
	s7 =	sor.u32 $0xC3C0, s4;
	s6 =	smul.u32 $0x1EA000, s2  }
0x8: {  	_ =	strace $0x80000047;
	[dreg:$0x4] =	wrdreg s9;
	s25 =	ssub.s32 $0x2, s2  }
0x9: {  	s10 =	smul.u32 $0xA0, s7;
	p0 =	seq.s32 s2, $0x1;
	s2 =	simm.s32 $0x0  }
0xa: {  	s23 =	sadd.s32 s5, s1;
	s26 =	sshrl.u32 s25, $0x1;
	s6 =	sadd.s32 s24, s6  }
0xb: {  	s9 =	ssub.s32 s25, s26;
	s31 =	sshrl.u32 s10, $0x2;
	s10 =	sadd.s32 $0x7A800, s23  }
0xc: {  	s12 =	sadd.s32 $0x7AB10, s23;
	s14 =	sadd.s32 $0x7AE20, s23;
	s16 =	sadd.s32 $0x7B130, s23  }
0xd: {  	s18 =	sadd.s32 $0x7B440, s23;
	s20 =	sadd.s32 $0x7B750, s23;
	s22 =	sadd.s32 $0x7BA60, s23  }
0xe: {  	s23 =	sadd.s32 $0x7BD70, s23;
	s6 =	sshrl.u32 s6, $0x3;
	s4 =	sadd.s32 s31, s3  }
0xf: {  	s26 =	smax.u32 s9, $0x1;
	s31 =	sshrl.u32 s11, $0x2;
	s9 =	sadd.s32 s5, s0  }
0x10: {  	s5 =	simm.s32 $0x0;
	s24 =	sadd.s32 s6, s1;
	[dreg:$0x6] =	wrdreg s26  }
0x11: {  	s1 =	smov.u32 @p0 s8;
	s8 =	sadd.s32 s31, s3;
	s11 =	sadd.s32 $0x310, s9  }
0x12: {  	s13 =	sadd.s32 $0x620, s9;
	s15 =	sadd.s32 $0x930, s9;
	s17 =	sadd.s32 $0xC40, s9  }
0x13: {  	s19 =	sadd.s32 $0xF50, s9;
	s21 =	sadd.s32 $0x1260, s9;
	s25 =	sadd.s32 $0x1570, s9  }
0x14: {  	v1 =	vimm.f32 $1.000000000e+00;
	v0 =	vmov s7;
	s26 =	simm.s32 $0xA80;
	[dreg:$0x5] =	wrdreg s4;
	s24 =	sadd.s32 $0x93200, s24  }
.LBB2_1:
0x15: {  	[dreg:$0x7] =	wrdreg s2  }
0x16: {  	s0 =	rddreg [dreg:$0x4]  }
0x17: {  	[tilespmem:s26], [sflag:$0x1] =	stream.linear.gather [hbm4b:s0+s5], $0x7A8, $0x38;
	[tilespmem:$0x1FC50] =	vst v63  }
0x18: {  	_ =	swait.ge [sflag:s28], $0x7A8  }
0x19: {  	[sflag:s28] =	ssyncset.done $0x0  }
0x1a: {  	s31 =	sadd.s32 $0x0, s8;
	[sflag:s28] =	ssyncadd.s32 $0xFFFFF858  }
0x1b: {  	[spmem:s31] =	stream.linear.scatter [tilespmem:s26], [sflag:$0x1], $0x7A8, $0x38;
	[tilespmem:$0x1FC50] =	vst v63  }
0x1c: {  	s0 =	simm.s32 $0x1EA0;
	_ =	swait.ge [sflag:s28], $0x7A8  }
.LBB2_2:
0x1d: {  	s2 =	sshra.s32 s0, $0x2;
	[sflag:s28] =	ssyncset.done $0x0;
	p0 =	sne.s32 s0, $0x78960  }
.Ltmp0:
0x1e: {  	s2 =	sadd.s32 s2, s8;
	[sflag:s28] =	ssyncadd.s32 $0xFFFFF858;
	(pc) =	sbr.rel @p0 .LBB2_2-.Ltmp0, $3  }
0x1f: {  	[spmem:s2] =	stream.linear.scatter [tilespmem:s26], [sflag:$0x1], $0x7A8, $0x38;
	[tilespmem:$0x1FC50] =	vst v63  }
0x20: {  	s0 =	sadd.s32 $0x1EA0, s0;
	_ =	sdelay $0x1  }
0x21: {  	_ =	swait.ge [sflag:s28], $0x7A8  }
0x22: {  	[sflag:s28] =	ssyncset.done $0x0  }
0x23: {  	[sflag:s28] =	ssyncadd.s32 $0xFFFFF858  }
0x24: {  	s0 =	simm.s32 $0x0;
	s2 =	sadd.s32 $0x0, s10;
	[bflag:$0x0] =	sbarrier.arrive $0xFFFF  }
0x25: {  	[tilespmem:s0], [sflag:$0x1] =	stream.linear.gather [hbm4b:s2+s0], $0x40, $0x38;
	[tilespmem:$0x1FC50] =	vst v63  }
0x26: {  	_ =	swait.ge [sflag:s28], $0x40  }
0x27: {  	[sflag:s28] =	ssyncset.done $0x0  }
0x28: {  	s31 =	sadd.s32 $0x0, s9;
	[sflag:s28] =	ssyncadd.s32 $0xFFFFFFC0  }
0x29: {  	[tilespmem:s29], [sflag:$0x1] =	stream.linear.gather [hbm4b:s31+s0], $0x40, $0x38;
	[tilespmem:$0x1FC50] =	vst v63  }
0x2a: {  	_ =	swait.ge [sflag:s28], $0x40  }
0x2b: {  	[sflag:s28] =	ssyncset.done $0x0  }
0x2c: {  	[sflag:s28] =	ssyncadd.s32 $0xFFFFFFC0  }
0x2d: {  	[tilespmem:s30], [sflag:$0x1] =	stream.indirect.gather [hbm4b:s1+s29], $0x28, s0, s29, $0xb8;
	[tilespmem:$0x1FC50] =	vst v63  }
0x2e: {  	_ =	swait.ge [sflag:s28], $0xA00  }
0x2f: {  	[sflag:s28] =	ssyncset.done $0x0  }
0x30: {  	[sflag:s28] =	ssyncadd.s32 $0xFFFFF600  }
0x31: {  	[spmem:s3] =	stream.indirect.scatter.add.f32 [tilespmem:s30], [sflag:$0x1], $0x28, s29, s29, $0xb8;
	[tilespmem:$0x1FC50] =	vst v63  }
0x32: {  	s7 =	simm.s32 $0x10;
	_ =	swait.ge [sflag:s28], $0xA00  }
0x33: {  	s5 =	simm.s32 $0x8;
	s2 =	simm.s32 $0x8;
	[sflag:s28] =	ssyncset.done $0x0  }
.LBB2_4:
0x34: {  	s31 =	sadd.s32 s5, s10  }
0x35: {  	[sflag:s28] =	ssyncadd.s32 $0xFFFFF600;
	s4 =	smov.u32 s7;
	s6 =	sadd.s32 $0x8, s7  }
0x36: {  	[tilespmem:s0], [sflag:$0x1] =	stream.linear.gather [hbm4b:s31+s0], $0x40, $0x38;
	[tilespmem:$0x1FC50] =	vst v63  }
0x37: {  	p0 =	sne.s32 s7, $0x308;
	_ =	swait.ge [sflag:s28], $0x40  }
0x38: {  	[sflag:s28] =	ssyncset.done $0x0  }
0x39: {  	s7 =	sadd.s32 s5, s9;
	s5 =	smov.u32 s4;
	[sflag:s28] =	ssyncadd.s32 $0xFFFFFFC0  }
0x3a: {  	[tilespmem:s29], [sflag:$0x1] =	stream.linear.gather [hbm4b:s7+s0], $0x40, $0x38;
	[tilespmem:$0x1FC50] =	vst v63  }
0x3b: {  	_ =	swait.ge [sflag:s28], $0x40  }
0x3c: {  	[sflag:s28] =	ssyncset.done $0x0  }
0x3d: {  	[sflag:s28] =	ssyncadd.s32 $0xFFFFFFC0  }
0x3e: {  	[tilespmem:s30], [sflag:$0x1] =	stream.indirect.gather [hbm4b:s1+s29], $0x28, s0, s29, $0xb8;
	[tilespmem:$0x1FC50] =	vst v63  }
0x3f: {  	_ =	swait.ge [sflag:s28], $0xA00  }
.Ltmp1:
0x40: {  	[sflag:s28] =	ssyncset.done $0x0;
	(pc) =	sbr.rel @p0 .LBB2_4-.Ltmp1, $4  }
0x41: {  	[sflag:s28] =	ssyncadd.s32 $0xFFFFF600  }
0x42: {  	[spmem:s3] =	stream.indirect.scatter.add.f32 [tilespmem:s30], [sflag:$0x1], $0x28, s29, s29, $0xb8;
	[tilespmem:$0x1FC50] =	vst v63  }
0x43: {  	_ =	swait.ge [sflag:s28], $0xA00  }
0x44: {  	s7 =	smov.u32 s6;
	[sflag:s28] =	ssyncset.done $0x0  }
0x45: {  	s4 =	sadd.s32 s5, s10;
	[sflag:s28] =	ssyncadd.s32 $0xFFFFF600  }
0x46: {  	[tilespmem:s0], [sflag:$0x1] =	stream.linear.gather [hbm4b:s4+s0], $0x40, $0x38;
	[tilespmem:$0x1FC50] =	vst v63  }
0x47: {  	_ =	swait.ge [sflag:s28], $0x40  }
0x48: {  	[sflag:s28] =	ssyncset.done $0x0  }
0x49: {  	s6 =	sadd.s32 s5, s9;
	[sflag:s28] =	ssyncadd.s32 $0xFFFFFFC0  }
0x4a: {  	[tilespmem:s29], [sflag:$0x1] =	stream.linear.gather [hbm4b:s6+s0], $0x40, $0x38;
	[tilespmem:$0x1FC50] =	vst v63  }
0x4b: {  	_ =	swait.ge [sflag:s28], $0x40  }
0x4c: {  	[sflag:s28] =	ssyncset.done $0x0  }
0x4d: {  	[sflag:s28] =	ssyncadd.s32 $0xFFFFFFC0  }
0x4e: {  	[tilespmem:s30], [sflag:$0x1] =	stream.indirect.gather [hbm4b:s1+s29], $0x28, s0, s29, $0xb8;
	[tilespmem:$0x1FC50] =	vst v63  }
0x4f: {  	_ =	swait.ge [sflag:s28], $0xA00  }
0x50: {  	[sflag:s28] =	ssyncset.done $0x0  }
0x51: {  	[sflag:s28] =	ssyncadd.s32 $0xFFFFF600  }
0x52: {  	[spmem:s3] =	stream.indirect.scatter.add.f32 [tilespmem:s30], [sflag:$0x1], $0x28, s29, s29, $0xb8;
	[tilespmem:$0x1FC50] =	vst v63  }
0x53: {  	_ =	swait.ge [sflag:s28], $0xA00  }
0x54: {  	[sflag:s28] =	ssyncset.done $0x0  }
0x55: {  	s7 =	sadd.s32 $0x0, s12;
	s0 =	simm.s32 $0x0;
	[sflag:s28] =	ssyncadd.s32 $0xFFFFF600  }
0x56: {  	[tilespmem:s0], [sflag:$0x1] =	stream.linear.gather [hbm4b:s7+s0], $0x40, $0x38;
	[tilespmem:$0x1FC50] =	vst v63  }
0x57: {  	_ =	swait.ge [sflag:s28], $0x40  }
0x58: {  	[sflag:s28] =	ssyncset.done $0x0  }
0x59: {  	s31 =	sadd.s32 $0x0, s11;
	[sflag:s28] =	ssyncadd.s32 $0xFFFFFFC0  }
0x5a: {  	[tilespmem:s29], [sflag:$0x1] =	stream.linear.gather [hbm4b:s31+s0], $0x40, $0x38;
	[tilespmem:$0x1FC50] =	vst v63  }
0x5b: {  	_ =	swait.ge [sflag:s28], $0x40  }
0x5c: {  	[sflag:s28] =	ssyncset.done $0x0  }
0x5d: {  	[sflag:s28] =	ssyncadd.s32 $0xFFFFFFC0  }
0x5e: {  	[tilespmem:s30], [sflag:$0x1] =	stream.indirect.gather [hbm4b:s1+s29], $0x28, s0, s29, $0xb8;
	[tilespmem:$0x1FC50] =	vst v63  }
0x5f: {  	_ =	swait.ge [sflag:s28], $0xA00  }
0x60: {  	[sflag:s28] =	ssyncset.done $0x0  }
0x61: {  	[sflag:s28] =	ssyncadd.s32 $0xFFFFF600  }
0x62: {  	[spmem:s3] =	stream.indirect.scatter.add.f32 [tilespmem:s30], [sflag:$0x1], $0x28, s29, s29, $0xb8;
	[tilespmem:$0x1FC50] =	vst v63  }
0x63: {  	_ =	swait.ge [sflag:s28], $0xA00  }
0x64: {  	s5 =	simm.s32 $0x10;
	s7 =	sadd.s32 $0x8, s12;
	[sflag:s28] =	ssyncset.done $0x0  }
.LBB2_6:
0x65: {  	s4 =	sadd.s32 s5, s12;
	[sflag:s28] =	ssyncadd.s32 $0xFFFFF600;
	s6 =	smov.u32 s5  }
0x66: {  	[tilespmem:s0], [sflag:$0x1] =	stream.linear.gather [hbm4b:s7+s0], $0x40, $0x38;
	[tilespmem:$0x1FC50] =	vst v63  }
0x67: {  	p0 =	sne.s32 s5, $0x308;
	s5 =	sadd.s32 $0x8, s5;
	_ =	swait.ge [sflag:s28], $0x40  }
0x68: {  	s7 =	smov.u32 s4;
	[sflag:s28] =	ssyncset.done $0x0  }
0x69: {  	s4 =	sadd.s32 s2, s11;
	s2 =	smov.u32 s6;
	[sflag:s28] =	ssyncadd.s32 $0xFFFFFFC0  }
0x6a: {  	[tilespmem:s29], [sflag:$0x1] =	stream.linear.gather [hbm4b:s4+s0], $0x40, $0x38;
	[tilespmem:$0x1FC50] =	vst v63  }
0x6b: {  	_ =	swait.ge [sflag:s28], $0x40  }
0x6c: {  	[sflag:s28] =	ssyncset.done $0x0  }
0x6d: {  	[sflag:s28] =	ssyncadd.s32 $0xFFFFFFC0  }
0x6e: {  	[tilespmem:s30], [sflag:$0x1] =	stream.indirect.gather [hbm4b:s1+s29], $0x28, s0, s29, $0xb8;
	[tilespmem:$0x1FC50] =	vst v63  }
0x6f: {  	_ =	swait.ge [sflag:s28], $0xA00  }
.Ltmp2:
0x70: {  	[sflag:s28] =	ssyncset.done $0x0;
	(pc) =	sbr.rel @p0 .LBB2_6-.Ltmp2, $4  }
0x71: {  	[sflag:s28] =	ssyncadd.s32 $0xFFFFF600  }
0x72: {  	[spmem:s3] =	stream.indirect.scatter.add.f32 [tilespmem:s30], [sflag:$0x1], $0x28, s29, s29, $0xb8;
	[tilespmem:$0x1FC50] =	vst v63  }
0x73: {  	_ =	swait.ge [sflag:s28], $0xA00  }
0x74: {  	[sflag:s28] =	ssyncset.done $0x0  }
0x75: {  	s0 =	simm.s32 $0x0;
	[sflag:s28] =	ssyncadd.s32 $0xFFFFF600  }
0x76: {  	[tilespmem:s0], [sflag:$0x1] =	stream.linear.gather [hbm4b:s7+s0], $0x40, $0x38;
	[tilespmem:$0x1FC50] =	vst v63  }
0x77: {  	_ =	swait.ge [sflag:s28], $0x40  }
0x78: {  	[sflag:s28] =	ssyncset.done $0x0  }
0x79: {  	s2 =	sadd.s32 s2, s11;
	[sflag:s28] =	ssyncadd.s32 $0xFFFFFFC0  }
0x7a: {  	[tilespmem:s29], [sflag:$0x1] =	stream.linear.gather [hbm4b:s2+s0], $0x40, $0x38;
	[tilespmem:$0x1FC50] =	vst v63  }
0x7b: {  	_ =	swait.ge [sflag:s28], $0x40  }
0x7c: {  	[sflag:s28] =	ssyncset.done $0x0  }
0x7d: {  	[sflag:s28] =	ssyncadd.s32 $0xFFFFFFC0  }
0x7e: {  	[tilespmem:s30], [sflag:$0x1] =	stream.indirect.gather [hbm4b:s1+s29], $0x28, s0, s29, $0xb8;
	[tilespmem:$0x1FC50] =	vst v63  }
0x7f: {  	_ =	swait.ge [sflag:s28], $0xA00  }
0x80: {  	p1 =	por $0x1, $0x1;
	[sflag:s28] =	ssyncset.done $0x0  }
.Ltmp3:
0x81: {  	[sflag:s28] =	ssyncadd.s32 $0xFFFFF600;
	(pc) =	sbr.rel @!p1 .LBB2_11-.Ltmp3, $4  }
0x82: {  	[spmem:s3] =	stream.indirect.scatter.add.f32 [tilespmem:s30], [sflag:$0x1], $0x28, s29, s29, $0xb8;
	[tilespmem:$0x1FC50] =	vst v63  }
0x83: {  	_ =	swait.ge [sflag:s28], $0xA00  }
0x84: {  	p0 =	por $0x0, $0x0;
	s5 =	simm.s32 $0x0;
	[sflag:s28] =	ssyncset.done $0x0  }
0x85: {  	p2 =	por $0x0, $0x0;
	s2 =	simm.s32 $0x8;
	[sflag:s28] =	ssyncadd.s32 $0xFFFFF600  }
0x86: {  	s4 =	sadd.s32 $0x0, s14  }
0x87: {  	[tilespmem:s0], [sflag:$0x1] =	stream.linear.gather [hbm4b:s4+s0], $0x40, $0x38;
	[tilespmem:$0x1FC50] =	vst v63  }
0x88: {  	_ =	swait.ge [sflag:s28], $0x40  }
0x89: {  	[sflag:s28] =	ssyncset.done $0x0  }
0x8a: {  	s31 =	sadd.s32 $0x0, s13;
	[sflag:s28] =	ssyncadd.s32 $0xFFFFFFC0  }
0x8b: {  	[tilespmem:s29], [sflag:$0x1] =	stream.linear.gather [hbm4b:s31+s0], $0x40, $0x38;
	[tilespmem:$0x1FC50] =	vst v63  }
0x8c: {  	_ =	swait.ge [sflag:s28], $0x40  }
0x8d: {  	[sflag:s28] =	ssyncset.done $0x0  }
0x8e: {  	[sflag:s28] =	ssyncadd.s32 $0xFFFFFFC0  }
0x8f: {  	[tilespmem:s30], [sflag:$0x1] =	stream.indirect.gather [hbm4b:s1+s29], $0x28, s0, s29, $0xb8;
	[tilespmem:$0x1FC50] =	vst v63  }
0x90: {  	p3 =	por $0x1, $0x1;
	_ =	swait.ge [sflag:s28], $0xA00  }
.Ltmp4:
0x91: {  	[sflag:s28] =	ssyncset.done $0x0;
	(pc) =	sbr.rel @!p3 .LBB2_9-.Ltmp4, $4  }
0x92: {  	[sflag:s28] =	ssyncadd.s32 $0xFFFFF600  }
0x93: {  	[spmem:s3] =	stream.indirect.scatter.add.f32 [tilespmem:s30], [sflag:$0x1], $0x28, s29, s29, $0xb8;
	[tilespmem:$0x1FC50] =	vst v63  }
0x94: {  	s7 =	simm.s32 $0x10;
	_ =	swait.ge [sflag:s28], $0xA00  }
0x95: {  	p2 =	por $0x1, $0x1;
	s5 =	simm.s32 $0x8;
	[sflag:s28] =	ssyncset.done $0x0  }
.LBB2_10:
0x96: {  	s4 =	sadd.s32 s5, s14  }
0x97: {  	[sflag:s28] =	ssyncadd.s32 $0xFFFFF600;
	s6 =	smov.u32 s7;
	s31 =	sadd.s32 $0x8, s7  }
0x98: {  	[tilespmem:s0], [sflag:$0x1] =	stream.linear.gather [hbm4b:s4+s0], $0x40, $0x38;
	[tilespmem:$0x1FC50] =	vst v63  }
0x99: {  	p3 =	sne.s32 s7, $0x308;
	_ =	swait.ge [sflag:s28], $0x40  }
0x9a: {  	[sflag:s28] =	ssyncset.done $0x0  }
0x9b: {  	s4 =	sadd.s32 s5, s13;
	s5 =	smov.u32 s6;
	[sflag:s28] =	ssyncadd.s32 $0xFFFFFFC0  }
0x9c: {  	[tilespmem:s29], [sflag:$0x1] =	stream.linear.gather [hbm4b:s4+s0], $0x40, $0x38;
	[tilespmem:$0x1FC50] =	vst v63  }
0x9d: {  	_ =	swait.ge [sflag:s28], $0x40  }
0x9e: {  	[sflag:s28] =	ssyncset.done $0x0  }
0x9f: {  	[sflag:s28] =	ssyncadd.s32 $0xFFFFFFC0  }
0xa0: {  	[tilespmem:s30], [sflag:$0x1] =	stream.indirect.gather [hbm4b:s1+s29], $0x28, s0, s29, $0xb8;
	[tilespmem:$0x1FC50] =	vst v63  }
0xa1: {  	_ =	swait.ge [sflag:s28], $0xA00  }
.Ltmp5:
0xa2: {  	[sflag:s28] =	ssyncset.done $0x0;
	(pc) =	sbr.rel @p3 .LBB2_10-.Ltmp5, $4  }
0xa3: {  	[sflag:s28] =	ssyncadd.s32 $0xFFFFF600  }
0xa4: {  	[spmem:s3] =	stream.indirect.scatter.add.f32 [tilespmem:s30], [sflag:$0x1], $0x28, s29, s29, $0xb8;
	[tilespmem:$0x1FC50] =	vst v63  }
0xa5: {  	_ =	swait.ge [sflag:s28], $0xA00  }
0xa6: {  	s7 =	smov.u32 s31;
	[sflag:s28] =	ssyncset.done $0x0  }
.LBB2_11:
0xa7: {  	s4 =	sadd.s32 s5, s14;
	[sflag:s28] =	ssyncadd.s32 @p2 $0xFFFFF600  }
0xa8: {  	[tilespmem:s0], [sflag:$0x1] =	stream.linear.gather [hbm4b:s4+s0], $0x40, $0x38;
	[tilespmem:$0x1FC50] =	vst v63  }
0xa9: {  	_ =	swait.ge [sflag:s28], $0x40  }
0xaa: {  	[sflag:s28] =	ssyncset.done $0x0  }
0xab: {  	s31 =	sadd.s32 s5, s13;
	[sflag:s28] =	ssyncadd.s32 $0xFFFFFFC0  }
0xac: {  	[tilespmem:s29], [sflag:$0x1] =	stream.linear.gather [hbm4b:s31+s0], $0x40, $0x38;
	[tilespmem:$0x1FC50] =	vst v63  }
0xad: {  	_ =	swait.ge [sflag:s28], $0x40  }
0xae: {  	[sflag:s28] =	ssyncset.done $0x0  }
0xaf: {  	[sflag:s28] =	ssyncadd.s32 $0xFFFFFFC0  }
0xb0: {  	[tilespmem:s30], [sflag:$0x1] =	stream.indirect.gather [hbm4b:s1+s29], $0x28, s0, s29, $0xb8;
	[tilespmem:$0x1FC50] =	vst v63  }
0xb1: {  	_ =	swait.ge [sflag:s28], $0xA00  }
0xb2: {  	[sflag:s28] =	ssyncset.done $0x0  }
.Ltmp6:
0xb3: {  	[sflag:s28] =	ssyncadd.s32 $0xFFFFF600;
	(pc) =	sbr.rel @!p1 .LBB2_16-.Ltmp6, $4  }
0xb4: {  	[spmem:s3] =	stream.indirect.scatter.add.f32 [tilespmem:s30], [sflag:$0x1], $0x28, s29, s29, $0xb8;
	[tilespmem:$0x1FC50] =	vst v63  }
0xb5: {  	_ =	swait.ge [sflag:s28], $0xA00  }
0xb6: {  	[sflag:s28] =	ssyncset.done $0x0  }
0xb7: {  	s7 =	sadd.s32 $0x0, s16;
	[sflag:s28] =	ssyncadd.s32 $0xFFFFF600  }
0xb8: {  	s0 =	simm.s32 $0x0  }
0xb9: {  	[tilespmem:s0], [sflag:$0x1] =	stream.linear.gather [hbm4b:s7+s0], $0x40, $0x38;
	[tilespmem:$0x1FC50] =	vst v63  }
0xba: {  	_ =	swait.ge [sflag:s28], $0x40  }
0xbb: {  	[sflag:s28] =	ssyncset.done $0x0  }
0xbc: {  	s4 =	sadd.s32 $0x0, s15;
	[sflag:s28] =	ssyncadd.s32 $0xFFFFFFC0  }
0xbd: {  	[tilespmem:s29], [sflag:$0x1] =	stream.linear.gather [hbm4b:s4+s0], $0x40, $0x38;
	[tilespmem:$0x1FC50] =	vst v63  }
0xbe: {  	_ =	swait.ge [sflag:s28], $0x40  }
0xbf: {  	[sflag:s28] =	ssyncset.done $0x0  }
0xc0: {  	[sflag:s28] =	ssyncadd.s32 $0xFFFFFFC0  }
0xc1: {  	[tilespmem:s30], [sflag:$0x1] =	stream.indirect.gather [hbm4b:s1+s29], $0x28, s0, s29, $0xb8;
	[tilespmem:$0x1FC50] =	vst v63  }
0xc2: {  	p1 =	por $0x1, $0x1;
	_ =	swait.ge [sflag:s28], $0xA00  }
.Ltmp7:
0xc3: {  	[sflag:s28] =	ssyncset.done $0x0;
	(pc) =	sbr.rel @!p1 .LBB2_13-.Ltmp7, $4  }
0xc4: {  	[sflag:s28] =	ssyncadd.s32 $0xFFFFF600  }
0xc5: {  	[spmem:s3] =	stream.indirect.scatter.add.f32 [tilespmem:s30], [sflag:$0x1], $0x28, s29, s29, $0xb8;
	[tilespmem:$0x1FC50] =	vst v63  }
0xc6: {  	s5 =	simm.s32 $0x10;
	_ =	swait.ge [sflag:s28], $0xA00  }
0xc7: {  	p0 =	por $0x1, $0x1;
	s7 =	sadd.s32 $0x8, s16;
	[sflag:s28] =	ssyncset.done $0x0  }
.LBB2_14:
0xc8: {  	s4 =	sadd.s32 s5, s16;
	[sflag:s28] =	ssyncadd.s32 $0xFFFFF600;
	s6 =	smov.u32 s5  }
0xc9: {  	[tilespmem:s0], [sflag:$0x1] =	stream.linear.gather [hbm4b:s7+s0], $0x40, $0x38;
	[tilespmem:$0x1FC50] =	vst v63  }
0xca: {  	p1 =	sne.s32 s5, $0x308;
	s5 =	sadd.s32 $0x8, s5;
	_ =	swait.ge [sflag:s28], $0x40  }
0xcb: {  	s7 =	smov.u32 s4;
	[sflag:s28] =	ssyncset.done $0x0  }
0xcc: {  	s4 =	sadd.s32 s2, s15;
	s2 =	smov.u32 s6;
	[sflag:s28] =	ssyncadd.s32 $0xFFFFFFC0  }
0xcd: {  	[tilespmem:s29], [sflag:$0x1] =	stream.linear.gather [hbm4b:s4+s0], $0x40, $0x38;
	[tilespmem:$0x1FC50] =	vst v63  }
0xce: {  	_ =	swait.ge [sflag:s28], $0x40  }
0xcf: {  	[sflag:s28] =	ssyncset.done $0x0  }
0xd0: {  	[sflag:s28] =	ssyncadd.s32 $0xFFFFFFC0  }
0xd1: {  	[tilespmem:s30], [sflag:$0x1] =	stream.indirect.gather [hbm4b:s1+s29], $0x28, s0, s29, $0xb8;
	[tilespmem:$0x1FC50] =	vst v63  }
0xd2: {  	_ =	swait.ge [sflag:s28], $0xA00  }
.Ltmp8:
0xd3: {  	[sflag:s28] =	ssyncset.done $0x0;
	(pc) =	sbr.rel @p1 .LBB2_14-.Ltmp8, $4  }
0xd4: {  	[sflag:s28] =	ssyncadd.s32 $0xFFFFF600  }
0xd5: {  	[spmem:s3] =	stream.indirect.scatter.add.f32 [tilespmem:s30], [sflag:$0x1], $0x28, s29, s29, $0xb8;
	[tilespmem:$0x1FC50] =	vst v63  }
0xd6: {  	_ =	swait.ge [sflag:s28], $0xA00  }
0xd7: {  	[sflag:s28] =	ssyncset.done $0x0  }
0xd8: {  	s0 =	smov.u32 s2  }
.LBB2_16:
0xd9: {  	s5 =	simm.s32 $0x0;
	[sflag:s28] =	ssyncadd.s32 @p0 $0xFFFFF600  }
0xda: {  	[tilespmem:s5], [sflag:$0x1] =	stream.linear.gather [hbm4b:s7+s5], $0x40, $0x38;
	[tilespmem:$0x1FC50] =	vst v63  }
0xdb: {  	_ =	swait.ge [sflag:s28], $0x40  }
0xdc: {  	[sflag:s28] =	ssyncset.done $0x0  }
0xdd: {  	s0 =	sadd.s32 s0, s15;
	[sflag:s28] =	ssyncadd.s32 $0xFFFFFFC0  }
0xde: {  	[tilespmem:s29], [sflag:$0x1] =	stream.linear.gather [hbm4b:s0+s5], $0x40, $0x38;
	[tilespmem:$0x1FC50] =	vst v63  }
0xdf: {  	_ =	swait.ge [sflag:s28], $0x40  }
0xe0: {  	[sflag:s28] =	ssyncset.done $0x0  }
0xe1: {  	[sflag:s28] =	ssyncadd.s32 $0xFFFFFFC0  }
0xe2: {  	[tilespmem:s30], [sflag:$0x1] =	stream.indirect.gather [hbm4b:s1+s29], $0x28, s5, s29, $0xb8;
	[tilespmem:$0x1FC50] =	vst v63  }
0xe3: {  	_ =	swait.ge [sflag:s28], $0xA00  }
0xe4: {  	p1 =	por $0x1, $0x1;
	[sflag:s28] =	ssyncset.done $0x0  }
.Ltmp9:
0xe5: {  	[sflag:s28] =	ssyncadd.s32 $0xFFFFF600;
	(pc) =	sbr.rel @!p1 .LBB2_20-.Ltmp9, $4  }
0xe6: {  	[spmem:s3] =	stream.indirect.scatter.add.f32 [tilespmem:s30], [sflag:$0x1], $0x28, s29, s29, $0xb8;
	[tilespmem:$0x1FC50] =	vst v63  }
0xe7: {  	_ =	swait.ge [sflag:s28], $0xA00  }
0xe8: {  	s2 =	simm.s32 $0x8;
	p0 =	por $0x0, $0x0;
	[sflag:s28] =	ssyncset.done $0x0  }
0xe9: {  	p2 =	por $0x0, $0x0;
	s0 =	simm.s32 $0x0;
	[sflag:s28] =	ssyncadd.s32 $0xFFFFF600  }
0xea: {  	s0 =	sadd.s32 $0x0, s18  }
0xeb: {  	[tilespmem:s5], [sflag:$0x1] =	stream.linear.gather [hbm4b:s0+s5], $0x40, $0x38;
	[tilespmem:$0x1FC50] =	vst v63  }
0xec: {  	_ =	swait.ge [sflag:s28], $0x40  }
0xed: {  	[sflag:s28] =	ssyncset.done $0x0  }
0xee: {  	s31 =	sadd.s32 $0x0, s17;
	[sflag:s28] =	ssyncadd.s32 $0xFFFFFFC0  }
0xef: {  	[tilespmem:s29], [sflag:$0x1] =	stream.linear.gather [hbm4b:s31+s5], $0x40, $0x38;
	[tilespmem:$0x1FC50] =	vst v63  }
0xf0: {  	_ =	swait.ge [sflag:s28], $0x40  }
0xf1: {  	[sflag:s28] =	ssyncset.done $0x0  }
0xf2: {  	[sflag:s28] =	ssyncadd.s32 $0xFFFFFFC0  }
0xf3: {  	[tilespmem:s30], [sflag:$0x1] =	stream.indirect.gather [hbm4b:s1+s29], $0x28, s5, s29, $0xb8;
	[tilespmem:$0x1FC50] =	vst v63  }
0xf4: {  	p3 =	por $0x1, $0x1;
	_ =	swait.ge [sflag:s28], $0xA00  }
.Ltmp10:
0xf5: {  	[sflag:s28] =	ssyncset.done $0x0;
	(pc) =	sbr.rel @!p3 .LBB2_18-.Ltmp10, $4  }
0xf6: {  	[sflag:s28] =	ssyncadd.s32 $0xFFFFF600  }
0xf7: {  	[spmem:s3] =	stream.indirect.scatter.add.f32 [tilespmem:s30], [sflag:$0x1], $0x28, s29, s29, $0xb8;
	[tilespmem:$0x1FC50] =	vst v63  }
0xf8: {  	s7 =	simm.s32 $0x10;
	_ =	swait.ge [sflag:s28], $0xA00  }
0xf9: {  	p2 =	por $0x1, $0x1;
	s0 =	simm.s32 $0x8;
	[sflag:s28] =	ssyncset.done $0x0  }
.LBB2_19:
0xfa: {  	s4 =	sadd.s32 s0, s18  }
0xfb: {  	[sflag:s28] =	ssyncadd.s32 $0xFFFFF600;
	s6 =	smov.u32 s7;
	s31 =	sadd.s32 $0x8, s7  }
0xfc: {  	[tilespmem:s5], [sflag:$0x1] =	stream.linear.gather [hbm4b:s4+s5], $0x40, $0x38;
	[tilespmem:$0x1FC50] =	vst v63  }
0xfd: {  	p3 =	sne.s32 s7, $0x308;
	_ =	swait.ge [sflag:s28], $0x40  }
0xfe: {  	[sflag:s28] =	ssyncset.done $0x0  }
0xff: {  	s4 =	sadd.s32 s0, s17;
	s0 =	smov.u32 s6;
	[sflag:s28] =	ssyncadd.s32 $0xFFFFFFC0  }
0x100: {  	[tilespmem:s29], [sflag:$0x1] =	stream.linear.gather [hbm4b:s4+s5], $0x40, $0x38;
	[tilespmem:$0x1FC50] =	vst v63  }
0x101: {  	_ =	swait.ge [sflag:s28], $0x40  }
0x102: {  	[sflag:s28] =	ssyncset.done $0x0  }
0x103: {  	[sflag:s28] =	ssyncadd.s32 $0xFFFFFFC0  }
0x104: {  	[tilespmem:s30], [sflag:$0x1] =	stream.indirect.gather [hbm4b:s1+s29], $0x28, s5, s29, $0xb8;
	[tilespmem:$0x1FC50] =	vst v63  }
0x105: {  	_ =	swait.ge [sflag:s28], $0xA00  }
.Ltmp11:
0x106: {  	[sflag:s28] =	ssyncset.done $0x0;
	(pc) =	sbr.rel @p3 .LBB2_19-.Ltmp11, $4  }
0x107: {  	[sflag:s28] =	ssyncadd.s32 $0xFFFFF600  }
0x108: {  	[spmem:s3] =	stream.indirect.scatter.add.f32 [tilespmem:s30], [sflag:$0x1], $0x28, s29, s29, $0xb8;
	[tilespmem:$0x1FC50] =	vst v63  }
0x109: {  	_ =	swait.ge [sflag:s28], $0xA00  }
0x10a: {  	s7 =	smov.u32 s31;
	[sflag:s28] =	ssyncset.done $0x0  }
.LBB2_20:
0x10b: {  	s4 =	sadd.s32 s0, s18;
	[sflag:s28] =	ssyncadd.s32 @p2 $0xFFFFF600  }
0x10c: {  	[tilespmem:s5], [sflag:$0x1] =	stream.linear.gather [hbm4b:s4+s5], $0x40, $0x38;
	[tilespmem:$0x1FC50] =	vst v63  }
0x10d: {  	_ =	swait.ge [sflag:s28], $0x40  }
0x10e: {  	[sflag:s28] =	ssyncset.done $0x0  }
0x10f: {  	s31 =	sadd.s32 s0, s17;
	[sflag:s28] =	ssyncadd.s32 $0xFFFFFFC0  }
0x110: {  	[tilespmem:s29], [sflag:$0x1] =	stream.linear.gather [hbm4b:s31+s5], $0x40, $0x38;
	[tilespmem:$0x1FC50] =	vst v63  }
0x111: {  	_ =	swait.ge [sflag:s28], $0x40  }
0x112: {  	[sflag:s28] =	ssyncset.done $0x0  }
0x113: {  	[sflag:s28] =	ssyncadd.s32 $0xFFFFFFC0  }
0x114: {  	[tilespmem:s30], [sflag:$0x1] =	stream.indirect.gather [hbm4b:s1+s29], $0x28, s5, s29, $0xb8;
	[tilespmem:$0x1FC50] =	vst v63  }
0x115: {  	_ =	swait.ge [sflag:s28], $0xA00  }
0x116: {  	[sflag:s28] =	ssyncset.done $0x0  }
.Ltmp12:
0x117: {  	[sflag:s28] =	ssyncadd.s32 $0xFFFFF600;
	(pc) =	sbr.rel @!p1 .LBB2_25-.Ltmp12, $4  }
0x118: {  	[spmem:s3] =	stream.indirect.scatter.add.f32 [tilespmem:s30], [sflag:$0x1], $0x28, s29, s29, $0xb8;
	[tilespmem:$0x1FC50] =	vst v63  }
0x119: {  	_ =	swait.ge [sflag:s28], $0xA00  }
0x11a: {  	[sflag:s28] =	ssyncset.done $0x0  }
0x11b: {  	s7 =	sadd.s32 $0x0, s20;
	[sflag:s28] =	ssyncadd.s32 $0xFFFFF600  }
0x11c: {  	s0 =	simm.s32 $0x0  }
0x11d: {  	[tilespmem:s0], [sflag:$0x1] =	stream.linear.gather [hbm4b:s7+s0], $0x40, $0x38;
	[tilespmem:$0x1FC50] =	vst v63  }
0x11e: {  	_ =	swait.ge [sflag:s28], $0x40  }
0x11f: {  	[sflag:s28] =	ssyncset.done $0x0  }
0x120: {  	s4 =	sadd.s32 $0x0, s19;
	[sflag:s28] =	ssyncadd.s32 $0xFFFFFFC0  }
0x121: {  	[tilespmem:s29], [sflag:$0x1] =	stream.linear.gather [hbm4b:s4+s0], $0x40, $0x38;
	[tilespmem:$0x1FC50] =	vst v63  }
0x122: {  	_ =	swait.ge [sflag:s28], $0x40  }
0x123: {  	[sflag:s28] =	ssyncset.done $0x0  }
0x124: {  	[sflag:s28] =	ssyncadd.s32 $0xFFFFFFC0  }
0x125: {  	[tilespmem:s30], [sflag:$0x1] =	stream.indirect.gather [hbm4b:s1+s29], $0x28, s0, s29, $0xb8;
	[tilespmem:$0x1FC50] =	vst v63  }
0x126: {  	p1 =	por $0x1, $0x1;
	_ =	swait.ge [sflag:s28], $0xA00  }
.Ltmp13:
0x127: {  	[sflag:s28] =	ssyncset.done $0x0;
	(pc) =	sbr.rel @!p1 .LBB2_22-.Ltmp13, $4  }
0x128: {  	[sflag:s28] =	ssyncadd.s32 $0xFFFFF600  }
0x129: {  	[spmem:s3] =	stream.indirect.scatter.add.f32 [tilespmem:s30], [sflag:$0x1], $0x28, s29, s29, $0xb8;
	[tilespmem:$0x1FC50] =	vst v63  }
0x12a: {  	s5 =	simm.s32 $0x10;
	_ =	swait.ge [sflag:s28], $0xA00  }
0x12b: {  	p0 =	por $0x1, $0x1;
	s7 =	sadd.s32 $0x8, s20;
	[sflag:s28] =	ssyncset.done $0x0  }
.LBB2_23:
0x12c: {  	s4 =	sadd.s32 s5, s20;
	[sflag:s28] =	ssyncadd.s32 $0xFFFFF600;
	s6 =	smov.u32 s5  }
0x12d: {  	[tilespmem:s0], [sflag:$0x1] =	stream.linear.gather [hbm4b:s7+s0], $0x40, $0x38;
	[tilespmem:$0x1FC50] =	vst v63  }
0x12e: {  	p1 =	sne.s32 s5, $0x308;
	s5 =	sadd.s32 $0x8, s5;
	_ =	swait.ge [sflag:s28], $0x40  }
0x12f: {  	s7 =	smov.u32 s4;
	[sflag:s28] =	ssyncset.done $0x0  }
0x130: {  	s4 =	sadd.s32 s2, s19;
	s2 =	smov.u32 s6;
	[sflag:s28] =	ssyncadd.s32 $0xFFFFFFC0  }
0x131: {  	[tilespmem:s29], [sflag:$0x1] =	stream.linear.gather [hbm4b:s4+s0], $0x40, $0x38;
	[tilespmem:$0x1FC50] =	vst v63  }
0x132: {  	_ =	swait.ge [sflag:s28], $0x40  }
0x133: {  	[sflag:s28] =	ssyncset.done $0x0  }
0x134: {  	[sflag:s28] =	ssyncadd.s32 $0xFFFFFFC0  }
0x135: {  	[tilespmem:s30], [sflag:$0x1] =	stream.indirect.gather [hbm4b:s1+s29], $0x28, s0, s29, $0xb8;
	[tilespmem:$0x1FC50] =	vst v63  }
0x136: {  	_ =	swait.ge [sflag:s28], $0xA00  }
.Ltmp14:
0x137: {  	[sflag:s28] =	ssyncset.done $0x0;
	(pc) =	sbr.rel @p1 .LBB2_23-.Ltmp14, $4  }
0x138: {  	[sflag:s28] =	ssyncadd.s32 $0xFFFFF600  }
0x139: {  	[spmem:s3] =	stream.indirect.scatter.add.f32 [tilespmem:s30], [sflag:$0x1], $0x28, s29, s29, $0xb8;
	[tilespmem:$0x1FC50] =	vst v63  }
0x13a: {  	_ =	swait.ge [sflag:s28], $0xA00  }
0x13b: {  	[sflag:s28] =	ssyncset.done $0x0  }
0x13c: {  	s5 =	smov.u32 s2  }
.LBB2_25:
0x13d: {  	s0 =	simm.s32 $0x0;
	[sflag:s28] =	ssyncadd.s32 @p0 $0xFFFFF600  }
0x13e: {  	[tilespmem:s0], [sflag:$0x1] =	stream.linear.gather [hbm4b:s7+s0], $0x40, $0x38;
	[tilespmem:$0x1FC50] =	vst v63  }
0x13f: {  	_ =	swait.ge [sflag:s28], $0x40  }
0x140: {  	[sflag:s28] =	ssyncset.done $0x0  }
0x141: {  	s2 =	sadd.s32 s5, s19;
	[sflag:s28] =	ssyncadd.s32 $0xFFFFFFC0  }
0x142: {  	[tilespmem:s29], [sflag:$0x1] =	stream.linear.gather [hbm4b:s2+s0], $0x40, $0x38;
	[tilespmem:$0x1FC50] =	vst v63  }
0x143: {  	_ =	swait.ge [sflag:s28], $0x40  }
0x144: {  	[sflag:s28] =	ssyncset.done $0x0  }
0x145: {  	[sflag:s28] =	ssyncadd.s32 $0xFFFFFFC0  }
0x146: {  	[tilespmem:s30], [sflag:$0x1] =	stream.indirect.gather [hbm4b:s1+s29], $0x28, s0, s29, $0xb8;
	[tilespmem:$0x1FC50] =	vst v63  }
0x147: {  	_ =	swait.ge [sflag:s28], $0xA00  }
0x148: {  	p1 =	por $0x1, $0x1;
	[sflag:s28] =	ssyncset.done $0x0  }
.Ltmp15:
0x149: {  	[sflag:s28] =	ssyncadd.s32 $0xFFFFF600;
	(pc) =	sbr.rel @!p1 .LBB2_29-.Ltmp15, $4  }
0x14a: {  	[spmem:s3] =	stream.indirect.scatter.add.f32 [tilespmem:s30], [sflag:$0x1], $0x28, s29, s29, $0xb8;
	[tilespmem:$0x1FC50] =	vst v63  }
0x14b: {  	_ =	swait.ge [sflag:s28], $0xA00  }
0x14c: {  	p0 =	por $0x0, $0x0;
	s5 =	simm.s32 $0x0;
	[sflag:s28] =	ssyncset.done $0x0  }
0x14d: {  	p2 =	por $0x0, $0x0;
	s2 =	simm.s32 $0x8;
	[sflag:s28] =	ssyncadd.s32 $0xFFFFF600  }
0x14e: {  	s4 =	sadd.s32 $0x0, s22  }
0x14f: {  	[tilespmem:s0], [sflag:$0x1] =	stream.linear.gather [hbm4b:s4+s0], $0x40, $0x38;
	[tilespmem:$0x1FC50] =	vst v63  }
0x150: {  	_ =	swait.ge [sflag:s28], $0x40  }
0x151: {  	[sflag:s28] =	ssyncset.done $0x0  }
0x152: {  	s31 =	sadd.s32 $0x0, s21;
	[sflag:s28] =	ssyncadd.s32 $0xFFFFFFC0  }
0x153: {  	[tilespmem:s29], [sflag:$0x1] =	stream.linear.gather [hbm4b:s31+s0], $0x40, $0x38;
	[tilespmem:$0x1FC50] =	vst v63  }
0x154: {  	_ =	swait.ge [sflag:s28], $0x40  }
0x155: {  	[sflag:s28] =	ssyncset.done $0x0  }
0x156: {  	[sflag:s28] =	ssyncadd.s32 $0xFFFFFFC0  }
0x157: {  	[tilespmem:s30], [sflag:$0x1] =	stream.indirect.gather [hbm4b:s1+s29], $0x28, s0, s29, $0xb8;
	[tilespmem:$0x1FC50] =	vst v63  }
0x158: {  	p3 =	por $0x1, $0x1;
	_ =	swait.ge [sflag:s28], $0xA00  }
.Ltmp16:
0x159: {  	[sflag:s28] =	ssyncset.done $0x0;
	(pc) =	sbr.rel @!p3 .LBB2_27-.Ltmp16, $4  }
0x15a: {  	[sflag:s28] =	ssyncadd.s32 $0xFFFFF600  }
0x15b: {  	[spmem:s3] =	stream.indirect.scatter.add.f32 [tilespmem:s30], [sflag:$0x1], $0x28, s29, s29, $0xb8;
	[tilespmem:$0x1FC50] =	vst v63  }
0x15c: {  	s7 =	simm.s32 $0x10;
	_ =	swait.ge [sflag:s28], $0xA00  }
0x15d: {  	p2 =	por $0x1, $0x1;
	s5 =	simm.s32 $0x8;
	[sflag:s28] =	ssyncset.done $0x0  }
.LBB2_28:
0x15e: {  	s4 =	sadd.s32 s5, s22  }
0x15f: {  	[sflag:s28] =	ssyncadd.s32 $0xFFFFF600;
	s6 =	smov.u32 s7;
	s31 =	sadd.s32 $0x8, s7  }
0x160: {  	[tilespmem:s0], [sflag:$0x1] =	stream.linear.gather [hbm4b:s4+s0], $0x40, $0x38;
	[tilespmem:$0x1FC50] =	vst v63  }
0x161: {  	p3 =	sne.s32 s7, $0x308;
	_ =	swait.ge [sflag:s28], $0x40  }
0x162: {  	[sflag:s28] =	ssyncset.done $0x0  }
0x163: {  	s4 =	sadd.s32 s5, s21;
	s5 =	smov.u32 s6;
	[sflag:s28] =	ssyncadd.s32 $0xFFFFFFC0  }
0x164: {  	[tilespmem:s29], [sflag:$0x1] =	stream.linear.gather [hbm4b:s4+s0], $0x40, $0x38;
	[tilespmem:$0x1FC50] =	vst v63  }
0x165: {  	_ =	swait.ge [sflag:s28], $0x40  }
0x166: {  	[sflag:s28] =	ssyncset.done $0x0  }
0x167: {  	[sflag:s28] =	ssyncadd.s32 $0xFFFFFFC0  }
0x168: {  	[tilespmem:s30], [sflag:$0x1] =	stream.indirect.gather [hbm4b:s1+s29], $0x28, s0, s29, $0xb8;
	[tilespmem:$0x1FC50] =	vst v63  }
0x169: {  	_ =	swait.ge [sflag:s28], $0xA00  }
.Ltmp17:
0x16a: {  	[sflag:s28] =	ssyncset.done $0x0;
	(pc) =	sbr.rel @p3 .LBB2_28-.Ltmp17, $4  }
0x16b: {  	[sflag:s28] =	ssyncadd.s32 $0xFFFFF600  }
0x16c: {  	[spmem:s3] =	stream.indirect.scatter.add.f32 [tilespmem:s30], [sflag:$0x1], $0x28, s29, s29, $0xb8;
	[tilespmem:$0x1FC50] =	vst v63  }
0x16d: {  	_ =	swait.ge [sflag:s28], $0xA00  }
0x16e: {  	s7 =	smov.u32 s31;
	[sflag:s28] =	ssyncset.done $0x0  }
.LBB2_29:
0x16f: {  	s4 =	sadd.s32 s5, s22;
	[sflag:s28] =	ssyncadd.s32 @p2 $0xFFFFF600  }
0x170: {  	[tilespmem:s0], [sflag:$0x1] =	stream.linear.gather [hbm4b:s4+s0], $0x40, $0x38;
	[tilespmem:$0x1FC50] =	vst v63  }
0x171: {  	_ =	swait.ge [sflag:s28], $0x40  }
0x172: {  	[sflag:s28] =	ssyncset.done $0x0  }
0x173: {  	s31 =	sadd.s32 s5, s21;
	[sflag:s28] =	ssyncadd.s32 $0xFFFFFFC0  }
0x174: {  	[tilespmem:s29], [sflag:$0x1] =	stream.linear.gather [hbm4b:s31+s0], $0x40, $0x38;
	[tilespmem:$0x1FC50] =	vst v63  }
0x175: {  	_ =	swait.ge [sflag:s28], $0x40  }
0x176: {  	[sflag:s28] =	ssyncset.done $0x0  }
0x177: {  	[sflag:s28] =	ssyncadd.s32 $0xFFFFFFC0  }
0x178: {  	[tilespmem:s30], [sflag:$0x1] =	stream.indirect.gather [hbm4b:s1+s29], $0x28, s0, s29, $0xb8;
	[tilespmem:$0x1FC50] =	vst v63  }
0x179: {  	_ =	swait.ge [sflag:s28], $0xA00  }
0x17a: {  	[sflag:s28] =	ssyncset.done $0x0  }
.Ltmp18:
0x17b: {  	[sflag:s28] =	ssyncadd.s32 $0xFFFFF600;
	(pc) =	sbr.rel @!p1 .LBB2_34-.Ltmp18, $4  }
0x17c: {  	[spmem:s3] =	stream.indirect.scatter.add.f32 [tilespmem:s30], [sflag:$0x1], $0x28, s29, s29, $0xb8;
	[tilespmem:$0x1FC50] =	vst v63  }
0x17d: {  	_ =	swait.ge [sflag:s28], $0xA00  }
0x17e: {  	[sflag:s28] =	ssyncset.done $0x0  }
0x17f: {  	s7 =	sadd.s32 $0x0, s23;
	[sflag:s28] =	ssyncadd.s32 $0xFFFFF600  }
0x180: {  	s0 =	simm.s32 $0x0  }
0x181: {  	[tilespmem:s0], [sflag:$0x1] =	stream.linear.gather [hbm4b:s7+s0], $0x40, $0x38;
	[tilespmem:$0x1FC50] =	vst v63  }
0x182: {  	_ =	swait.ge [sflag:s28], $0x40  }
0x183: {  	[sflag:s28] =	ssyncset.done $0x0  }
0x184: {  	s4 =	sadd.s32 $0x0, s25;
	[sflag:s28] =	ssyncadd.s32 $0xFFFFFFC0  }
0x185: {  	[tilespmem:s29], [sflag:$0x1] =	stream.linear.gather [hbm4b:s4+s0], $0x40, $0x38;
	[tilespmem:$0x1FC50] =	vst v63  }
0x186: {  	_ =	swait.ge [sflag:s28], $0x40  }
0x187: {  	[sflag:s28] =	ssyncset.done $0x0  }
0x188: {  	[sflag:s28] =	ssyncadd.s32 $0xFFFFFFC0  }
0x189: {  	[tilespmem:s30], [sflag:$0x1] =	stream.indirect.gather [hbm4b:s1+s29], $0x28, s0, s29, $0xb8;
	[tilespmem:$0x1FC50] =	vst v63  }
0x18a: {  	p1 =	por $0x1, $0x1;
	_ =	swait.ge [sflag:s28], $0xA00  }
.Ltmp19:
0x18b: {  	[sflag:s28] =	ssyncset.done $0x0;
	(pc) =	sbr.rel @!p1 .LBB2_31-.Ltmp19, $4  }
0x18c: {  	[sflag:s28] =	ssyncadd.s32 $0xFFFFF600  }
0x18d: {  	[spmem:s3] =	stream.indirect.scatter.add.f32 [tilespmem:s30], [sflag:$0x1], $0x28, s29, s29, $0xb8;
	[tilespmem:$0x1FC50] =	vst v63  }
0x18e: {  	s5 =	simm.s32 $0x10;
	_ =	swait.ge [sflag:s28], $0xA00  }
0x18f: {  	p0 =	por $0x1, $0x1;
	s7 =	sadd.s32 $0x8, s23;
	[sflag:s28] =	ssyncset.done $0x0  }
.LBB2_32:
0x190: {  	s4 =	sadd.s32 s5, s23;
	[sflag:s28] =	ssyncadd.s32 $0xFFFFF600;
	s6 =	smov.u32 s5  }
0x191: {  	[tilespmem:s0], [sflag:$0x1] =	stream.linear.gather [hbm4b:s7+s0], $0x40, $0x38;
	[tilespmem:$0x1FC50] =	vst v63  }
0x192: {  	p1 =	sne.s32 s5, $0x308;
	s5 =	sadd.s32 $0x8, s5;
	_ =	swait.ge [sflag:s28], $0x40  }
0x193: {  	s7 =	smov.u32 s4;
	[sflag:s28] =	ssyncset.done $0x0  }
0x194: {  	s4 =	sadd.s32 s2, s25;
	s2 =	smov.u32 s6;
	[sflag:s28] =	ssyncadd.s32 $0xFFFFFFC0  }
0x195: {  	[tilespmem:s29], [sflag:$0x1] =	stream.linear.gather [hbm4b:s4+s0], $0x40, $0x38;
	[tilespmem:$0x1FC50] =	vst v63  }
0x196: {  	_ =	swait.ge [sflag:s28], $0x40  }
0x197: {  	[sflag:s28] =	ssyncset.done $0x0  }
0x198: {  	[sflag:s28] =	ssyncadd.s32 $0xFFFFFFC0  }
0x199: {  	[tilespmem:s30], [sflag:$0x1] =	stream.indirect.gather [hbm4b:s1+s29], $0x28, s0, s29, $0xb8;
	[tilespmem:$0x1FC50] =	vst v63  }
0x19a: {  	_ =	swait.ge [sflag:s28], $0xA00  }
.Ltmp20:
0x19b: {  	[sflag:s28] =	ssyncset.done $0x0;
	(pc) =	sbr.rel @p1 .LBB2_32-.Ltmp20, $4  }
0x19c: {  	[sflag:s28] =	ssyncadd.s32 $0xFFFFF600  }
0x19d: {  	[spmem:s3] =	stream.indirect.scatter.add.f32 [tilespmem:s30], [sflag:$0x1], $0x28, s29, s29, $0xb8;
	[tilespmem:$0x1FC50] =	vst v63  }
0x19e: {  	_ =	swait.ge [sflag:s28], $0xA00  }
0x19f: {  	[sflag:s28] =	ssyncset.done $0x0  }
0x1a0: {  	s0 =	smov.u32 s2  }
.LBB2_34:
0x1a1: {  	s2 =	simm.s32 $0x0;
	[sflag:s28] =	ssyncadd.s32 @p0 $0xFFFFF600  }
0x1a2: {  	[tilespmem:s2], [sflag:$0x1] =	stream.linear.gather [hbm4b:s7+s2], $0x40, $0x38;
	[tilespmem:$0x1FC50] =	vst v63  }
0x1a3: {  	_ =	swait.ge [sflag:s28], $0x40  }
0x1a4: {  	[sflag:s28] =	ssyncset.done $0x0  }
0x1a5: {  	s0 =	sadd.s32 s0, s25;
	[sflag:s28] =	ssyncadd.s32 $0xFFFFFFC0  }
0x1a6: {  	[tilespmem:s29], [sflag:$0x1] =	stream.linear.gather [hbm4b:s0+s2], $0x40, $0x38;
	[tilespmem:$0x1FC50] =	vst v63  }
0x1a7: {  	_ =	swait.ge [sflag:s28], $0x40  }
0x1a8: {  	[sflag:s28] =	ssyncset.done $0x0  }
0x1a9: {  	[sflag:s28] =	ssyncadd.s32 $0xFFFFFFC0  }
0x1aa: {  	[tilespmem:s30], [sflag:$0x1] =	stream.indirect.gather [hbm4b:s1+s29], $0x28, s2, s29, $0xb8;
	[tilespmem:$0x1FC50] =	vst v63  }
0x1ab: {  	_ =	swait.ge [sflag:s28], $0xA00  }
0x1ac: {  	[sflag:s28] =	ssyncset.done $0x0  }
0x1ad: {  	p0 =	por $0x1, $0x1;
	[sflag:s28] =	ssyncadd.s32 $0xFFFFF600  }
0x1ae: {  	[spmem:s3] =	stream.indirect.scatter.add.f32 [tilespmem:s30], [sflag:$0x1], $0x28, s29, s29, $0xb8;
	[tilespmem:$0x1FC50] =	vst v63  }
.Ltmp21:
0x1af: {  	_ = 	snop;
	(pc) =	sbr.rel @!p0 .LBB2_36-.Ltmp21, $4  }
0x1b0: {  	_ =	swait.ge [sflag:s28], $0xA00  }
0x1b1: {  	[sflag:s28] =	ssyncset.done $0x0  }
0x1b2: {  	s5 =	simm.s32 $0x0;
	[sflag:s28] =	ssyncadd.s32 $0xFFFFF600  }
0x1b3: {  	s0 =	simm.s32 $0xA0;
	s6 =	rddreg [dreg:$0x5];
	[tilespmem:s5+$0x90] =	vst v1  }
.LBB2_35:
0x1b4: {  	p0 =	sne.s32 s0, $0x2760;
	[tilespmem:s5+$0x98] =	vst v1;
	s4 =	smov.u32 s0;
	s0 =	sadd.s32 $0xA0, s0  }
.Ltmp22:
0x1b5: {  	[tilespmem:s5+$0x80] =	vst v1;
	(pc) =	sbr.rel @p0 .LBB2_35-.Ltmp22, $3  }
0x1b6: {  	_ =	sdelay $0x1  }
0x1b7: {  	s5 =	sshra.s32 s4, $0x2  }
0x1b8: {  	[tilespmem:s5+$0x90] =	vst v1  }
.LBB2_36:
0x1b9: {  	[tilespmem:s5+$0x98] =	vst v1  }
0x1ba: {  	[tilespmem:s5+$0x80] =	vst v1  }
0x1bb: {  	[tilespmem:$0x40] =	vst v0  }
0x1bc: {  	[tilespmem:$0x50] =	vst v0  }
0x1bd: {  	[tilespmem:$0x60] =	vst v0  }
0x1be: {  	[tilespmem:$0x70] =	vst v0  }
0x1bf: {  	[spmem:s3] =	stream.indirect.scatter.add.f32 [tilespmem:s30], [sflag:$0x1], $0x28, s29, s29, $0xb8;
	[tilespmem:$0x1FC50] =	vst v63  }
0x1c0: {  	_ =	swait.ge [sflag:s28], $0xA00  }
0x1c1: {  	p0 =	por $0x0, $0x0;
	[sflag:s28] =	ssyncset.done $0x0  }
0x1c2: {  	s0 =	simm.s32 @!p0 $0x1228;
	s4 =	simm.s32 @!p0 $0x1;
	[sflag:s28] =	ssyncadd.s32 $0xFFFFF600  }
0x1c3: {  	[tilespmem:s0], [sflag:$0x1] =	stream.linear.gather @!p0 [spmem:s6], $0x28, $0x38;
	[tilespmem:$0x1FC50] =	vst v63  }
0x1c4: {  	_ =	swait.ge @!p0 [sflag:s4], $0x28  }
0x1c5: {  	[sflag:s4] =	ssyncset.done @!p0 $0x0  }
0x1c6: {  	[sflag:s4] =	ssyncadd.s32 @!p0 $0xFFFFFFD8  }
0x1c7: {  	v2 =	vld [tilespmem:$0x1228];
	_ =	sdelay $0x4  }
0x1c8: {  	(xrf0) =	vmax.scan.msk.f32 $0xffff, v2;
	_ =	sdelay $0x5  }
0x1c9: {  	v2, _, _ =	vpop (xrf0)  }
0x1ca: {  	(v2sf) =	vpush v2, $0xF;
	_ =	sdelay $0xe  }
0x1cb: {  	s31 =	spop (v2sf)  }
0x1cc: {  	s0 =	simm.s32 $0xFF;
	p1 =	sge.f32 s31, $6.350000000e+01  }
.LBB2_37:
0x1cd: {  	_ = 	snop  }
0x1ce: {  	s0 =	sadd.s32 $0xFFFFFFFF, s0;
	s2 =	simm.s32 @p1 $0x1  }
0x1cf: {  	p0 =	sne.s32 s0, $0x0;
	p1 =	sne.s32 s2, $0x0  }
0x1d0: {  	s4 =	simm.s32 @!p1 $0x1228;
	s5 =	simm.s32 @!p1 $0x1  }
0x1d1: {  	[tilespmem:s4], [sflag:$0x1] =	stream.linear.gather @!p1 [spmem:s6], $0x28, $0x38;
	[tilespmem:$0x1FC50] =	vst v63  }
0x1d2: {  	_ =	swait.ge @!p1 [sflag:s5], $0x28  }
0x1d3: {  	[sflag:s5] =	ssyncset.done @!p1 $0x0  }
0x1d4: {  	[sflag:s5] =	ssyncadd.s32 @!p1 $0xFFFFFFD8  }
0x1d5: {  	v2 =	vld [tilespmem:$0x1228];
	_ =	sdelay $0x4  }
0x1d6: {  	(xrf0) =	vmax.scan.msk.f32 $0xffff, v2;
	_ =	sdelay $0x5  }
0x1d7: {  	v2, _, _ =	vpop (xrf0)  }
0x1d8: {  	(v2sf) =	vpush v2, $0xF;
	_ =	sdelay $0xb  }
.Ltmp23:
0x1d9: {  	(pc) =	sbr.rel @p0 .LBB2_37-.Ltmp23, $3  }
0x1da: {  	_ =	sdelay $0x1  }
0x1db: {  	s4 =	spop (v2sf)  }
0x1dc: {  	p1 =	sge.f32 s4, $6.350000000e+01  }
0x1dd: {  	[bflag:$0x0] =	sbarrier.arrive $0xFFFF  }
0x1de: {  	[tilespmem:s26], [sflag:$0x1] =	stream.linear.gather [spmem:s8], $0x7A8, $0x38;
	[tilespmem:$0x1FC50] =	vst v63  }
0x1df: {  	_ =	swait.ge [sflag:s28], $0x7A8  }
0x1e0: {  	[sflag:s28] =	ssyncset.done $0x0  }
0x1e1: {  	s0 =	sadd.s32 $0x0, s24;
	s5 =	simm.s32 $0x0;
	[sflag:s28] =	ssyncadd.s32 $0xFFFFF858  }
0x1e2: {  	[hbm4b:s0+s5] =	stream.linear.scatter [tilespmem:s26], [sflag:$0x1], $0x7A8, $0x38;
	[tilespmem:$0x1FC50] =	vst v63  }
0x1e3: {  	_ =	swait.ge [sflag:s28], $0x7A8  }
0x1e4: {  	s2 =	smov.u32 s8;
	s0 =	simm.s32 $0xF5;
	[sflag:s28] =	ssyncset.done $0x0  }
.LBB2_39:
0x1e5: {  	p0 =	sne.s32 s0, $0x3C4B;
	[sflag:s28] =	ssyncadd.s32 $0xFFFFF858;
	s2 =	sadd.s32 $0x7A8, s2  }
0x1e6: {  	[tilespmem:s26], [sflag:$0x1] =	stream.linear.gather [spmem:s2], $0x7A8, $0x38;
	[tilespmem:$0x1FC50] =	vst v63  }
0x1e7: {  	s4 =	smov.u32 s0;
	s0 =	sadd.s32 $0xF5, s0;
	_ =	swait.ge [sflag:s28], $0x7A8  }
.Ltmp24:
0x1e8: {  	[sflag:s28] =	ssyncset.done $0x0;
	(pc) =	sbr.rel @p0 .LBB2_39-.Ltmp24, $4  }
0x1e9: {  	s4 =	sadd.s32 s4, s24;
	[sflag:s28] =	ssyncadd.s32 $0xFFFFF858  }
0x1ea: {  	[hbm4b:s4+s5] =	stream.linear.scatter [tilespmem:s26], [sflag:$0x1], $0x7A8, $0x38;
	[tilespmem:$0x1FC50] =	vst v63  }
0x1eb: {  	_ =	swait.ge [sflag:s28], $0x7A8  }
0x1ec: {  	[sflag:s28] =	ssyncset.done $0x0  }
0x1ed: {  	s2 =	rddreg [dreg:$0x7]  }
0x1ee: {  	s0 =	rddreg [dreg:$0x6];
	s2 =	sadd.s32 $0x1, s2  }
0x1ef: {  	p0 =	sne.s32 s2, s0  }
.Ltmp25:
0x1f0: {  	_ = 	snop;
	(pc) =	sbr.rel @p0 .LBB2_1-.Ltmp25, $4  }
.Ltmp26:
0x1f1: {  	_ = 	snop;
	(pc) =	sbr.rel @!p0 .LBB2_41-.Ltmp26, $4  }
0x1f2: {  	_ = 	snop  }
0x1f3: {  	_ = 	snop  }
0x1f4: {  	[sflag:s28] =	ssyncadd.s32 $0xFFFFF858  }
0x1f5: {  	_ = 	snop  }
.LBB2_9:
.Ltmp27:
0x1f6: {  	(pc) =	sbr.rel .LBB2_11-.Ltmp27, $2  }
0x1f7: {  	_ =	sdelay $0x2  }
0x1f8: {  	s5 =	simm.s32 $0x8  }
.LBB2_13:
.Ltmp28:
0x1f9: {  	(pc) =	sbr.rel .LBB2_16-.Ltmp28, $2  }
0x1fa: {  	_ =	sdelay $0x2  }
0x1fb: {  	s0 =	simm.s32 $0x8  }
.LBB2_18:
.Ltmp29:
0x1fc: {  	(pc) =	sbr.rel .LBB2_20-.Ltmp29, $2  }
0x1fd: {  	_ =	sdelay $0x2  }
0x1fe: {  	s0 =	simm.s32 $0x8  }
.LBB2_22:
.Ltmp30:
0x1ff: {  	(pc) =	sbr.rel .LBB2_25-.Ltmp30, $2  }
0x200: {  	_ =	sdelay $0x2  }
0x201: {  	s5 =	simm.s32 $0x8  }
.LBB2_27:
.Ltmp31:
0x202: {  	(pc) =	sbr.rel .LBB2_29-.Ltmp31, $2  }
0x203: {  	_ =	sdelay $0x2  }
0x204: {  	s5 =	simm.s32 $0x8  }
.LBB2_31:
.Ltmp32:
0x205: {  	(pc) =	sbr.rel .LBB2_34-.Ltmp32, $2  }
0x206: {  	_ =	sdelay $0x2  }
0x207: {  	s0 =	simm.s32 $0x8  }
.LBB2_41:
0x208: {  	_ =	sfence.sel $0x180000  }
0x209: {  	[bflag:$0x0] =	sbarrier.arrive $0xFFFF  }
0x20a: {  	_ =	strace $0x90000047  }
0x20b: {  	s0 =	stileid.u32;
	[bflag:$0x2] =	sbarrier.arrive $0xFFFF  }
0x20c: {  	p0 =	sne.s32 s0, $0x0;
	s0 =	rddreg [dreg:$0x3]  }
0x20d: {  	s0 =	sadd.s32 @!p0 $0x100000, s0  }
0x20e: {  	[sflag:s0] =	ssyncadd.tile.s32 @!p0 $0x1;
	_ =	shalt  }
.Lfunc_end2:
_tile_overlayer_lowered:
.L_overlay_start_2:
0x20f: {  	(tag) =	ssettag $0x2  }
0x210: {  	s0 =	rddreg [dreg:$0x0];
	s2 =	stileid.u32  }
0x211: {  	s1 =	rddreg [dreg:$0x1];
	p0 =	sne.s32 s2, $0x0  }
0x212: {  	s3 =	rddreg [dreg:$0x2];
	[bflag:$0x3] =	sbarrier.arrive $0xFFFF;
	s2 =	simm.s32 @!p0 $0x1C01  }
0x213: {  	[timem:s3], [sflag:s2] =	dma.local @!p0 [hbm:s0], s1  }
0x214: {  	s0 =	simm.s32 @!p0 $0x1  }
0x215: {  	_ =	swait.ge @!p0 [sflag:s0], s1  }
0x216: {  	s1 =	ssub.s32 @!p0 $0x0, s1;
	[sflag:s0] =	ssyncset.done @!p0 $0x0  }
0x217: {  	[sflag:s0] =	ssyncadd.s32 @!p0 s1  }
0x218: {  	[bflag:$0x3] =	sbarrier.arrive $0xFFFF  }
0x219: {  	_ =	shalt  }

</sc_bundles>
